<compile_context>
chip_gen: v7x
topology: tpu7x:2x2x1
jax: 0.10.2.dev20260603
libtpu: 0.0.44.dev20260713+nightly
codegen_flags: <defaults>
</compile_context>

<pallas_src>
import jax
import jax.numpy as jnp
from jax import lax
from jax.experimental import pallas as pl
from jax.experimental.pallas import tpu as pltpu
from jax.experimental.pallas import tpu_sc as plsc

_N_MAX = 20
_REG_WEIGHT = 0.01
_ROWS, _COLS = 128, 32768
_ROW_BLOCK = 16
_NSTEPS = _ROWS // _ROW_BLOCK

_NW = 16
_CHUNK = _COLS // _NW
_NGROUP = _CHUNK // 256
_NSLOT = 32
_BIG = 3.0e38



def _l1_body(t_ref, p_ref, l1_ref):
    step = pl.program_id(0)
    bsum = jnp.sum(jnp.abs(t_ref[...] - p_ref[...]))

    @pl.when(step == 0)
    def _init():
        l1_ref[...] = jnp.reshape(bsum, (1, 1))

    @pl.when(step != 0)
    def _acc():
        l1_ref[...] += jnp.reshape(bsum, (1, 1))

    @pl.when(step == _NSTEPS - 1)
    def _fin():
        l1_ref[...] = l1_ref[...] / float(_ROWS * _COLS)


def _l1_mean(target, pred):
    out = pl.pallas_call(
        _l1_body,
        grid=(_NSTEPS,),
        in_specs=[
            pl.BlockSpec((_ROW_BLOCK, _COLS), lambda i: (i, 0)),
            pl.BlockSpec((_ROW_BLOCK, _COLS), lambda i: (i, 0)),
        ],
        out_specs=pl.BlockSpec((1, 1), lambda i: (0, 0)),
        out_shape=jax.ShapeDtypeStruct((1, 1), jnp.float32),
        compiler_params=pltpu.CompilerParams(
            dimension_semantics=("arbitrary",),
        ),
    )(target, pred)
    return out[0, 0]



def _iota16():
    return lax.iota(jnp.int32, 16)


def _splat_f(x):
    return jnp.full((16,), x, dtype=jnp.float32)


def _splat_i(x):
    return jnp.full((16,), x, dtype=jnp.int32)


def _sqrt16(a):
    ai = plsc.bitcast(a, jnp.int32)
    x = plsc.bitcast((ai >> _splat_i(1)) + _splat_i(0x1FBD1DF5), jnp.float32)
    for _ in range(3):
        x = _splat_f(0.5) * (x + a / x)
    return x


def _argmax_pos(vec, m):
    return jnp.min(jnp.where(vec == m, _iota16(), _splat_i(9999)))


def _reg_body(lat_ref, r_ref, out_ref,
              chunk_v, rchunk_v, mval_v, mx_v, my_v, mz_v,
              xs_v, ys_v, zs_v,
              vstage_v, xstage_v, ystage_v, zstage_v, ostage_v,
              shval, shx, shy, shz):
    cid = lax.axis_index("c")
    sid = lax.axis_index("s")
    lane = _iota16()
    lane0 = lane == 0

    @pl.when(cid == 0)
    def _local():
        base = sid * _CHUNK
        pltpu.sync_copy(lat_ref.at[pl.ds(base, _CHUNK)], chunk_v)
        for c in range(3):
            pltpu.sync_copy(r_ref.at[pl.ds(c, 1), pl.ds(base, _CHUNK)],
                            rchunk_v.at[pl.ds(c, 1)])

        g_list = []
        for g in range(_NGROUP):
            acc = chunk_v[pl.ds(g * 256, 16)]
            for j in range(1, 16):
                acc = jnp.maximum(acc, chunk_v[pl.ds(g * 256 + j * 16, 16)])
            g_list.append(acc)

        def _round(k, carry):
            pv0, pv1, pi0, pi1, *gs = carry
            mall = gs[0]
            for g in range(1, _NGROUP):
                mall = jnp.maximum(mall, gs[g])
            m = jnp.max(mall)
            g_star = jnp.int32(9999)
            for g in range(_NGROUP):
                hit = jnp.max(jnp.where(gs[g] == m, _splat_i(1), _splat_i(0)))
                g_star = jnp.minimum(
                    g_star, jnp.where(hit > 0, jnp.int32(g), jnp.int32(9999)))
            gsel = _splat_f(-_BIG)
            for g in range(_NGROUP):
                gsel = jnp.where(_splat_i(g_star) == g, gs[g], gsel)
            l_star = _argmax_pos(gsel, m)
            colidx = g_star * 256 + lane * 16 + l_star
            col = plsc.load_gather(chunk_v, [colidx])
            r_off = jnp.min(jnp.where(col == m, lane, _splat_i(9999)))
            flat = g_star * 256 + r_off * 16 + l_star
            plsc.store_scatter(chunk_v, [_splat_i(flat)], _splat_f(-_BIG),
                               mask=lane0)
            newg = _splat_f(-_BIG)
            for j in range(16):
                rowv = plsc.load_gather(chunk_v,
                                        [g_star * 256 + j * 16 + lane])
                newg = jnp.maximum(newg, rowv)
            new_gs = [jnp.where(_splat_i(g_star) == g, newg, gs[g])
                      for g in range(_NGROUP)]
            pv0 = jnp.where(lane == k, _splat_f(m), pv0)
            pv1 = jnp.where(lane == k - 16, _splat_f(m), pv1)
            pi0 = jnp.where(lane == k, _splat_i(flat), pi0)
            pi1 = jnp.where(lane == k - 16, _splat_i(flat), pi1)
            return (pv0, pv1, pi0, pi1, *new_gs)

        init = (_splat_f(-_BIG), _splat_f(-_BIG),
                _splat_i(0), _splat_i(0), *g_list)
        pv0, pv1, pi0, pi1, *_ = lax.fori_loop(0, _N_MAX, _round, init)

        vstage_v[pl.ds(0, 16)] = pv0
        vstage_v[pl.ds(16, 16)] = pv1
        z16 = _splat_i(0)
        xstage_v[pl.ds(0, 16)] = plsc.load_gather(rchunk_v, [z16, pi0])
        xstage_v[pl.ds(16, 16)] = plsc.load_gather(rchunk_v, [z16, pi1])
        ystage_v[pl.ds(0, 16)] = plsc.load_gather(rchunk_v, [z16 + 1, pi0])
        ystage_v[pl.ds(16, 16)] = plsc.load_gather(rchunk_v, [z16 + 1, pi1])
        zstage_v[pl.ds(0, 16)] = plsc.load_gather(rchunk_v, [z16 + 2, pi0])
        zstage_v[pl.ds(16, 16)] = plsc.load_gather(rchunk_v, [z16 + 2, pi1])
        pltpu.sync_copy(vstage_v, shval.at[pl.ds(sid * _NSLOT, _NSLOT)])
        pltpu.sync_copy(xstage_v, shx.at[pl.ds(sid * _NSLOT, _NSLOT)])
        pltpu.sync_copy(ystage_v, shy.at[pl.ds(sid * _NSLOT, _NSLOT)])
        pltpu.sync_copy(zstage_v, shz.at[pl.ds(sid * _NSLOT, _NSLOT)])

    plsc.subcore_barrier()

    @pl.when((cid == 0) & (sid == 0))
    def _merge():
        pltpu.sync_copy(shval, mval_v)
        pltpu.sync_copy(shx, mx_v)
        pltpu.sync_copy(shy, my_v)
        pltpu.sync_copy(shz, mz_v)

        nrows = _NW * _NSLOT // 16

        def _round(k, carry):
            wx0, wx1, wy0, wy1, wz0, wz1 = carry
            mall = mval_v[pl.ds(0, 16)]
            for j in range(1, nrows):
                mall = jnp.maximum(mall, mval_v[pl.ds(j * 16, 16)])
            m = jnp.max(mall)
            l_star = _argmax_pos(mall, m)
            r_star = jnp.int32(9999)
            for h in range(nrows // 16):
                colidx = (lane + h * 16) * 16 + l_star
                col = plsc.load_gather(mval_v, [colidx])
                cand = jnp.min(jnp.where(col == m, lane + h * 16,
                                         _splat_i(9999)))
                r_star = jnp.minimum(r_star, cand)
            flat = r_star * 16 + l_star
            plsc.store_scatter(mval_v, [_splat_i(flat)], _splat_f(-_BIG),
                               mask=lane0)
            fl = _splat_i(flat)
            gx = plsc.load_gather(mx_v, [fl])
            gy = plsc.load_gather(my_v, [fl])
            gz = plsc.load_gather(mz_v, [fl])
            wx0 = jnp.where(lane == k, gx, wx0)
            wx1 = jnp.where(lane == k - 16, gx, wx1)
            wy0 = jnp.where(lane == k, gy, wy0)
            wy1 = jnp.where(lane == k - 16, gy, wy1)
            wz0 = jnp.where(lane == k, gz, wz0)
            wz1 = jnp.where(lane == k - 16, gz, wz1)
            return (wx0, wx1, wy0, wy1, wz0, wz1)

        zero = _splat_f(0.0)
        wx0, wx1, wy0, wy1, wz0, wz1 = lax.fori_loop(
            0, _N_MAX, _round, (zero, zero, zero, zero, zero, zero))

        xs_v[pl.ds(0, 16)] = wx0
        xs_v[pl.ds(16, 16)] = wx1
        ys_v[pl.ds(0, 16)] = wy0
        ys_v[pl.ds(16, 16)] = wy1
        zs_v[pl.ds(0, 16)] = wz0
        zs_v[pl.ds(16, 16)] = wz1

        def _pair(i, carry):
            s1a, s1b, s2a, s2b = carry
            xi = plsc.load_gather(xs_v, [_splat_i(i)])
            yi = plsc.load_gather(ys_v, [_splat_i(i)])
            zi = plsc.load_gather(zs_v, [_splat_i(i)])
            dxa = wx0 - xi
            dya = wy0 - yi
            dza = wz0 - zi
            dxb = wx1 - xi
            dyb = wy1 - yi
            dzb = wz1 - zi
            d2a = dxa * dxa + dya * dya + dza * dza
            d2b = dxb * dxb + dyb * dyb + dzb * dzb
            maska = (lane > i) & (lane < _N_MAX)
            maskb = ((lane + 16) > i) & ((lane + 16) < _N_MAX)
            da = _sqrt16(jnp.maximum(d2a, _splat_f(1e-30)))
            db = _sqrt16(jnp.maximum(d2b, _splat_f(1e-30)))
            zv = _splat_f(0.0)
            s1a = s1a + jnp.where(maska, da, zv)
            s1b = s1b + jnp.where(maskb, db, zv)
            s2a = s2a + jnp.where(maska, d2a, zv)
            s2b = s2b + jnp.where(maskb, d2b, zv)
            return (s1a, s1b, s2a, s2b)

        s1a, s1b, s2a, s2b = lax.fori_loop(0, _N_MAX - 1, _pair,
                                           (zero, zero, zero, zero))
        npairs = float(_N_MAX * (_N_MAX - 1) // 2)
        s1v = _splat_f(jnp.sum(s1a) + jnp.sum(s1b))
        s2v = _splat_f(jnp.sum(s2a) + jnp.sum(s2b))
        meanv = s1v / _splat_f(npairs)
        varv = (s2v - _splat_f(npairs) * meanv * meanv) / _splat_f(npairs - 1.0)
        regv = _splat_f(_REG_WEIGHT) * _sqrt16(
            jnp.maximum(varv, _splat_f(1e-30)))
        ostage_v[...] = regv
        pltpu.sync_copy(ostage_v, out_ref)


def _reg_weighted(latent, R_xyz):
    mesh = plsc.VectorSubcoreMesh(core_axis_name="c", subcore_axis_name="s",
                                  num_cores=1, num_subcores=16)
    out = pl.kernel(
        _reg_body,
        out_type=jax.ShapeDtypeStruct((16,), jnp.float32),
        mesh=mesh,
        scratch_types=[
            pltpu.VMEM((_CHUNK,), jnp.float32),
            pltpu.VMEM((3, _CHUNK), jnp.float32),
            pltpu.VMEM((_NW * _NSLOT,), jnp.float32),
            pltpu.VMEM((_NW * _NSLOT,), jnp.float32),
            pltpu.VMEM((_NW * _NSLOT,), jnp.float32),
            pltpu.VMEM((_NW * _NSLOT,), jnp.float32),
            pltpu.VMEM((32,), jnp.float32),
            pltpu.VMEM((32,), jnp.float32),
            pltpu.VMEM((32,), jnp.float32),
            pltpu.VMEM((_NSLOT,), jnp.float32),
            pltpu.VMEM((_NSLOT,), jnp.float32),
            pltpu.VMEM((_NSLOT,), jnp.float32),
            pltpu.VMEM((_NSLOT,), jnp.float32),
            pltpu.VMEM((16,), jnp.float32),
            pltpu.VMEM_SHARED((_NW * _NSLOT,), jnp.float32),
            pltpu.VMEM_SHARED((_NW * _NSLOT,), jnp.float32),
            pltpu.VMEM_SHARED((_NW * _NSLOT,), jnp.float32),
            pltpu.VMEM_SHARED((_NW * _NSLOT,), jnp.float32),
        ],
        compiler_params=pltpu.CompilerParams(needs_layout_passes=False),
    )(latent, R_xyz)
    return out[0]


def kernel(target, pred, latent, R_xyz):
    l1 = _l1_mean(target, pred)
    regw = _reg_weighted(latent, R_xyz)
    total = l1 + regw
    return (total, l1, regw)

# --- scband reference (transcript-rebuilt; emitter-appended) ---
"""Pipeline reference for scband-l1-reg-loss-27350351741519 (READ-ONLY COPY).

The authoritative reference and input builder live on the scoring server;
editing this copy changes nothing except your own understanding.
"""

import jax, jax.numpy as jnp
import numpy as np

N_MAX = 20
REG_WEIGHT = 0.01


def setup_inputs(seed: int = 0) -> dict:
    key = jax.random.key(seed)
    k1, k2, k3, k4 = jax.random.split(key, 4)
    target = jax.random.normal(k1, (128, 32768), dtype=jnp.float32)
    pred = jax.random.normal(k2, (128, 32768), dtype=jnp.float32)
    latent = jax.random.normal(k3, (32768,), dtype=jnp.float32)
    # learned/buffer parameter: R_xyz = get_field(), 3D coordinates per latent unit
    R_xyz = jax.random.normal(k4, (3, 32768), dtype=jnp.float32)
    return {"target": target, "pred": pred, "latent": latent, "R_xyz": R_xyz}


def _pdist(x):
    # torch.nn.functional.pdist: condensed pairwise euclidean distances (i < j)
    i, j = np.triu_indices(x.shape[0], k=1)
    diff = x[i] - x[j]
    return jnp.sqrt(jnp.sum(diff * diff, axis=-1))


def reference(target, pred, latent, R_xyz):
    # l1_loss = nn.L1Loss()(target, pred)  (mean reduction)
    l1 = jnp.mean(jnp.abs(target - pred))
    # calculate_reg_loss
    max_indices = jax.lax.top_k(latent, N_MAX)[1]
    max_xyz = R_xyz[:, max_indices].T  # [N_max, 3]
    dists = _pdist(max_xyz)
    reg = jnp.std(dists, ddof=1)  # torch.std default is unbiased (ddof=1)
    total = l1 + REG_WEIGHT * reg
    return (total, l1, REG_WEIGHT * reg)

if __name__ == "__main__":
    import jax
    _d = setup_inputs()
    print(jax.jit(kernel)(*tuple(_d.values())))

</pallas_src>

<mosaic_0001>
#map = affine_map<(d0, d1) -> (0)>
#map1 = affine_map<(d0, d1) -> (0, 0)>
module attributes {stable_mosaic.version = 14 : i64} {
  func.func @_reg_body(%arg0: i32, %arg1: i32, %arg2: memref<32768xf32, #tpu.memory_space<hbm>>, %arg3: memref<3x32768xf32, #tpu.memory_space<hbm>>, %arg4: memref<16xf32, #tpu.memory_space<hbm>>, %arg5: memref<2048xf32, #tpu.memory_space<vmem>>, %arg6: memref<3x2048xf32, #tpu.memory_space<vmem>>, %arg7: memref<512xf32, #tpu.memory_space<vmem>>, %arg8: memref<512xf32, #tpu.memory_space<vmem>>, %arg9: memref<512xf32, #tpu.memory_space<vmem>>, %arg10: memref<512xf32, #tpu.memory_space<vmem>>, %arg11: memref<32xf32, #tpu.memory_space<vmem>>, %arg12: memref<32xf32, #tpu.memory_space<vmem>>, %arg13: memref<32xf32, #tpu.memory_space<vmem>>, %arg14: memref<32xf32, #tpu.memory_space<vmem>>, %arg15: memref<32xf32, #tpu.memory_space<vmem>>, %arg16: memref<32xf32, #tpu.memory_space<vmem>>, %arg17: memref<32xf32, #tpu.memory_space<vmem>>, %arg18: memref<16xf32, #tpu.memory_space<vmem>>, %arg19: memref<512xf32, #tpu.memory_space<vmem_shared>>, %arg20: memref<512xf32, #tpu.memory_space<vmem_shared>>, %arg21: memref<512xf32, #tpu.memory_space<vmem_shared>>, %arg22: memref<512xf32, #tpu.memory_space<vmem_shared>>) attributes {dimension_semantics = [#tpu.dimension_semantics<core_parallel>, #tpu.dimension_semantics<subcore_parallel>], iteration_bounds = array<i64: 1, 16>, scalar_prefetch = 0 : i64, scratch_operands = 18 : i64, tpu.core_type = #tpu.core_type<sc_vector_subcore>, window_params = [{transform_indices = #map}, {transform_indices = #map1}, {transform_indices = #map}]} {
    %iota3A = tpu.iota {dimensions = array<i32: 0>} : vector<16xi32>
    %eq3A = arith.constant 0 : i32
    %eq3A_0 = vector.broadcast %eq3A : i32 to vector<16xi32>
    %eq3A_1 = arith.cmpi eq, %iota3A, %eq3A_0 : vector<16xi32>
    %eq3A_2 = arith.constant 0 : i32
    %eq3A_3 = arith.cmpi eq, %arg0, %eq3A_2 : i32
    %convert_element_type3A = arith.extui %eq3A_3 : i1 to i32
    %cond3A = arith.constant 0 : i32
    %cond3A_4 = arith.cmpi ne, %convert_element_type3A, %cond3A : i32
    scf.if %cond3A_4 {
      %mul3A = arith.constant 2048 : i32
      %mul3A_12 = arith.muli %arg1, %mul3A : i32
      "tpu.region"() ({
        %run_scoped3A = tpu.sem_alloc : memref<!tpu.dma_semaphore, #tpu.memory_space<semaphore_mem>>
        %dma_start3A = tpu.memref_slice %arg2[%mul3A_12] : memref<32768xf32, #tpu.memory_space<hbm>> -> memref<2048xf32, #tpu.memory_space<hbm>>
        %dma_start3A_440 = tpu.memref_slice %arg2[%mul3A_12] : memref<32768xf32, #tpu.memory_space<hbm>> -> memref<2048xf32, #tpu.memory_space<hbm>>
        tpu.enqueue_dma source(%dma_start3A_440 : memref<2048xf32, #tpu.memory_space<hbm>>) target(%arg5 : memref<2048xf32, #tpu.memory_space<vmem>>) target_semaphore(%run_scoped3A : memref<!tpu.dma_semaphore, #tpu.memory_space<semaphore_mem>>)
        %dma_wait3A = tpu.memref_slice %arg2[%mul3A_12] : memref<32768xf32, #tpu.memory_space<hbm>> -> memref<2048xf32, #tpu.memory_space<hbm>>
        %dma_wait3A_441 = tpu.memref_slice %arg2[%mul3A_12] : memref<32768xf32, #tpu.memory_space<hbm>> -> memref<2048xf32, #tpu.memory_space<hbm>>
        tpu.wait_dma2 semaphore(%run_scoped3A : memref<!tpu.dma_semaphore, #tpu.memory_space<semaphore_mem>>) src(%dma_wait3A_441 : memref<2048xf32, #tpu.memory_space<hbm>>) dst(%arg5 : memref<2048xf32, #tpu.memory_space<vmem>>)
        tpu.yield
      }) : () -> ()
      "tpu.region"() ({
        %run_scoped3A = tpu.sem_alloc : memref<!tpu.dma_semaphore, #tpu.memory_space<semaphore_mem>>
        %dma_start3A = arith.constant 0 : i32
        %dma_start3A_440 = arith.constant 0 : i32
        %dma_start3A_441 = tpu.memref_slice %arg6[%dma_start3A, %dma_start3A_440] : memref<3x2048xf32, #tpu.memory_space<vmem>> -> memref<1x2048xf32, #tpu.memory_space<vmem>>
        %dma_start3A_442 = arith.constant 0 : i32
        %dma_start3A_443 = tpu.memref_slice %arg3[%dma_start3A_442, %mul3A_12] : memref<3x32768xf32, #tpu.memory_space<hbm>> -> memref<1x2048xf32, #tpu.memory_space<hbm>>
        %dma_start3A_444 = arith.constant 0 : i32
        %dma_start3A_445 = arith.constant 0 : i32
        %dma_start3A_446 = tpu.memref_slice %arg6[%dma_start3A_444, %dma_start3A_445] : memref<3x2048xf32, #tpu.memory_space<vmem>> -> memref<1x2048xf32, #tpu.memory_space<vmem>>
        %dma_start3A_447 = arith.constant 0 : i32
        %dma_start3A_448 = tpu.memref_slice %arg3[%dma_start3A_447, %mul3A_12] : memref<3x32768xf32, #tpu.memory_space<hbm>> -> memref<1x2048xf32, #tpu.memory_space<hbm>>
        tpu.enqueue_dma source(%dma_start3A_448 : memref<1x2048xf32, #tpu.memory_space<hbm>>) target(%dma_start3A_446 : memref<1x2048xf32, #tpu.memory_space<vmem>>) target_semaphore(%run_scoped3A : memref<!tpu.dma_semaphore, #tpu.memory_space<semaphore_mem>>)
        %dma_wait3A = arith.constant 0 : i32
        %dma_wait3A_449 = arith.constant 0 : i32
        %dma_wait3A_450 = tpu.memref_slice %arg6[%dma_wait3A, %dma_wait3A_449] : memref<3x2048xf32, #tpu.memory_space<vmem>> -> memref<1x2048xf32, #tpu.memory_space<vmem>>
        %dma_wait3A_451 = arith.constant 0 : i32
        %dma_wait3A_452 = tpu.memref_slice %arg3[%dma_wait3A_451, %mul3A_12] : memref<3x32768xf32, #tpu.memory_space<hbm>> -> memref<1x2048xf32, #tpu.memory_space<hbm>>
        %dma_wait3A_453 = arith.constant 0 : i32
        %dma_wait3A_454 = arith.constant 0 : i32
        %dma_wait3A_455 = tpu.memref_slice %arg6[%dma_wait3A_453, %dma_wait3A_454] : memref<3x2048xf32, #tpu.memory_space<vmem>> -> memref<1x2048xf32, #tpu.memory_space<vmem>>
        %dma_wait3A_456 = arith.constant 0 : i32
        %dma_wait3A_457 = tpu.memref_slice %arg3[%dma_wait3A_456, %mul3A_12] : memref<3x32768xf32, #tpu.memory_space<hbm>> -> memref<1x2048xf32, #tpu.memory_space<hbm>>
        tpu.wait_dma2 semaphore(%run_scoped3A : memref<!tpu.dma_semaphore, #tpu.memory_space<semaphore_mem>>) src(%dma_wait3A_457 : memref<1x2048xf32, #tpu.memory_space<hbm>>) dst(%dma_wait3A_455 : memref<1x2048xf32, #tpu.memory_space<vmem>>)
        tpu.yield
      }) : () -> ()
      "tpu.region"() ({
        %run_scoped3A = tpu.sem_alloc : memref<!tpu.dma_semaphore, #tpu.memory_space<semaphore_mem>>
        %dma_start3A = arith.constant 1 : i32
        %dma_start3A_440 = arith.constant 0 : i32
        %dma_start3A_441 = tpu.memref_slice %arg6[%dma_start3A, %dma_start3A_440] : memref<3x2048xf32, #tpu.memory_space<vmem>> -> memref<1x2048xf32, #tpu.memory_space<vmem>>
        %dma_start3A_442 = arith.constant 1 : i32
        %dma_start3A_443 = tpu.memref_slice %arg3[%dma_start3A_442, %mul3A_12] : memref<3x32768xf32, #tpu.memory_space<hbm>> -> memref<1x2048xf32, #tpu.memory_space<hbm>>
        %dma_start3A_444 = arith.constant 1 : i32
        %dma_start3A_445 = arith.constant 0 : i32
        %dma_start3A_446 = tpu.memref_slice %arg6[%dma_start3A_444, %dma_start3A_445] : memref<3x2048xf32, #tpu.memory_space<vmem>> -> memref<1x2048xf32, #tpu.memory_space<vmem>>
        %dma_start3A_447 = arith.constant 1 : i32
        %dma_start3A_448 = tpu.memref_slice %arg3[%dma_start3A_447, %mul3A_12] : memref<3x32768xf32, #tpu.memory_space<hbm>> -> memref<1x2048xf32, #tpu.memory_space<hbm>>
        tpu.enqueue_dma source(%dma_start3A_448 : memref<1x2048xf32, #tpu.memory_space<hbm>>) target(%dma_start3A_446 : memref<1x2048xf32, #tpu.memory_space<vmem>>) target_semaphore(%run_scoped3A : memref<!tpu.dma_semaphore, #tpu.memory_space<semaphore_mem>>)
        %dma_wait3A = arith.constant 1 : i32
        %dma_wait3A_449 = arith.constant 0 : i32
        %dma_wait3A_450 = tpu.memref_slice %arg6[%dma_wait3A, %dma_wait3A_449] : memref<3x2048xf32, #tpu.memory_space<vmem>> -> memref<1x2048xf32, #tpu.memory_space<vmem>>
        %dma_wait3A_451 = arith.constant 1 : i32
        %dma_wait3A_452 = tpu.memref_slice %arg3[%dma_wait3A_451, %mul3A_12] : memref<3x32768xf32, #tpu.memory_space<hbm>> -> memref<1x2048xf32, #tpu.memory_space<hbm>>
        %dma_wait3A_453 = arith.constant 1 : i32
        %dma_wait3A_454 = arith.constant 0 : i32
        %dma_wait3A_455 = tpu.memref_slice %arg6[%dma_wait3A_453, %dma_wait3A_454] : memref<3x2048xf32, #tpu.memory_space<vmem>> -> memref<1x2048xf32, #tpu.memory_space<vmem>>
        %dma_wait3A_456 = arith.constant 1 : i32
        %dma_wait3A_457 = tpu.memref_slice %arg3[%dma_wait3A_456, %mul3A_12] : memref<3x32768xf32, #tpu.memory_space<hbm>> -> memref<1x2048xf32, #tpu.memory_space<hbm>>
        tpu.wait_dma2 semaphore(%run_scoped3A : memref<!tpu.dma_semaphore, #tpu.memory_space<semaphore_mem>>) src(%dma_wait3A_457 : memref<1x2048xf32, #tpu.memory_space<hbm>>) dst(%dma_wait3A_455 : memref<1x2048xf32, #tpu.memory_space<vmem>>)
        tpu.yield
      }) : () -> ()
      "tpu.region"() ({
        %run_scoped3A = tpu.sem_alloc : memref<!tpu.dma_semaphore, #tpu.memory_space<semaphore_mem>>
        %dma_start3A = arith.constant 2 : i32
        %dma_start3A_440 = arith.constant 0 : i32
        %dma_start3A_441 = tpu.memref_slice %arg6[%dma_start3A, %dma_start3A_440] : memref<3x2048xf32, #tpu.memory_space<vmem>> -> memref<1x2048xf32, #tpu.memory_space<vmem>>
        %dma_start3A_442 = arith.constant 2 : i32
        %dma_start3A_443 = tpu.memref_slice %arg3[%dma_start3A_442, %mul3A_12] : memref<3x32768xf32, #tpu.memory_space<hbm>> -> memref<1x2048xf32, #tpu.memory_space<hbm>>
        %dma_start3A_444 = arith.constant 2 : i32
        %dma_start3A_445 = arith.constant 0 : i32
        %dma_start3A_446 = tpu.memref_slice %arg6[%dma_start3A_444, %dma_start3A_445] : memref<3x2048xf32, #tpu.memory_space<vmem>> -> memref<1x2048xf32, #tpu.memory_space<vmem>>
        %dma_start3A_447 = arith.constant 2 : i32
        %dma_start3A_448 = tpu.memref_slice %arg3[%dma_start3A_447, %mul3A_12] : memref<3x32768xf32, #tpu.memory_space<hbm>> -> memref<1x2048xf32, #tpu.memory_space<hbm>>
        tpu.enqueue_dma source(%dma_start3A_448 : memref<1x2048xf32, #tpu.memory_space<hbm>>) target(%dma_start3A_446 : memref<1x2048xf32, #tpu.memory_space<vmem>>) target_semaphore(%run_scoped3A : memref<!tpu.dma_semaphore, #tpu.memory_space<semaphore_mem>>)
        %dma_wait3A = arith.constant 2 : i32
        %dma_wait3A_449 = arith.constant 0 : i32
        %dma_wait3A_450 = tpu.memref_slice %arg6[%dma_wait3A, %dma_wait3A_449] : memref<3x2048xf32, #tpu.memory_space<vmem>> -> memref<1x2048xf32, #tpu.memory_space<vmem>>
        %dma_wait3A_451 = arith.constant 2 : i32
        %dma_wait3A_452 = tpu.memref_slice %arg3[%dma_wait3A_451, %mul3A_12] : memref<3x32768xf32, #tpu.memory_space<hbm>> -> memref<1x2048xf32, #tpu.memory_space<hbm>>
        %dma_wait3A_453 = arith.constant 2 : i32
        %dma_wait3A_454 = arith.constant 0 : i32
        %dma_wait3A_455 = tpu.memref_slice %arg6[%dma_wait3A_453, %dma_wait3A_454] : memref<3x2048xf32, #tpu.memory_space<vmem>> -> memref<1x2048xf32, #tpu.memory_space<vmem>>
        %dma_wait3A_456 = arith.constant 2 : i32
        %dma_wait3A_457 = tpu.memref_slice %arg3[%dma_wait3A_456, %mul3A_12] : memref<3x32768xf32, #tpu.memory_space<hbm>> -> memref<1x2048xf32, #tpu.memory_space<hbm>>
        tpu.wait_dma2 semaphore(%run_scoped3A : memref<!tpu.dma_semaphore, #tpu.memory_space<semaphore_mem>>) src(%dma_wait3A_457 : memref<1x2048xf32, #tpu.memory_space<hbm>>) dst(%dma_wait3A_455 : memref<1x2048xf32, #tpu.memory_space<vmem>>)
        tpu.yield
      }) : () -> ()
      %get3A = arith.constant 0 : index
      %get3A_13 = tpu.vector_load %arg5[%get3A] {strides = array<i32>} : memref<2048xf32, #tpu.memory_space<vmem>>, vector<16xf32>,
      %get3A_14 = arith.constant 16 : index
      %get3A_15 = tpu.vector_load %arg5[%get3A_14] {strides = array<i32>} : memref<2048xf32, #tpu.memory_space<vmem>>, vector<16xf32>,
      %max3A = arith.maximumf %get3A_13, %get3A_15 : vector<16xf32>
      %get3A_16 = arith.constant 32 : index
      %get3A_17 = tpu.vector_load %arg5[%get3A_16] {strides = array<i32>} : memref<2048xf32, #tpu.memory_space<vmem>>, vector<16xf32>,
      %max3A_18 = arith.maximumf %max3A, %get3A_17 : vector<16xf32>
      %get3A_19 = arith.constant 48 : index
      %get3A_20 = tpu.vector_load %arg5[%get3A_19] {strides = array<i32>} : memref<2048xf32, #tpu.memory_space<vmem>>, vector<16xf32>,
      %max3A_21 = arith.maximumf %max3A_18, %get3A_20 : vector<16xf32>
      %get3A_22 = arith.constant 64 : index
      %get3A_23 = tpu.vector_load %arg5[%get3A_22] {strides = array<i32>} : memref<2048xf32, #tpu.memory_space<vmem>>, vector<16xf32>,
      %max3A_24 = arith.maximumf %max3A_21, %get3A_23 : vector<16xf32>
      %get3A_25 = arith.constant 80 : index
      %get3A_26 = tpu.vector_load %arg5[%get3A_25] {strides = array<i32>} : memref<2048xf32, #tpu.memory_space<vmem>>, vector<16xf32>,
      %max3A_27 = arith.maximumf %max3A_24, %get3A_26 : vector<16xf32>
      %get3A_28 = arith.constant 96 : index
      %get3A_29 = tpu.vector_load %arg5[%get3A_28] {strides = array<i32>} : memref<2048xf32, #tpu.memory_space<vmem>>, vector<16xf32>,
      %max3A_30 = arith.maximumf %max3A_27, %get3A_29 : vector<16xf32>
      %get3A_31 = arith.constant 112 : index
      %get3A_32 = tpu.vector_load %arg5[%get3A_31] {strides = array<i32>} : memref<2048xf32, #tpu.memory_space<vmem>>, vector<16xf32>,
      %max3A_33 = arith.maximumf %max3A_30, %get3A_32 : vector<16xf32>
      %get3A_34 = arith.constant 128 : index
      %get3A_35 = tpu.vector_load %arg5[%get3A_34] {strides = array<i32>} : memref<2048xf32, #tpu.memory_space<vmem>>, vector<16xf32>,
      %max3A_36 = arith.maximumf %max3A_33, %get3A_35 : vector<16xf32>
      %get3A_37 = arith.constant 144 : index
      %get3A_38 = tpu.vector_load %arg5[%get3A_37] {strides = array<i32>} : memref<2048xf32, #tpu.memory_space<vmem>>, vector<16xf32>,
      %max3A_39 = arith.maximumf %max3A_36, %get3A_38 : vector<16xf32>
      %get3A_40 = arith.constant 160 : index
      %get3A_41 = tpu.vector_load %arg5[%get3A_40] {strides = array<i32>} : memref<2048xf32, #tpu.memory_space<vmem>>, vector<16xf32>,
      %max3A_42 = arith.maximumf %max3A_39, %get3A_41 : vector<16xf32>
      %get3A_43 = arith.constant 176 : index
      %get3A_44 = tpu.vector_load %arg5[%get3A_43] {strides = array<i32>} : memref<2048xf32, #tpu.memory_space<vmem>>, vector<16xf32>,
      %max3A_45 = arith.maximumf %max3A_42, %get3A_44 : vector<16xf32>
      %get3A_46 = arith.constant 192 : index
      %get3A_47 = tpu.vector_load %arg5[%get3A_46] {strides = array<i32>} : memref<2048xf32, #tpu.memory_space<vmem>>, vector<16xf32>,
      %max3A_48 = arith.maximumf %max3A_45, %get3A_47 : vector<16xf32>
      %get3A_49 = arith.constant 208 : index
      %get3A_50 = tpu.vector_load %arg5[%get3A_49] {strides = array<i32>} : memref<2048xf32, #tpu.memory_space<vmem>>, vector<16xf32>,
      %max3A_51 = arith.maximumf %max3A_48, %get3A_50 : vector<16xf32>
      %get3A_52 = arith.constant 224 : index
      %get3A_53 = tpu.vector_load %arg5[%get3A_52] {strides = array<i32>} : memref<2048xf32, #tpu.memory_space<vmem>>, vector<16xf32>,
      %max3A_54 = arith.maximumf %max3A_51, %get3A_53 : vector<16xf32>
      %get3A_55 = arith.constant 240 : index
      %get3A_56 = tpu.vector_load %arg5[%get3A_55] {strides = array<i32>} : memref<2048xf32, #tpu.memory_space<vmem>>, vector<16xf32>,
      %max3A_57 = arith.maximumf %max3A_54, %get3A_56 : vector<16xf32>
      %get3A_58 = arith.constant 256 : index
      %get3A_59 = tpu.vector_load %arg5[%get3A_58] {strides = array<i32>} : memref<2048xf32, #tpu.memory_space<vmem>>, vector<16xf32>,
      %get3A_60 = arith.constant 272 : index
      %get3A_61 = tpu.vector_load %arg5[%get3A_60] {strides = array<i32>} : memref<2048xf32, #tpu.memory_space<vmem>>, vector<16xf32>,
      %max3A_62 = arith.maximumf %get3A_59, %get3A_61 : vector<16xf32>
      %get3A_63 = arith.constant 288 : index
      %get3A_64 = tpu.vector_load %arg5[%get3A_63] {strides = array<i32>} : memref<2048xf32, #tpu.memory_space<vmem>>, vector<16xf32>,
      %max3A_65 = arith.maximumf %max3A_62, %get3A_64 : vector<16xf32>
      %get3A_66 = arith.constant 304 : index
      %get3A_67 = tpu.vector_load %arg5[%get3A_66] {strides = array<i32>} : memref<2048xf32, #tpu.memory_space<vmem>>, vector<16xf32>,
      %max3A_68 = arith.maximumf %max3A_65, %get3A_67 : vector<16xf32>
      %get3A_69 = arith.constant 320 : index
      %get3A_70 = tpu.vector_load %arg5[%get3A_69] {strides = array<i32>} : memref<2048xf32, #tpu.memory_space<vmem>>, vector<16xf32>,
      %max3A_71 = arith.maximumf %max3A_68, %get3A_70 : vector<16xf32>
      %get3A_72 = arith.constant 336 : index
      %get3A_73 = tpu.vector_load %arg5[%get3A_72] {strides = array<i32>} : memref<2048xf32, #tpu.memory_space<vmem>>, vector<16xf32>,
      %max3A_74 = arith.maximumf %max3A_71, %get3A_73 : vector<16xf32>
      %get3A_75 = arith.constant 352 : index
      %get3A_76 = tpu.vector_load %arg5[%get3A_75] {strides = array<i32>} : memref<2048xf32, #tpu.memory_space<vmem>>, vector<16xf32>,
      %max3A_77 = arith.maximumf %max3A_74, %get3A_76 : vector<16xf32>
      %get3A_78 = arith.constant 368 : index
      %get3A_79 = tpu.vector_load %arg5[%get3A_78] {strides = array<i32>} : memref<2048xf32, #tpu.memory_space<vmem>>, vector<16xf32>,
      %max3A_80 = arith.maximumf %max3A_77, %get3A_79 : vector<16xf32>
      %get3A_81 = arith.constant 384 : index
      %get3A_82 = tpu.vector_load %arg5[%get3A_81] {strides = array<i32>} : memref<2048xf32, #tpu.memory_space<vmem>>, vector<16xf32>,
      %max3A_83 = arith.maximumf %max3A_80, %get3A_82 : vector<16xf32>
      %get3A_84 = arith.constant 400 : index
      %get3A_85 = tpu.vector_load %arg5[%get3A_84] {strides = array<i32>} : memref<2048xf32, #tpu.memory_space<vmem>>, vector<16xf32>,
      %max3A_86 = arith.maximumf %max3A_83, %get3A_85 : vector<16xf32>
      %get3A_87 = arith.constant 416 : index
      %get3A_88 = tpu.vector_load %arg5[%get3A_87] {strides = array<i32>} : memref<2048xf32, #tpu.memory_space<vmem>>, vector<16xf32>,
      %max3A_89 = arith.maximumf %max3A_86, %get3A_88 : vector<16xf32>
      %get3A_90 = arith.constant 432 : index
      %get3A_91 = tpu.vector_load %arg5[%get3A_90] {strides = array<i32>} : memref<2048xf32, #tpu.memory_space<vmem>>, vector<16xf32>,
      %max3A_92 = arith.maximumf %max3A_89, %get3A_91 : vector<16xf32>
      %get3A_93 = arith.constant 448 : index
      %get3A_94 = tpu.vector_load %arg5[%get3A_93] {strides = array<i32>} : memref<2048xf32, #tpu.memory_space<vmem>>, vector<16xf32>,
      %max3A_95 = arith.maximumf %max3A_92, %get3A_94 : vector<16xf32>
      %get3A_96 = arith.constant 464 : index
      %get3A_97 = tpu.vector_load %arg5[%get3A_96] {strides = array<i32>} : memref<2048xf32, #tpu.memory_space<vmem>>, vector<16xf32>,
      %max3A_98 = arith.maximumf %max3A_95, %get3A_97 : vector<16xf32>
      %get3A_99 = arith.constant 480 : index
      %get3A_100 = tpu.vector_load %arg5[%get3A_99] {strides = array<i32>} : memref<2048xf32, #tpu.memory_space<vmem>>, vector<16xf32>,
      %max3A_101 = arith.maximumf %max3A_98, %get3A_100 : vector<16xf32>
      %get3A_102 = arith.constant 496 : index
      %get3A_103 = tpu.vector_load %arg5[%get3A_102] {strides = array<i32>} : memref<2048xf32, #tpu.memory_space<vmem>>, vector<16xf32>,
      %max3A_104 = arith.maximumf %max3A_101, %get3A_103 : vector<16xf32>
      %get3A_105 = arith.constant 512 : index
      %get3A_106 = tpu.vector_load %arg5[%get3A_105] {strides = array<i32>} : memref<2048xf32, #tpu.memory_space<vmem>>, vector<16xf32>,
      %get3A_107 = arith.constant 528 : index
      %get3A_108 = tpu.vector_load %arg5[%get3A_107] {strides = array<i32>} : memref<2048xf32, #tpu.memory_space<vmem>>, vector<16xf32>,
      %max3A_109 = arith.maximumf %get3A_106, %get3A_108 : vector<16xf32>
      %get3A_110 = arith.constant 544 : index
      %get3A_111 = tpu.vector_load %arg5[%get3A_110] {strides = array<i32>} : memref<2048xf32, #tpu.memory_space<vmem>>, vector<16xf32>,
      %max3A_112 = arith.maximumf %max3A_109, %get3A_111 : vector<16xf32>
      %get3A_113 = arith.constant 560 : index
      %get3A_114 = tpu.vector_load %arg5[%get3A_113] {strides = array<i32>} : memref<2048xf32, #tpu.memory_space<vmem>>, vector<16xf32>,
      %max3A_115 = arith.maximumf %max3A_112, %get3A_114 : vector<16xf32>
      %get3A_116 = arith.constant 576 : index
      %get3A_117 = tpu.vector_load %arg5[%get3A_116] {strides = array<i32>} : memref<2048xf32, #tpu.memory_space<vmem>>, vector<16xf32>,
      %max3A_118 = arith.maximumf %max3A_115, %get3A_117 : vector<16xf32>
      %get3A_119 = arith.constant 592 : index
      %get3A_120 = tpu.vector_load %arg5[%get3A_119] {strides = array<i32>} : memref<2048xf32, #tpu.memory_space<vmem>>, vector<16xf32>,
      %max3A_121 = arith.maximumf %max3A_118, %get3A_120 : vector<16xf32>
      %get3A_122 = arith.constant 608 : index
      %get3A_123 = tpu.vector_load %arg5[%get3A_122] {strides = array<i32>} : memref<2048xf32, #tpu.memory_space<vmem>>, vector<16xf32>,
      %max3A_124 = arith.maximumf %max3A_121, %get3A_123 : vector<16xf32>
      %get3A_125 = arith.constant 624 : index
      %get3A_126 = tpu.vector_load %arg5[%get3A_125] {strides = array<i32>} : memref<2048xf32, #tpu.memory_space<vmem>>, vector<16xf32>,
      %max3A_127 = arith.maximumf %max3A_124, %get3A_126 : vector<16xf32>
      %get3A_128 = arith.constant 640 : index
      %get3A_129 = tpu.vector_load %arg5[%get3A_128] {strides = array<i32>} : memref<2048xf32, #tpu.memory_space<vmem>>, vector<16xf32>,
      %max3A_130 = arith.maximumf %max3A_127, %get3A_129 : vector<16xf32>
      %get3A_131 = arith.constant 656 : index
      %get3A_132 = tpu.vector_load %arg5[%get3A_131] {strides = array<i32>} : memref<2048xf32, #tpu.memory_space<vmem>>, vector<16xf32>,
      %max3A_133 = arith.maximumf %max3A_130, %get3A_132 : vector<16xf32>
      %get3A_134 = arith.constant 672 : index
      %get3A_135 = tpu.vector_load %arg5[%get3A_134] {strides = array<i32>} : memref<2048xf32, #tpu.memory_space<vmem>>, vector<16xf32>,
      %max3A_136 = arith.maximumf %max3A_133, %get3A_135 : vector<16xf32>
      %get3A_137 = arith.constant 688 : index
      %get3A_138 = tpu.vector_load %arg5[%get3A_137] {strides = array<i32>} : memref<2048xf32, #tpu.memory_space<vmem>>, vector<16xf32>,
      %max3A_139 = arith.maximumf %max3A_136, %get3A_138 : vector<16xf32>
      %get3A_140 = arith.constant 704 : index
      %get3A_141 = tpu.vector_load %arg5[%get3A_140] {strides = array<i32>} : memref<2048xf32, #tpu.memory_space<vmem>>, vector<16xf32>,
      %max3A_142 = arith.maximumf %max3A_139, %get3A_141 : vector<16xf32>
      %get3A_143 = arith.constant 720 : index
      %get3A_144 = tpu.vector_load %arg5[%get3A_143] {strides = array<i32>} : memref<2048xf32, #tpu.memory_space<vmem>>, vector<16xf32>,
      %max3A_145 = arith.maximumf %max3A_142, %get3A_144 : vector<16xf32>
      %get3A_146 = arith.constant 736 : index
      %get3A_147 = tpu.vector_load %arg5[%get3A_146] {strides = array<i32>} : memref<2048xf32, #tpu.memory_space<vmem>>, vector<16xf32>,
      %max3A_148 = arith.maximumf %max3A_145, %get3A_147 : vector<16xf32>
      %get3A_149 = arith.constant 752 : index
      %get3A_150 = tpu.vector_load %arg5[%get3A_149] {strides = array<i32>} : memref<2048xf32, #tpu.memory_space<vmem>>, vector<16xf32>,
      %max3A_151 = arith.maximumf %max3A_148, %get3A_150 : vector<16xf32>
      %get3A_152 = arith.constant 768 : index
      %get3A_153 = tpu.vector_load %arg5[%get3A_152] {strides = array<i32>} : memref<2048xf32, #tpu.memory_space<vmem>>, vector<16xf32>,
      %get3A_154 = arith.constant 784 : index
      %get3A_155 = tpu.vector_load %arg5[%get3A_154] {strides = array<i32>} : memref<2048xf32, #tpu.memory_space<vmem>>, vector<16xf32>,
      %max3A_156 = arith.maximumf %get3A_153, %get3A_155 : vector<16xf32>
      %get3A_157 = arith.constant 800 : index
      %get3A_158 = tpu.vector_load %arg5[%get3A_157] {strides = array<i32>} : memref<2048xf32, #tpu.memory_space<vmem>>, vector<16xf32>,
      %max3A_159 = arith.maximumf %max3A_156, %get3A_158 : vector<16xf32>
      %get3A_160 = arith.constant 816 : index
      %get3A_161 = tpu.vector_load %arg5[%get3A_160] {strides = array<i32>} : memref<2048xf32, #tpu.memory_space<vmem>>, vector<16xf32>,
      %max3A_162 = arith.maximumf %max3A_159, %get3A_161 : vector<16xf32>
      %get3A_163 = arith.constant 832 : index
      %get3A_164 = tpu.vector_load %arg5[%get3A_163] {strides = array<i32>} : memref<2048xf32, #tpu.memory_space<vmem>>, vector<16xf32>,
      %max3A_165 = arith.maximumf %max3A_162, %get3A_164 : vector<16xf32>
      %get3A_166 = arith.constant 848 : index
      %get3A_167 = tpu.vector_load %arg5[%get3A_166] {strides = array<i32>} : memref<2048xf32, #tpu.memory_space<vmem>>, vector<16xf32>,
      %max3A_168 = arith.maximumf %max3A_165, %get3A_167 : vector<16xf32>
      %get3A_169 = arith.constant 864 : index
      %get3A_170 = tpu.vector_load %arg5[%get3A_169] {strides = array<i32>} : memref<2048xf32, #tpu.memory_space<vmem>>, vector<16xf32>,
      %max3A_171 = arith.maximumf %max3A_168, %get3A_170 : vector<16xf32>
      %get3A_172 = arith.constant 880 : index
      %get3A_173 = tpu.vector_load %arg5[%get3A_172] {strides = array<i32>} : memref<2048xf32, #tpu.memory_space<vmem>>, vector<16xf32>,
      %max3A_174 = arith.maximumf %max3A_171, %get3A_173 : vector<16xf32>
      %get3A_175 = arith.constant 896 : index
      %get3A_176 = tpu.vector_load %arg5[%get3A_175] {strides = array<i32>} : memref<2048xf32, #tpu.memory_space<vmem>>, vector<16xf32>,
      %max3A_177 = arith.maximumf %max3A_174, %get3A_176 : vector<16xf32>
      %get3A_178 = arith.constant 912 : index
      %get3A_179 = tpu.vector_load %arg5[%get3A_178] {strides = array<i32>} : memref<2048xf32, #tpu.memory_space<vmem>>, vector<16xf32>,
      %max3A_180 = arith.maximumf %max3A_177, %get3A_179 : vector<16xf32>
      %get3A_181 = arith.constant 928 : index
      %get3A_182 = tpu.vector_load %arg5[%get3A_181] {strides = array<i32>} : memref<2048xf32, #tpu.memory_space<vmem>>, vector<16xf32>,
      %max3A_183 = arith.maximumf %max3A_180, %get3A_182 : vector<16xf32>
      %get3A_184 = arith.constant 944 : index
      %get3A_185 = tpu.vector_load %arg5[%get3A_184] {strides = array<i32>} : memref<2048xf32, #tpu.memory_space<vmem>>, vector<16xf32>,
      %max3A_186 = arith.maximumf %max3A_183, %get3A_185 : vector<16xf32>
      %get3A_187 = arith.constant 960 : index
      %get3A_188 = tpu.vector_load %arg5[%get3A_187] {strides = array<i32>} : memref<2048xf32, #tpu.memory_space<vmem>>, vector<16xf32>,
      %max3A_189 = arith.maximumf %max3A_186, %get3A_188 : vector<16xf32>
      %get3A_190 = arith.constant 976 : index
      %get3A_191 = tpu.vector_load %arg5[%get3A_190] {strides = array<i32>} : memref<2048xf32, #tpu.memory_space<vmem>>, vector<16xf32>,
      %max3A_192 = arith.maximumf %max3A_189, %get3A_191 : vector<16xf32>
      %get3A_193 = arith.constant 992 : index
      %get3A_194 = tpu.vector_load %arg5[%get3A_193] {strides = array<i32>} : memref<2048xf32, #tpu.memory_space<vmem>>, vector<16xf32>,
      %max3A_195 = arith.maximumf %max3A_192, %get3A_194 : vector<16xf32>
      %get3A_196 = arith.constant 1008 : index
      %get3A_197 = tpu.vector_load %arg5[%get3A_196] {strides = array<i32>} : memref<2048xf32, #tpu.memory_space<vmem>>, vector<16xf32>,
      %max3A_198 = arith.maximumf %max3A_195, %get3A_197 : vector<16xf32>
      %get3A_199 = arith.constant 1024 : index
      %get3A_200 = tpu.vector_load %arg5[%get3A_199] {strides = array<i32>} : memref<2048xf32, #tpu.memory_space<vmem>>, vector<16xf32>,
      %get3A_201 = arith.constant 1040 : index
      %get3A_202 = tpu.vector_load %arg5[%get3A_201] {strides = array<i32>} : memref<2048xf32, #tpu.memory_space<vmem>>, vector<16xf32>,
      %max3A_203 = arith.maximumf %get3A_200, %get3A_202 : vector<16xf32>
      %get3A_204 = arith.constant 1056 : index
      %get3A_205 = tpu.vector_load %arg5[%get3A_204] {strides = array<i32>} : memref<2048xf32, #tpu.memory_space<vmem>>, vector<16xf32>,
      %max3A_206 = arith.maximumf %max3A_203, %get3A_205 : vector<16xf32>
      %get3A_207 = arith.constant 1072 : index
      %get3A_208 = tpu.vector_load %arg5[%get3A_207] {strides = array<i32>} : memref<2048xf32, #tpu.memory_space<vmem>>, vector<16xf32>,
      %max3A_209 = arith.maximumf %max3A_206, %get3A_208 : vector<16xf32>
      %get3A_210 = arith.constant 1088 : index
      %get3A_211 = tpu.vector_load %arg5[%get3A_210] {strides = array<i32>} : memref<2048xf32, #tpu.memory_space<vmem>>, vector<16xf32>,
      %max3A_212 = arith.maximumf %max3A_209, %get3A_211 : vector<16xf32>
      %get3A_213 = arith.constant 1104 : index
      %get3A_214 = tpu.vector_load %arg5[%get3A_213] {strides = array<i32>} : memref<2048xf32, #tpu.memory_space<vmem>>, vector<16xf32>,
      %max3A_215 = arith.maximumf %max3A_212, %get3A_214 : vector<16xf32>
      %get3A_216 = arith.constant 1120 : index
      %get3A_217 = tpu.vector_load %arg5[%get3A_216] {strides = array<i32>} : memref<2048xf32, #tpu.memory_space<vmem>>, vector<16xf32>,
      %max3A_218 = arith.maximumf %max3A_215, %get3A_217 : vector<16xf32>
      %get3A_219 = arith.constant 1136 : index
      %get3A_220 = tpu.vector_load %arg5[%get3A_219] {strides = array<i32>} : memref<2048xf32, #tpu.memory_space<vmem>>, vector<16xf32>,
      %max3A_221 = arith.maximumf %max3A_218, %get3A_220 : vector<16xf32>
      %get3A_222 = arith.constant 1152 : index
      %get3A_223 = tpu.vector_load %arg5[%get3A_222] {strides = array<i32>} : memref<2048xf32, #tpu.memory_space<vmem>>, vector<16xf32>,
      %max3A_224 = arith.maximumf %max3A_221, %get3A_223 : vector<16xf32>
      %get3A_225 = arith.constant 1168 : index
      %get3A_226 = tpu.vector_load %arg5[%get3A_225] {strides = array<i32>} : memref<2048xf32, #tpu.memory_space<vmem>>, vector<16xf32>,
      %max3A_227 = arith.maximumf %max3A_224, %get3A_226 : vector<16xf32>
      %get3A_228 = arith.constant 1184 : index
      %get3A_229 = tpu.vector_load %arg5[%get3A_228] {strides = array<i32>} : memref<2048xf32, #tpu.memory_space<vmem>>, vector<16xf32>,
      %max3A_230 = arith.maximumf %max3A_227, %get3A_229 : vector<16xf32>
      %get3A_231 = arith.constant 1200 : index
      %get3A_232 = tpu.vector_load %arg5[%get3A_231] {strides = array<i32>} : memref<2048xf32, #tpu.memory_space<vmem>>, vector<16xf32>,
      %max3A_233 = arith.maximumf %max3A_230, %get3A_232 : vector<16xf32>
      %get3A_234 = arith.constant 1216 : index
      %get3A_235 = tpu.vector_load %arg5[%get3A_234] {strides = array<i32>} : memref<2048xf32, #tpu.memory_space<vmem>>, vector<16xf32>,
      %max3A_236 = arith.maximumf %max3A_233, %get3A_235 : vector<16xf32>
      %get3A_237 = arith.constant 1232 : index
      %get3A_238 = tpu.vector_load %arg5[%get3A_237] {strides = array<i32>} : memref<2048xf32, #tpu.memory_space<vmem>>, vector<16xf32>,
      %max3A_239 = arith.maximumf %max3A_236, %get3A_238 : vector<16xf32>
      %get3A_240 = arith.constant 1248 : index
      %get3A_241 = tpu.vector_load %arg5[%get3A_240] {strides = array<i32>} : memref<2048xf32, #tpu.memory_space<vmem>>, vector<16xf32>,
      %max3A_242 = arith.maximumf %max3A_239, %get3A_241 : vector<16xf32>
      %get3A_243 = arith.constant 1264 : index
      %get3A_244 = tpu.vector_load %arg5[%get3A_243] {strides = array<i32>} : memref<2048xf32, #tpu.memory_space<vmem>>, vector<16xf32>,
      %max3A_245 = arith.maximumf %max3A_242, %get3A_244 : vector<16xf32>
      %get3A_246 = arith.constant 1280 : index
      %get3A_247 = tpu.vector_load %arg5[%get3A_246] {strides = array<i32>} : memref<2048xf32, #tpu.memory_space<vmem>>, vector<16xf32>,
      %get3A_248 = arith.constant 1296 : index
      %get3A_249 = tpu.vector_load %arg5[%get3A_248] {strides = array<i32>} : memref<2048xf32, #tpu.memory_space<vmem>>, vector<16xf32>,
      %max3A_250 = arith.maximumf %get3A_247, %get3A_249 : vector<16xf32>
      %get3A_251 = arith.constant 1312 : index
      %get3A_252 = tpu.vector_load %arg5[%get3A_251] {strides = array<i32>} : memref<2048xf32, #tpu.memory_space<vmem>>, vector<16xf32>,
      %max3A_253 = arith.maximumf %max3A_250, %get3A_252 : vector<16xf32>
      %get3A_254 = arith.constant 1328 : index
      %get3A_255 = tpu.vector_load %arg5[%get3A_254] {strides = array<i32>} : memref<2048xf32, #tpu.memory_space<vmem>>, vector<16xf32>,
      %max3A_256 = arith.maximumf %max3A_253, %get3A_255 : vector<16xf32>
      %get3A_257 = arith.constant 1344 : index
      %get3A_258 = tpu.vector_load %arg5[%get3A_257] {strides = array<i32>} : memref<2048xf32, #tpu.memory_space<vmem>>, vector<16xf32>,
      %max3A_259 = arith.maximumf %max3A_256, %get3A_258 : vector<16xf32>
      %get3A_260 = arith.constant 1360 : index
      %get3A_261 = tpu.vector_load %arg5[%get3A_260] {strides = array<i32>} : memref<2048xf32, #tpu.memory_space<vmem>>, vector<16xf32>,
      %max3A_262 = arith.maximumf %max3A_259, %get3A_261 : vector<16xf32>
      %get3A_263 = arith.constant 1376 : index
      %get3A_264 = tpu.vector_load %arg5[%get3A_263] {strides = array<i32>} : memref<2048xf32, #tpu.memory_space<vmem>>, vector<16xf32>,
      %max3A_265 = arith.maximumf %max3A_262, %get3A_264 : vector<16xf32>
      %get3A_266 = arith.constant 1392 : index
      %get3A_267 = tpu.vector_load %arg5[%get3A_266] {strides = array<i32>} : memref<2048xf32, #tpu.memory_space<vmem>>, vector<16xf32>,
      %max3A_268 = arith.maximumf %max3A_265, %get3A_267 : vector<16xf32>
      %get3A_269 = arith.constant 1408 : index
      %get3A_270 = tpu.vector_load %arg5[%get3A_269] {strides = array<i32>} : memref<2048xf32, #tpu.memory_space<vmem>>, vector<16xf32>,
      %max3A_271 = arith.maximumf %max3A_268, %get3A_270 : vector<16xf32>
      %get3A_272 = arith.constant 1424 : index
      %get3A_273 = tpu.vector_load %arg5[%get3A_272] {strides = array<i32>} : memref<2048xf32, #tpu.memory_space<vmem>>, vector<16xf32>,
      %max3A_274 = arith.maximumf %max3A_271, %get3A_273 : vector<16xf32>
      %get3A_275 = arith.constant 1440 : index
      %get3A_276 = tpu.vector_load %arg5[%get3A_275] {strides = array<i32>} : memref<2048xf32, #tpu.memory_space<vmem>>, vector<16xf32>,
      %max3A_277 = arith.maximumf %max3A_274, %get3A_276 : vector<16xf32>
      %get3A_278 = arith.constant 1456 : index
      %get3A_279 = tpu.vector_load %arg5[%get3A_278] {strides = array<i32>} : memref<2048xf32, #tpu.memory_space<vmem>>, vector<16xf32>,
      %max3A_280 = arith.maximumf %max3A_277, %get3A_279 : vector<16xf32>
      %get3A_281 = arith.constant 1472 : index
      %get3A_282 = tpu.vector_load %arg5[%get3A_281] {strides = array<i32>} : memref<2048xf32, #tpu.memory_space<vmem>>, vector<16xf32>,
      %max3A_283 = arith.maximumf %max3A_280, %get3A_282 : vector<16xf32>
      %get3A_284 = arith.constant 1488 : index
      %get3A_285 = tpu.vector_load %arg5[%get3A_284] {strides = array<i32>} : memref<2048xf32, #tpu.memory_space<vmem>>, vector<16xf32>,
      %max3A_286 = arith.maximumf %max3A_283, %get3A_285 : vector<16xf32>
      %get3A_287 = arith.constant 1504 : index
      %get3A_288 = tpu.vector_load %arg5[%get3A_287] {strides = array<i32>} : memref<2048xf32, #tpu.memory_space<vmem>>, vector<16xf32>,
      %max3A_289 = arith.maximumf %max3A_286, %get3A_288 : vector<16xf32>
      %get3A_290 = arith.constant 1520 : index
      %get3A_291 = tpu.vector_load %arg5[%get3A_290] {strides = array<i32>} : memref<2048xf32, #tpu.memory_space<vmem>>, vector<16xf32>,
      %max3A_292 = arith.maximumf %max3A_289, %get3A_291 : vector<16xf32>
      %get3A_293 = arith.constant 1536 : index
      %get3A_294 = tpu.vector_load %arg5[%get3A_293] {strides = array<i32>} : memref<2048xf32, #tpu.memory_space<vmem>>, vector<16xf32>,
      %get3A_295 = arith.constant 1552 : index
      %get3A_296 = tpu.vector_load %arg5[%get3A_295] {strides = array<i32>} : memref<2048xf32, #tpu.memory_space<vmem>>, vector<16xf32>,
      %max3A_297 = arith.maximumf %get3A_294, %get3A_296 : vector<16xf32>
      %get3A_298 = arith.constant 1568 : index
      %get3A_299 = tpu.vector_load %arg5[%get3A_298] {strides = array<i32>} : memref<2048xf32, #tpu.memory_space<vmem>>, vector<16xf32>,
      %max3A_300 = arith.maximumf %max3A_297, %get3A_299 : vector<16xf32>
      %get3A_301 = arith.constant 1584 : index
      %get3A_302 = tpu.vector_load %arg5[%get3A_301] {strides = array<i32>} : memref<2048xf32, #tpu.memory_space<vmem>>, vector<16xf32>,
      %max3A_303 = arith.maximumf %max3A_300, %get3A_302 : vector<16xf32>
      %get3A_304 = arith.constant 1600 : index
      %get3A_305 = tpu.vector_load %arg5[%get3A_304] {strides = array<i32>} : memref<2048xf32, #tpu.memory_space<vmem>>, vector<16xf32>,
      %max3A_306 = arith.maximumf %max3A_303, %get3A_305 : vector<16xf32>
      %get3A_307 = arith.constant 1616 : index
      %get3A_308 = tpu.vector_load %arg5[%get3A_307] {strides = array<i32>} : memref<2048xf32, #tpu.memory_space<vmem>>, vector<16xf32>,
      %max3A_309 = arith.maximumf %max3A_306, %get3A_308 : vector<16xf32>
      %get3A_310 = arith.constant 1632 : index
      %get3A_311 = tpu.vector_load %arg5[%get3A_310] {strides = array<i32>} : memref<2048xf32, #tpu.memory_space<vmem>>, vector<16xf32>,
      %max3A_312 = arith.maximumf %max3A_309, %get3A_311 : vector<16xf32>
      %get3A_313 = arith.constant 1648 : index
      %get3A_314 = tpu.vector_load %arg5[%get3A_313] {strides = array<i32>} : memref<2048xf32, #tpu.memory_space<vmem>>, vector<16xf32>,
      %max3A_315 = arith.maximumf %max3A_312, %get3A_314 : vector<16xf32>
      %get3A_316 = arith.constant 1664 : index
      %get3A_317 = tpu.vector_load %arg5[%get3A_316] {strides = array<i32>} : memref<2048xf32, #tpu.memory_space<vmem>>, vector<16xf32>,
      %max3A_318 = arith.maximumf %max3A_315, %get3A_317 : vector<16xf32>
      %get3A_319 = arith.constant 1680 : index
      %get3A_320 = tpu.vector_load %arg5[%get3A_319] {strides = array<i32>} : memref<2048xf32, #tpu.memory_space<vmem>>, vector<16xf32>,
      %max3A_321 = arith.maximumf %max3A_318, %get3A_320 : vector<16xf32>
      %get3A_322 = arith.constant 1696 : index
      %get3A_323 = tpu.vector_load %arg5[%get3A_322] {strides = array<i32>} : memref<2048xf32, #tpu.memory_space<vmem>>, vector<16xf32>,
      %max3A_324 = arith.maximumf %max3A_321, %get3A_323 : vector<16xf32>
      %get3A_325 = arith.constant 1712 : index
      %get3A_326 = tpu.vector_load %arg5[%get3A_325] {strides = array<i32>} : memref<2048xf32, #tpu.memory_space<vmem>>, vector<16xf32>,
      %max3A_327 = arith.maximumf %max3A_324, %get3A_326 : vector<16xf32>
      %get3A_328 = arith.constant 1728 : index
      %get3A_329 = tpu.vector_load %arg5[%get3A_328] {strides = array<i32>} : memref<2048xf32, #tpu.memory_space<vmem>>, vector<16xf32>,
      %max3A_330 = arith.maximumf %max3A_327, %get3A_329 : vector<16xf32>
      %get3A_331 = arith.constant 1744 : index
      %get3A_332 = tpu.vector_load %arg5[%get3A_331] {strides = array<i32>} : memref<2048xf32, #tpu.memory_space<vmem>>, vector<16xf32>,
      %max3A_333 = arith.maximumf %max3A_330, %get3A_332 : vector<16xf32>
      %get3A_334 = arith.constant 1760 : index
      %get3A_335 = tpu.vector_load %arg5[%get3A_334] {strides = array<i32>} : memref<2048xf32, #tpu.memory_space<vmem>>, vector<16xf32>,
      %max3A_336 = arith.maximumf %max3A_333, %get3A_335 : vector<16xf32>
      %get3A_337 = arith.constant 1776 : index
      %get3A_338 = tpu.vector_load %arg5[%get3A_337] {strides = array<i32>} : memref<2048xf32, #tpu.memory_space<vmem>>, vector<16xf32>,
      %max3A_339 = arith.maximumf %max3A_336, %get3A_338 : vector<16xf32>
      %get3A_340 = arith.constant 1792 : index
      %get3A_341 = tpu.vector_load %arg5[%get3A_340] {strides = array<i32>} : memref<2048xf32, #tpu.memory_space<vmem>>, vector<16xf32>,
      %get3A_342 = arith.constant 1808 : index
      %get3A_343 = tpu.vector_load %arg5[%get3A_342] {strides = array<i32>} : memref<2048xf32, #tpu.memory_space<vmem>>, vector<16xf32>,
      %max3A_344 = arith.maximumf %get3A_341, %get3A_343 : vector<16xf32>
      %get3A_345 = arith.constant 1824 : index
      %get3A_346 = tpu.vector_load %arg5[%get3A_345] {strides = array<i32>} : memref<2048xf32, #tpu.memory_space<vmem>>, vector<16xf32>,
      %max3A_347 = arith.maximumf %max3A_344, %get3A_346 : vector<16xf32>
      %get3A_348 = arith.constant 1840 : index
      %get3A_349 = tpu.vector_load %arg5[%get3A_348] {strides = array<i32>} : memref<2048xf32, #tpu.memory_space<vmem>>, vector<16xf32>,
      %max3A_350 = arith.maximumf %max3A_347, %get3A_349 : vector<16xf32>
      %get3A_351 = arith.constant 1856 : index
      %get3A_352 = tpu.vector_load %arg5[%get3A_351] {strides = array<i32>} : memref<2048xf32, #tpu.memory_space<vmem>>, vector<16xf32>,
      %max3A_353 = arith.maximumf %max3A_350, %get3A_352 : vector<16xf32>
      %get3A_354 = arith.constant 1872 : index
      %get3A_355 = tpu.vector_load %arg5[%get3A_354] {strides = array<i32>} : memref<2048xf32, #tpu.memory_space<vmem>>, vector<16xf32>,
      %max3A_356 = arith.maximumf %max3A_353, %get3A_355 : vector<16xf32>
      %get3A_357 = arith.constant 1888 : index
      %get3A_358 = tpu.vector_load %arg5[%get3A_357] {strides = array<i32>} : memref<2048xf32, #tpu.memory_space<vmem>>, vector<16xf32>,
      %max3A_359 = arith.maximumf %max3A_356, %get3A_358 : vector<16xf32>
      %get3A_360 = arith.constant 1904 : index
      %get3A_361 = tpu.vector_load %arg5[%get3A_360] {strides = array<i32>} : memref<2048xf32, #tpu.memory_space<vmem>>, vector<16xf32>,
      %max3A_362 = arith.maximumf %max3A_359, %get3A_361 : vector<16xf32>
      %get3A_363 = arith.constant 1920 : index
      %get3A_364 = tpu.vector_load %arg5[%get3A_363] {strides = array<i32>} : memref<2048xf32, #tpu.memory_space<vmem>>, vector<16xf32>,
      %max3A_365 = arith.maximumf %max3A_362, %get3A_364 : vector<16xf32>
      %get3A_366 = arith.constant 1936 : index
      %get3A_367 = tpu.vector_load %arg5[%get3A_366] {strides = array<i32>} : memref<2048xf32, #tpu.memory_space<vmem>>, vector<16xf32>,
      %max3A_368 = arith.maximumf %max3A_365, %get3A_367 : vector<16xf32>
      %get3A_369 = arith.constant 1952 : index
      %get3A_370 = tpu.vector_load %arg5[%get3A_369] {strides = array<i32>} : memref<2048xf32, #tpu.memory_space<vmem>>, vector<16xf32>,
      %max3A_371 = arith.maximumf %max3A_368, %get3A_370 : vector<16xf32>
      %get3A_372 = arith.constant 1968 : index
      %get3A_373 = tpu.vector_load %arg5[%get3A_372] {strides = array<i32>} : memref<2048xf32, #tpu.memory_space<vmem>>, vector<16xf32>,
      %max3A_374 = arith.maximumf %max3A_371, %get3A_373 : vector<16xf32>
      %get3A_375 = arith.constant 1984 : index
      %get3A_376 = tpu.vector_load %arg5[%get3A_375] {strides = array<i32>} : memref<2048xf32, #tpu.memory_space<vmem>>, vector<16xf32>,
      %max3A_377 = arith.maximumf %max3A_374, %get3A_376 : vector<16xf32>
      %get3A_378 = arith.constant 2000 : index
      %get3A_379 = tpu.vector_load %arg5[%get3A_378] {strides = array<i32>} : memref<2048xf32, #tpu.memory_space<vmem>>, vector<16xf32>,
      %max3A_380 = arith.maximumf %max3A_377, %get3A_379 : vector<16xf32>
      %get3A_381 = arith.constant 2016 : index
      %get3A_382 = tpu.vector_load %arg5[%get3A_381] {strides = array<i32>} : memref<2048xf32, #tpu.memory_space<vmem>>, vector<16xf32>,
      %max3A_383 = arith.maximumf %max3A_380, %get3A_382 : vector<16xf32>
      %get3A_384 = arith.constant 2032 : index
      %get3A_385 = tpu.vector_load %arg5[%get3A_384] {strides = array<i32>} : memref<2048xf32, #tpu.memory_space<vmem>>, vector<16xf32>,
      %max3A_386 = arith.maximumf %max3A_383, %get3A_385 : vector<16xf32>
      %broadcast_in_dim3A = arith.constant -3.000000e+38 : f32
      %broadcast_in_dim3A_387 = vector.broadcast %broadcast_in_dim3A : f32 to vector<16xf32>
      %broadcast_in_dim3A_388 = arith.constant -3.000000e+38 : f32
      %broadcast_in_dim3A_389 = vector.broadcast %broadcast_in_dim3A_388 : f32 to vector<16xf32>
      %broadcast_in_dim3A_390 = arith.constant 0 : i32
      %broadcast_in_dim3A_391 = vector.broadcast %broadcast_in_dim3A_390 : i32 to vector<16xi32>
      %broadcast_in_dim3A_392 = arith.constant 0 : i32
      %broadcast_in_dim3A_393 = vector.broadcast %broadcast_in_dim3A_392 : i32 to vector<16xi32>
      %scan3A = arith.constant 0 : i32
      %scan3A_394 = arith.constant 20 : i32
      %scan3A_395 = arith.addi %scan3A, %scan3A_394 : i32
      %scan3A_396 = arith.constant 1 : i32
      %scan3A_397:12 = scf.for %scan3A_440 = %scan3A to %scan3A_395 step %scan3A_396 iter_args(%scan3A_441 = %broadcast_in_dim3A_387, %scan3A_442 = %broadcast_in_dim3A_389, %scan3A_443 = %broadcast_in_dim3A_391, %scan3A_444 = %broadcast_in_dim3A_393, %scan3A_445 = %max3A_57, %scan3A_446 = %max3A_104, %scan3A_447 = %max3A_151, %scan3A_448 = %max3A_198, %scan3A_449 = %max3A_245, %scan3A_450 = %max3A_292, %scan3A_451 = %max3A_339, %scan3A_452 = %max3A_386) -> (vector<16xf32>, vector<16xf32>, vector<16xi32>, vector<16xi32>, vector<16xf32>, vector<16xf32>, vector<16xf32>, vector<16xf32>, vector<16xf32>, vector<16xf32>, vector<16xf32>, vector<16xf32>)  : i32 {
        %max3A_453 = arith.maximumf %scan3A_445, %scan3A_446 : vector<16xf32>
        %max3A_454 = arith.maximumf %max3A_453, %scan3A_447 : vector<16xf32>
        %max3A_455 = arith.maximumf %max3A_454, %scan3A_448 : vector<16xf32>
        %max3A_456 = arith.maximumf %max3A_455, %scan3A_449 : vector<16xf32>
        %max3A_457 = arith.maximumf %max3A_456, %scan3A_450 : vector<16xf32>
        %max3A_458 = arith.maximumf %max3A_457, %scan3A_451 : vector<16xf32>
        %max3A_459 = arith.maximumf %max3A_458, %scan3A_452 : vector<16xf32>
        %reduce_max3A = arith.constant true
        %reduce_max3A_460 = vector.broadcast %reduce_max3A : i1 to vector<16xi1>
        %reduce_max3A_461 = tpu.scan <max>, %max3A_459 masked %reduce_max3A_460 : vector<16xf32>, vector<16xi1> -> vector<16xf32>
        %reduce_max3A_462 = vector.extract %reduce_max3A_461[15] : f32 from vector<16xf32>
        %eq3A_463 = vector.broadcast %reduce_max3A_462 : f32 to vector<16xf32>
        %eq3A_464 = arith.cmpf oeq, %scan3A_445, %eq3A_463 : vector<16xf32>
        %broadcast_in_dim3A_465 = arith.constant 1 : i32
        %broadcast_in_dim3A_466 = vector.broadcast %broadcast_in_dim3A_465 : i32 to vector<16xi32>
        %broadcast_in_dim3A_467 = arith.constant 0 : i32
        %broadcast_in_dim3A_468 = vector.broadcast %broadcast_in_dim3A_467 : i32 to vector<16xi32>
        %select_n3A = arith.select %eq3A_464, %broadcast_in_dim3A_466, %broadcast_in_dim3A_468 : vector<16xi1>, vector<16xi32>
        %reduce_max3A_469 = arith.constant true
        %reduce_max3A_470 = vector.broadcast %reduce_max3A_469 : i1 to vector<16xi1>
        %reduce_max3A_471 = arith.constant -2147483648 : i32
        %reduce_max3A_472 = vector.broadcast %reduce_max3A_471 : i32 to vector<16xi32>
        %reduce_max3A_473 = arith.xori %select_n3A, %reduce_max3A_472 : vector<16xi32>
        %reduce_max3A_474 = tpu.scan <max>, %reduce_max3A_473 masked %reduce_max3A_470 : vector<16xi32>, vector<16xi1> -> vector<16xi32>
        %reduce_max3A_475 = arith.xori %reduce_max3A_474, %reduce_max3A_472 : vector<16xi32>
        %reduce_max3A_476 = vector.extract %reduce_max3A_475[15] : i32 from vector<16xi32>
        %gt3A = arith.constant 0 : i32
        %gt3A_477 = arith.cmpi sgt, %reduce_max3A_476, %gt3A : i32
        %jit3A = arith.constant 0 : i32
        %jit3A_478 = arith.constant 9999 : i32
        %select_n3A_479 = arith.select %gt3A_477, %jit3A, %jit3A_478 : i32
        %min3A = arith.constant 9999 : i32
        %min3A_480 = arith.minsi %min3A, %select_n3A_479 : i32
        %eq3A_481 = vector.broadcast %reduce_max3A_462 : f32 to vector<16xf32>
        %eq3A_482 = arith.cmpf oeq, %scan3A_446, %eq3A_481 : vector<16xf32>
        %broadcast_in_dim3A_483 = arith.constant 1 : i32
        %broadcast_in_dim3A_484 = vector.broadcast %broadcast_in_dim3A_483 : i32 to vector<16xi32>
        %broadcast_in_dim3A_485 = arith.constant 0 : i32
        %broadcast_in_dim3A_486 = vector.broadcast %broadcast_in_dim3A_485 : i32 to vector<16xi32>
        %select_n3A_487 = arith.select %eq3A_482, %broadcast_in_dim3A_484, %broadcast_in_dim3A_486 : vector<16xi1>, vector<16xi32>
        %reduce_max3A_488 = arith.constant true
        %reduce_max3A_489 = vector.broadcast %reduce_max3A_488 : i1 to vector<16xi1>
        %reduce_max3A_490 = arith.constant -2147483648 : i32
        %reduce_max3A_491 = vector.broadcast %reduce_max3A_490 : i32 to vector<16xi32>
        %reduce_max3A_492 = arith.xori %select_n3A_487, %reduce_max3A_491 : vector<16xi32>
        %reduce_max3A_493 = tpu.scan <max>, %reduce_max3A_492 masked %reduce_max3A_489 : vector<16xi32>, vector<16xi1> -> vector<16xi32>
        %reduce_max3A_494 = arith.xori %reduce_max3A_493, %reduce_max3A_491 : vector<16xi32>
        %reduce_max3A_495 = vector.extract %reduce_max3A_494[15] : i32 from vector<16xi32>
        %gt3A_496 = arith.constant 0 : i32
        %gt3A_497 = arith.cmpi sgt, %reduce_max3A_495, %gt3A_496 : i32
        %jit3A_498 = arith.constant 1 : i32
        %jit3A_499 = arith.constant 9999 : i32
        %select_n3A_500 = arith.select %gt3A_497, %jit3A_498, %jit3A_499 : i32
        %min3A_501 = arith.minsi %min3A_480, %select_n3A_500 : i32
        %eq3A_502 = vector.broadcast %reduce_max3A_462 : f32 to vector<16xf32>
        %eq3A_503 = arith.cmpf oeq, %scan3A_447, %eq3A_502 : vector<16xf32>
        %broadcast_in_dim3A_504 = arith.constant 1 : i32
        %broadcast_in_dim3A_505 = vector.broadcast %broadcast_in_dim3A_504 : i32 to vector<16xi32>
        %broadcast_in_dim3A_506 = arith.constant 0 : i32
        %broadcast_in_dim3A_507 = vector.broadcast %broadcast_in_dim3A_506 : i32 to vector<16xi32>
        %select_n3A_508 = arith.select %eq3A_503, %broadcast_in_dim3A_505, %broadcast_in_dim3A_507 : vector<16xi1>, vector<16xi32>
        %reduce_max3A_509 = arith.constant true
        %reduce_max3A_510 = vector.broadcast %reduce_max3A_509 : i1 to vector<16xi1>
        %reduce_max3A_511 = arith.constant -2147483648 : i32
        %reduce_max3A_512 = vector.broadcast %reduce_max3A_511 : i32 to vector<16xi32>
        %reduce_max3A_513 = arith.xori %select_n3A_508, %reduce_max3A_512 : vector<16xi32>
        %reduce_max3A_514 = tpu.scan <max>, %reduce_max3A_513 masked %reduce_max3A_510 : vector<16xi32>, vector<16xi1> -> vector<16xi32>
        %reduce_max3A_515 = arith.xori %reduce_max3A_514, %reduce_max3A_512 : vector<16xi32>
        %reduce_max3A_516 = vector.extract %reduce_max3A_515[15] : i32 from vector<16xi32>
        %gt3A_517 = arith.constant 0 : i32
        %gt3A_518 = arith.cmpi sgt, %reduce_max3A_516, %gt3A_517 : i32
        %jit3A_519 = arith.constant 2 : i32
        %jit3A_520 = arith.constant 9999 : i32
        %select_n3A_521 = arith.select %gt3A_518, %jit3A_519, %jit3A_520 : i32
        %min3A_522 = arith.minsi %min3A_501, %select_n3A_521 : i32
        %eq3A_523 = vector.broadcast %reduce_max3A_462 : f32 to vector<16xf32>
        %eq3A_524 = arith.cmpf oeq, %scan3A_448, %eq3A_523 : vector<16xf32>
        %broadcast_in_dim3A_525 = arith.constant 1 : i32
        %broadcast_in_dim3A_526 = vector.broadcast %broadcast_in_dim3A_525 : i32 to vector<16xi32>
        %broadcast_in_dim3A_527 = arith.constant 0 : i32
        %broadcast_in_dim3A_528 = vector.broadcast %broadcast_in_dim3A_527 : i32 to vector<16xi32>
        %select_n3A_529 = arith.select %eq3A_524, %broadcast_in_dim3A_526, %broadcast_in_dim3A_528 : vector<16xi1>, vector<16xi32>
        %reduce_max3A_530 = arith.constant true
        %reduce_max3A_531 = vector.broadcast %reduce_max3A_530 : i1 to vector<16xi1>
        %reduce_max3A_532 = arith.constant -2147483648 : i32
        %reduce_max3A_533 = vector.broadcast %reduce_max3A_532 : i32 to vector<16xi32>
        %reduce_max3A_534 = arith.xori %select_n3A_529, %reduce_max3A_533 : vector<16xi32>
        %reduce_max3A_535 = tpu.scan <max>, %reduce_max3A_534 masked %reduce_max3A_531 : vector<16xi32>, vector<16xi1> -> vector<16xi32>
        %reduce_max3A_536 = arith.xori %reduce_max3A_535, %reduce_max3A_533 : vector<16xi32>
        %reduce_max3A_537 = vector.extract %reduce_max3A_536[15] : i32 from vector<16xi32>
        %gt3A_538 = arith.constant 0 : i32
        %gt3A_539 = arith.cmpi sgt, %reduce_max3A_537, %gt3A_538 : i32
        %jit3A_540 = arith.constant 3 : i32
        %jit3A_541 = arith.constant 9999 : i32
        %select_n3A_542 = arith.select %gt3A_539, %jit3A_540, %jit3A_541 : i32
        %min3A_543 = arith.minsi %min3A_522, %select_n3A_542 : i32
        %eq3A_544 = vector.broadcast %reduce_max3A_462 : f32 to vector<16xf32>
        %eq3A_545 = arith.cmpf oeq, %scan3A_449, %eq3A_544 : vector<16xf32>
        %broadcast_in_dim3A_546 = arith.constant 1 : i32
        %broadcast_in_dim3A_547 = vector.broadcast %broadcast_in_dim3A_546 : i32 to vector<16xi32>
        %broadcast_in_dim3A_548 = arith.constant 0 : i32
        %broadcast_in_dim3A_549 = vector.broadcast %broadcast_in_dim3A_548 : i32 to vector<16xi32>
        %select_n3A_550 = arith.select %eq3A_545, %broadcast_in_dim3A_547, %broadcast_in_dim3A_549 : vector<16xi1>, vector<16xi32>
        %reduce_max3A_551 = arith.constant true
        %reduce_max3A_552 = vector.broadcast %reduce_max3A_551 : i1 to vector<16xi1>
        %reduce_max3A_553 = arith.constant -2147483648 : i32
        %reduce_max3A_554 = vector.broadcast %reduce_max3A_553 : i32 to vector<16xi32>
        %reduce_max3A_555 = arith.xori %select_n3A_550, %reduce_max3A_554 : vector<16xi32>
        %reduce_max3A_556 = tpu.scan <max>, %reduce_max3A_555 masked %reduce_max3A_552 : vector<16xi32>, vector<16xi1> -> vector<16xi32>
        %reduce_max3A_557 = arith.xori %reduce_max3A_556, %reduce_max3A_554 : vector<16xi32>
        %reduce_max3A_558 = vector.extract %reduce_max3A_557[15] : i32 from vector<16xi32>
        %gt3A_559 = arith.constant 0 : i32
        %gt3A_560 = arith.cmpi sgt, %reduce_max3A_558, %gt3A_559 : i32
        %jit3A_561 = arith.constant 4 : i32
        %jit3A_562 = arith.constant 9999 : i32
        %select_n3A_563 = arith.select %gt3A_560, %jit3A_561, %jit3A_562 : i32
        %min3A_564 = arith.minsi %min3A_543, %select_n3A_563 : i32
        %eq3A_565 = vector.broadcast %reduce_max3A_462 : f32 to vector<16xf32>
        %eq3A_566 = arith.cmpf oeq, %scan3A_450, %eq3A_565 : vector<16xf32>
        %broadcast_in_dim3A_567 = arith.constant 1 : i32
        %broadcast_in_dim3A_568 = vector.broadcast %broadcast_in_dim3A_567 : i32 to vector<16xi32>
        %broadcast_in_dim3A_569 = arith.constant 0 : i32
        %broadcast_in_dim3A_570 = vector.broadcast %broadcast_in_dim3A_569 : i32 to vector<16xi32>
        %select_n3A_571 = arith.select %eq3A_566, %broadcast_in_dim3A_568, %broadcast_in_dim3A_570 : vector<16xi1>, vector<16xi32>
        %reduce_max3A_572 = arith.constant true
        %reduce_max3A_573 = vector.broadcast %reduce_max3A_572 : i1 to vector<16xi1>
        %reduce_max3A_574 = arith.constant -2147483648 : i32
        %reduce_max3A_575 = vector.broadcast %reduce_max3A_574 : i32 to vector<16xi32>
        %reduce_max3A_576 = arith.xori %select_n3A_571, %reduce_max3A_575 : vector<16xi32>
        %reduce_max3A_577 = tpu.scan <max>, %reduce_max3A_576 masked %reduce_max3A_573 : vector<16xi32>, vector<16xi1> -> vector<16xi32>
        %reduce_max3A_578 = arith.xori %reduce_max3A_577, %reduce_max3A_575 : vector<16xi32>
        %reduce_max3A_579 = vector.extract %reduce_max3A_578[15] : i32 from vector<16xi32>
        %gt3A_580 = arith.constant 0 : i32
        %gt3A_581 = arith.cmpi sgt, %reduce_max3A_579, %gt3A_580 : i32
        %jit3A_582 = arith.constant 5 : i32
        %jit3A_583 = arith.constant 9999 : i32
        %select_n3A_584 = arith.select %gt3A_581, %jit3A_582, %jit3A_583 : i32
        %min3A_585 = arith.minsi %min3A_564, %select_n3A_584 : i32
        %eq3A_586 = vector.broadcast %reduce_max3A_462 : f32 to vector<16xf32>
        %eq3A_587 = arith.cmpf oeq, %scan3A_451, %eq3A_586 : vector<16xf32>
        %broadcast_in_dim3A_588 = arith.constant 1 : i32
        %broadcast_in_dim3A_589 = vector.broadcast %broadcast_in_dim3A_588 : i32 to vector<16xi32>
        %broadcast_in_dim3A_590 = arith.constant 0 : i32
        %broadcast_in_dim3A_591 = vector.broadcast %broadcast_in_dim3A_590 : i32 to vector<16xi32>
        %select_n3A_592 = arith.select %eq3A_587, %broadcast_in_dim3A_589, %broadcast_in_dim3A_591 : vector<16xi1>, vector<16xi32>
        %reduce_max3A_593 = arith.constant true
        %reduce_max3A_594 = vector.broadcast %reduce_max3A_593 : i1 to vector<16xi1>
        %reduce_max3A_595 = arith.constant -2147483648 : i32
        %reduce_max3A_596 = vector.broadcast %reduce_max3A_595 : i32 to vector<16xi32>
        %reduce_max3A_597 = arith.xori %select_n3A_592, %reduce_max3A_596 : vector<16xi32>
        %reduce_max3A_598 = tpu.scan <max>, %reduce_max3A_597 masked %reduce_max3A_594 : vector<16xi32>, vector<16xi1> -> vector<16xi32>
        %reduce_max3A_599 = arith.xori %reduce_max3A_598, %reduce_max3A_596 : vector<16xi32>
        %reduce_max3A_600 = vector.extract %reduce_max3A_599[15] : i32 from vector<16xi32>
        %gt3A_601 = arith.constant 0 : i32
        %gt3A_602 = arith.cmpi sgt, %reduce_max3A_600, %gt3A_601 : i32
        %jit3A_603 = arith.constant 6 : i32
        %jit3A_604 = arith.constant 9999 : i32
        %select_n3A_605 = arith.select %gt3A_602, %jit3A_603, %jit3A_604 : i32
        %min3A_606 = arith.minsi %min3A_585, %select_n3A_605 : i32
        %eq3A_607 = vector.broadcast %reduce_max3A_462 : f32 to vector<16xf32>
        %eq3A_608 = arith.cmpf oeq, %scan3A_452, %eq3A_607 : vector<16xf32>
        %broadcast_in_dim3A_609 = arith.constant 1 : i32
        %broadcast_in_dim3A_610 = vector.broadcast %broadcast_in_dim3A_609 : i32 to vector<16xi32>
        %broadcast_in_dim3A_611 = arith.constant 0 : i32
        %broadcast_in_dim3A_612 = vector.broadcast %broadcast_in_dim3A_611 : i32 to vector<16xi32>
        %select_n3A_613 = arith.select %eq3A_608, %broadcast_in_dim3A_610, %broadcast_in_dim3A_612 : vector<16xi1>, vector<16xi32>
        %reduce_max3A_614 = arith.constant true
        %reduce_max3A_615 = vector.broadcast %reduce_max3A_614 : i1 to vector<16xi1>
        %reduce_max3A_616 = arith.constant -2147483648 : i32
        %reduce_max3A_617 = vector.broadcast %reduce_max3A_616 : i32 to vector<16xi32>
        %reduce_max3A_618 = arith.xori %select_n3A_613, %reduce_max3A_617 : vector<16xi32>
        %reduce_max3A_619 = tpu.scan <max>, %reduce_max3A_618 masked %reduce_max3A_615 : vector<16xi32>, vector<16xi1> -> vector<16xi32>
        %reduce_max3A_620 = arith.xori %reduce_max3A_619, %reduce_max3A_617 : vector<16xi32>
        %reduce_max3A_621 = vector.extract %reduce_max3A_620[15] : i32 from vector<16xi32>
        %gt3A_622 = arith.constant 0 : i32
        %gt3A_623 = arith.cmpi sgt, %reduce_max3A_621, %gt3A_622 : i32
        %jit3A_624 = arith.constant 7 : i32
        %jit3A_625 = arith.constant 9999 : i32
        %select_n3A_626 = arith.select %gt3A_623, %jit3A_624, %jit3A_625 : i32
        %min3A_627 = arith.minsi %min3A_606, %select_n3A_626 : i32
        %broadcast_in_dim3A_628 = arith.constant -3.000000e+38 : f32
        %broadcast_in_dim3A_629 = vector.broadcast %broadcast_in_dim3A_628 : f32 to vector<16xf32>
        %broadcast_in_dim3A_630 = vector.broadcast %min3A_627 : i32 to vector<16xi32>
        %eq3A_631 = arith.constant 0 : i32
        %eq3A_632 = vector.broadcast %eq3A_631 : i32 to vector<16xi32>
        %eq3A_633 = arith.cmpi eq, %broadcast_in_dim3A_630, %eq3A_632 : vector<16xi32>
        %select_n3A_634 = arith.select %eq3A_633, %scan3A_445, %broadcast_in_dim3A_629 : vector<16xi1>, vector<16xf32>
        %broadcast_in_dim3A_635 = vector.broadcast %min3A_627 : i32 to vector<16xi32>
        %eq3A_636 = arith.constant 1 : i32
        %eq3A_637 = vector.broadcast %eq3A_636 : i32 to vector<16xi32>
        %eq3A_638 = arith.cmpi eq, %broadcast_in_dim3A_635, %eq3A_637 : vector<16xi32>
        %select_n3A_639 = arith.select %eq3A_638, %scan3A_446, %select_n3A_634 : vector<16xi1>, vector<16xf32>
        %broadcast_in_dim3A_640 = vector.broadcast %min3A_627 : i32 to vector<16xi32>
        %eq3A_641 = arith.constant 2 : i32
        %eq3A_642 = vector.broadcast %eq3A_641 : i32 to vector<16xi32>
        %eq3A_643 = arith.cmpi eq, %broadcast_in_dim3A_640, %eq3A_642 : vector<16xi32>
        %select_n3A_644 = arith.select %eq3A_643, %scan3A_447, %select_n3A_639 : vector<16xi1>, vector<16xf32>
        %broadcast_in_dim3A_645 = vector.broadcast %min3A_627 : i32 to vector<16xi32>
        %eq3A_646 = arith.constant 3 : i32
        %eq3A_647 = vector.broadcast %eq3A_646 : i32 to vector<16xi32>
        %eq3A_648 = arith.cmpi eq, %broadcast_in_dim3A_645, %eq3A_647 : vector<16xi32>
        %select_n3A_649 = arith.select %eq3A_648, %scan3A_448, %select_n3A_644 : vector<16xi1>, vector<16xf32>
        %broadcast_in_dim3A_650 = vector.broadcast %min3A_627 : i32 to vector<16xi32>
        %eq3A_651 = arith.constant 4 : i32
        %eq3A_652 = vector.broadcast %eq3A_651 : i32 to vector<16xi32>
        %eq3A_653 = arith.cmpi eq, %broadcast_in_dim3A_650, %eq3A_652 : vector<16xi32>
        %select_n3A_654 = arith.select %eq3A_653, %scan3A_449, %select_n3A_649 : vector<16xi1>, vector<16xf32>
        %broadcast_in_dim3A_655 = vector.broadcast %min3A_627 : i32 to vector<16xi32>
        %eq3A_656 = arith.constant 5 : i32
        %eq3A_657 = vector.broadcast %eq3A_656 : i32 to vector<16xi32>
        %eq3A_658 = arith.cmpi eq, %broadcast_in_dim3A_655, %eq3A_657 : vector<16xi32>
        %select_n3A_659 = arith.select %eq3A_658, %scan3A_450, %select_n3A_654 : vector<16xi1>, vector<16xf32>
        %broadcast_in_dim3A_660 = vector.broadcast %min3A_627 : i32 to vector<16xi32>
        %eq3A_661 = arith.constant 6 : i32
        %eq3A_662 = vector.broadcast %eq3A_661 : i32 to vector<16xi32>
        %eq3A_663 = arith.cmpi eq, %broadcast_in_dim3A_660, %eq3A_662 : vector<16xi32>
        %select_n3A_664 = arith.select %eq3A_663, %scan3A_451, %select_n3A_659 : vector<16xi1>, vector<16xf32>
        %broadcast_in_dim3A_665 = vector.broadcast %min3A_627 : i32 to vector<16xi32>
        %eq3A_666 = arith.constant 7 : i32
        %eq3A_667 = vector.broadcast %eq3A_666 : i32 to vector<16xi32>
        %eq3A_668 = arith.cmpi eq, %broadcast_in_dim3A_665, %eq3A_667 : vector<16xi32>
        %select_n3A_669 = arith.select %eq3A_668, %scan3A_452, %select_n3A_664 : vector<16xi1>, vector<16xf32>
        %eq3A_670 = vector.broadcast %reduce_max3A_462 : f32 to vector<16xf32>
        %eq3A_671 = arith.cmpf oeq, %select_n3A_669, %eq3A_670 : vector<16xf32>
        %iota3A_672 = tpu.iota {dimensions = array<i32: 0>} : vector<16xi32>
        %broadcast_in_dim3A_673 = arith.constant 9999 : i32
        %broadcast_in_dim3A_674 = vector.broadcast %broadcast_in_dim3A_673 : i32 to vector<16xi32>
        %select_n3A_675 = arith.select %eq3A_671, %iota3A_672, %broadcast_in_dim3A_674 : vector<16xi1>, vector<16xi32>
        %reduce_min3A = arith.constant true
        %reduce_min3A_676 = vector.broadcast %reduce_min3A : i1 to vector<16xi1>
        %reduce_min3A_677 = arith.constant -2147483648 : i32
        %reduce_min3A_678 = vector.broadcast %reduce_min3A_677 : i32 to vector<16xi32>
        %reduce_min3A_679 = arith.xori %select_n3A_675, %reduce_min3A_678 : vector<16xi32>
        %reduce_min3A_680 = tpu.scan <min>, %reduce_min3A_679 masked %reduce_min3A_676 : vector<16xi32>, vector<16xi1> -> vector<16xi32>
        %reduce_min3A_681 = arith.xori %reduce_min3A_680, %reduce_min3A_678 : vector<16xi32>
        %reduce_min3A_682 = vector.extract %reduce_min3A_681[15] : i32 from vector<16xi32>
        %mul3A_683 = arith.constant 256 : i32
        %mul3A_684 = arith.muli %min3A_627, %mul3A_683 : i32
        %mul3A_685 = arith.constant 16 : i32
        %mul3A_686 = vector.broadcast %mul3A_685 : i32 to vector<16xi32>
        %mul3A_687 = arith.muli %iota3A, %mul3A_686 : vector<16xi32>
        %add3A_688 = vector.broadcast %mul3A_684 : i32 to vector<16xi32>
        %add3A_689 = arith.addi %add3A_688, %mul3A_687 : vector<16xi32>
        %add3A_690 = vector.broadcast %reduce_min3A_682 : i32 to vector<16xi32>
        %add3A_691 = arith.addi %add3A_689, %add3A_690 : vector<16xi32>
        %gather3A_692 = tpu.vector_load_idx %arg5[%add3A_691] : memref<2048xf32, #tpu.memory_space<vmem>>[vector<16xi32>], vector<16xf32>,
        %eq3A_693 = vector.broadcast %reduce_max3A_462 : f32 to vector<16xf32>
        %eq3A_694 = arith.cmpf oeq, %gather3A_692, %eq3A_693 : vector<16xf32>
        %broadcast_in_dim3A_695 = arith.constant 9999 : i32
        %broadcast_in_dim3A_696 = vector.broadcast %broadcast_in_dim3A_695 : i32 to vector<16xi32>
        %select_n3A_697 = arith.select %eq3A_694, %iota3A, %broadcast_in_dim3A_696 : vector<16xi1>, vector<16xi32>
        %reduce_min3A_698 = arith.constant true
        %reduce_min3A_699 = vector.broadcast %reduce_min3A_698 : i1 to vector<16xi1>
        %reduce_min3A_700 = arith.constant -2147483648 : i32
        %reduce_min3A_701 = vector.broadcast %reduce_min3A_700 : i32 to vector<16xi32>
        %reduce_min3A_702 = arith.xori %select_n3A_697, %reduce_min3A_701 : vector<16xi32>
        %reduce_min3A_703 = tpu.scan <min>, %reduce_min3A_702 masked %reduce_min3A_699 : vector<16xi32>, vector<16xi1> -> vector<16xi32>
        %reduce_min3A_704 = arith.xori %reduce_min3A_703, %reduce_min3A_701 : vector<16xi32>
        %reduce_min3A_705 = vector.extract %reduce_min3A_704[15] : i32 from vector<16xi32>
        %mul3A_706 = arith.constant 256 : i32
        %mul3A_707 = arith.muli %min3A_627, %mul3A_706 : i32
        %mul3A_708 = arith.constant 16 : i32
        %mul3A_709 = arith.muli %reduce_min3A_705, %mul3A_708 : i32
        %add3A_710 = arith.addi %mul3A_707, %mul3A_709 : i32
        %add3A_711 = arith.addi %add3A_710, %reduce_min3A_682 : i32
        %broadcast_in_dim3A_712 = vector.broadcast %add3A_711 : i32 to vector<16xi32>
        %broadcast_in_dim3A_713 = arith.constant -3.000000e+38 : f32
        %broadcast_in_dim3A_714 = vector.broadcast %broadcast_in_dim3A_713 : f32 to vector<16xf32>
        tpu.vector_store_idx %arg5[%broadcast_in_dim3A_712], %broadcast_in_dim3A_714 masked %eq3A_1 : memref<2048xf32, #tpu.memory_space<vmem>>[vector<16xi32>], vector<16xf32>, vector<16xi1>
        %broadcast_in_dim3A_715 = arith.constant -3.000000e+38 : f32
        %broadcast_in_dim3A_716 = vector.broadcast %broadcast_in_dim3A_715 : f32 to vector<16xf32>
        %mul3A_717 = arith.constant 256 : i32
        %mul3A_718 = arith.muli %min3A_627, %mul3A_717 : i32
        %add3A_719 = arith.constant 0 : i32
        %add3A_720 = arith.addi %mul3A_718, %add3A_719 : i32
        %add3A_721 = vector.broadcast %add3A_720 : i32 to vector<16xi32>
        %add3A_722 = arith.addi %add3A_721, %iota3A : vector<16xi32>
        %gather3A_723 = tpu.vector_load_idx %arg5[%add3A_722] : memref<2048xf32, #tpu.memory_space<vmem>>[vector<16xi32>], vector<16xf32>,
        %max3A_724 = arith.maximumf %broadcast_in_dim3A_716, %gather3A_723 : vector<16xf32>
        %mul3A_725 = arith.constant 256 : i32
        %mul3A_726 = arith.muli %min3A_627, %mul3A_725 : i32
        %add3A_727 = arith.constant 16 : i32
        %add3A_728 = arith.addi %mul3A_726, %add3A_727 : i32
        %add3A_729 = vector.broadcast %add3A_728 : i32 to vector<16xi32>
        %add3A_730 = arith.addi %add3A_729, %iota3A : vector<16xi32>
        %gather3A_731 = tpu.vector_load_idx %arg5[%add3A_730] : memref<2048xf32, #tpu.memory_space<vmem>>[vector<16xi32>], vector<16xf32>,
        %max3A_732 = arith.maximumf %max3A_724, %gather3A_731 : vector<16xf32>
        %mul3A_733 = arith.constant 256 : i32
        %mul3A_734 = arith.muli %min3A_627, %mul3A_733 : i32
        %add3A_735 = arith.constant 32 : i32
        %add3A_736 = arith.addi %mul3A_734, %add3A_735 : i32
        %add3A_737 = vector.broadcast %add3A_736 : i32 to vector<16xi32>
        %add3A_738 = arith.addi %add3A_737, %iota3A : vector<16xi32>
        %gather3A_739 = tpu.vector_load_idx %arg5[%add3A_738] : memref<2048xf32, #tpu.memory_space<vmem>>[vector<16xi32>], vector<16xf32>,
        %max3A_740 = arith.maximumf %max3A_732, %gather3A_739 : vector<16xf32>
        %mul3A_741 = arith.constant 256 : i32
        %mul3A_742 = arith.muli %min3A_627, %mul3A_741 : i32
        %add3A_743 = arith.constant 48 : i32
        %add3A_744 = arith.addi %mul3A_742, %add3A_743 : i32
        %add3A_745 = vector.broadcast %add3A_744 : i32 to vector<16xi32>
        %add3A_746 = arith.addi %add3A_745, %iota3A : vector<16xi32>
        %gather3A_747 = tpu.vector_load_idx %arg5[%add3A_746] : memref<2048xf32, #tpu.memory_space<vmem>>[vector<16xi32>], vector<16xf32>,
        %max3A_748 = arith.maximumf %max3A_740, %gather3A_747 : vector<16xf32>
        %mul3A_749 = arith.constant 256 : i32
        %mul3A_750 = arith.muli %min3A_627, %mul3A_749 : i32
        %add3A_751 = arith.constant 64 : i32
        %add3A_752 = arith.addi %mul3A_750, %add3A_751 : i32
        %add3A_753 = vector.broadcast %add3A_752 : i32 to vector<16xi32>
        %add3A_754 = arith.addi %add3A_753, %iota3A : vector<16xi32>
        %gather3A_755 = tpu.vector_load_idx %arg5[%add3A_754] : memref<2048xf32, #tpu.memory_space<vmem>>[vector<16xi32>], vector<16xf32>,
        %max3A_756 = arith.maximumf %max3A_748, %gather3A_755 : vector<16xf32>
        %mul3A_757 = arith.constant 256 : i32
        %mul3A_758 = arith.muli %min3A_627, %mul3A_757 : i32
        %add3A_759 = arith.constant 80 : i32
        %add3A_760 = arith.addi %mul3A_758, %add3A_759 : i32
        %add3A_761 = vector.broadcast %add3A_760 : i32 to vector<16xi32>
        %add3A_762 = arith.addi %add3A_761, %iota3A : vector<16xi32>
        %gather3A_763 = tpu.vector_load_idx %arg5[%add3A_762] : memref<2048xf32, #tpu.memory_space<vmem>>[vector<16xi32>], vector<16xf32>,
        %max3A_764 = arith.maximumf %max3A_756, %gather3A_763 : vector<16xf32>
        %mul3A_765 = arith.constant 256 : i32
        %mul3A_766 = arith.muli %min3A_627, %mul3A_765 : i32
        %add3A_767 = arith.constant 96 : i32
        %add3A_768 = arith.addi %mul3A_766, %add3A_767 : i32
        %add3A_769 = vector.broadcast %add3A_768 : i32 to vector<16xi32>
        %add3A_770 = arith.addi %add3A_769, %iota3A : vector<16xi32>
        %gather3A_771 = tpu.vector_load_idx %arg5[%add3A_770] : memref<2048xf32, #tpu.memory_space<vmem>>[vector<16xi32>], vector<16xf32>,
        %max3A_772 = arith.maximumf %max3A_764, %gather3A_771 : vector<16xf32>
        %mul3A_773 = arith.constant 256 : i32
        %mul3A_774 = arith.muli %min3A_627, %mul3A_773 : i32
        %add3A_775 = arith.constant 112 : i32
        %add3A_776 = arith.addi %mul3A_774, %add3A_775 : i32
        %add3A_777 = vector.broadcast %add3A_776 : i32 to vector<16xi32>
        %add3A_778 = arith.addi %add3A_777, %iota3A : vector<16xi32>
        %gather3A_779 = tpu.vector_load_idx %arg5[%add3A_778] : memref<2048xf32, #tpu.memory_space<vmem>>[vector<16xi32>], vector<16xf32>,
        %max3A_780 = arith.maximumf %max3A_772, %gather3A_779 : vector<16xf32>
        %mul3A_781 = arith.constant 256 : i32
        %mul3A_782 = arith.muli %min3A_627, %mul3A_781 : i32
        %add3A_783 = arith.constant 128 : i32
        %add3A_784 = arith.addi %mul3A_782, %add3A_783 : i32
        %add3A_785 = vector.broadcast %add3A_784 : i32 to vector<16xi32>
        %add3A_786 = arith.addi %add3A_785, %iota3A : vector<16xi32>
        %gather3A_787 = tpu.vector_load_idx %arg5[%add3A_786] : memref<2048xf32, #tpu.memory_space<vmem>>[vector<16xi32>], vector<16xf32>,
        %max3A_788 = arith.maximumf %max3A_780, %gather3A_787 : vector<16xf32>
        %mul3A_789 = arith.constant 256 : i32
        %mul3A_790 = arith.muli %min3A_627, %mul3A_789 : i32
        %add3A_791 = arith.constant 144 : i32
        %add3A_792 = arith.addi %mul3A_790, %add3A_791 : i32
        %add3A_793 = vector.broadcast %add3A_792 : i32 to vector<16xi32>
        %add3A_794 = arith.addi %add3A_793, %iota3A : vector<16xi32>
        %gather3A_795 = tpu.vector_load_idx %arg5[%add3A_794] : memref<2048xf32, #tpu.memory_space<vmem>>[vector<16xi32>], vector<16xf32>,
        %max3A_796 = arith.maximumf %max3A_788, %gather3A_795 : vector<16xf32>
        %mul3A_797 = arith.constant 256 : i32
        %mul3A_798 = arith.muli %min3A_627, %mul3A_797 : i32
        %add3A_799 = arith.constant 160 : i32
        %add3A_800 = arith.addi %mul3A_798, %add3A_799 : i32
        %add3A_801 = vector.broadcast %add3A_800 : i32 to vector<16xi32>
        %add3A_802 = arith.addi %add3A_801, %iota3A : vector<16xi32>
        %gather3A_803 = tpu.vector_load_idx %arg5[%add3A_802] : memref<2048xf32, #tpu.memory_space<vmem>>[vector<16xi32>], vector<16xf32>,
        %max3A_804 = arith.maximumf %max3A_796, %gather3A_803 : vector<16xf32>
        %mul3A_805 = arith.constant 256 : i32
        %mul3A_806 = arith.muli %min3A_627, %mul3A_805 : i32
        %add3A_807 = arith.constant 176 : i32
        %add3A_808 = arith.addi %mul3A_806, %add3A_807 : i32
        %add3A_809 = vector.broadcast %add3A_808 : i32 to vector<16xi32>
        %add3A_810 = arith.addi %add3A_809, %iota3A : vector<16xi32>
        %gather3A_811 = tpu.vector_load_idx %arg5[%add3A_810] : memref<2048xf32, #tpu.memory_space<vmem>>[vector<16xi32>], vector<16xf32>,
        %max3A_812 = arith.maximumf %max3A_804, %gather3A_811 : vector<16xf32>
        %mul3A_813 = arith.constant 256 : i32
        %mul3A_814 = arith.muli %min3A_627, %mul3A_813 : i32
        %add3A_815 = arith.constant 192 : i32
        %add3A_816 = arith.addi %mul3A_814, %add3A_815 : i32
        %add3A_817 = vector.broadcast %add3A_816 : i32 to vector<16xi32>
        %add3A_818 = arith.addi %add3A_817, %iota3A : vector<16xi32>
        %gather3A_819 = tpu.vector_load_idx %arg5[%add3A_818] : memref<2048xf32, #tpu.memory_space<vmem>>[vector<16xi32>], vector<16xf32>,
        %max3A_820 = arith.maximumf %max3A_812, %gather3A_819 : vector<16xf32>
        %mul3A_821 = arith.constant 256 : i32
        %mul3A_822 = arith.muli %min3A_627, %mul3A_821 : i32
        %add3A_823 = arith.constant 208 : i32
        %add3A_824 = arith.addi %mul3A_822, %add3A_823 : i32
        %add3A_825 = vector.broadcast %add3A_824 : i32 to vector<16xi32>
        %add3A_826 = arith.addi %add3A_825, %iota3A : vector<16xi32>
        %gather3A_827 = tpu.vector_load_idx %arg5[%add3A_826] : memref<2048xf32, #tpu.memory_space<vmem>>[vector<16xi32>], vector<16xf32>,
        %max3A_828 = arith.maximumf %max3A_820, %gather3A_827 : vector<16xf32>
        %mul3A_829 = arith.constant 256 : i32
        %mul3A_830 = arith.muli %min3A_627, %mul3A_829 : i32
        %add3A_831 = arith.constant 224 : i32
        %add3A_832 = arith.addi %mul3A_830, %add3A_831 : i32
        %add3A_833 = vector.broadcast %add3A_832 : i32 to vector<16xi32>
        %add3A_834 = arith.addi %add3A_833, %iota3A : vector<16xi32>
        %gather3A_835 = tpu.vector_load_idx %arg5[%add3A_834] : memref<2048xf32, #tpu.memory_space<vmem>>[vector<16xi32>], vector<16xf32>,
        %max3A_836 = arith.maximumf %max3A_828, %gather3A_835 : vector<16xf32>
        %mul3A_837 = arith.constant 256 : i32
        %mul3A_838 = arith.muli %min3A_627, %mul3A_837 : i32
        %add3A_839 = arith.constant 240 : i32
        %add3A_840 = arith.addi %mul3A_838, %add3A_839 : i32
        %add3A_841 = vector.broadcast %add3A_840 : i32 to vector<16xi32>
        %add3A_842 = arith.addi %add3A_841, %iota3A : vector<16xi32>
        %gather3A_843 = tpu.vector_load_idx %arg5[%add3A_842] : memref<2048xf32, #tpu.memory_space<vmem>>[vector<16xi32>], vector<16xf32>,
        %max3A_844 = arith.maximumf %max3A_836, %gather3A_843 : vector<16xf32>
        %broadcast_in_dim3A_845 = vector.broadcast %min3A_627 : i32 to vector<16xi32>
        %eq3A_846 = arith.constant 0 : i32
        %eq3A_847 = vector.broadcast %eq3A_846 : i32 to vector<16xi32>
        %eq3A_848 = arith.cmpi eq, %broadcast_in_dim3A_845, %eq3A_847 : vector<16xi32>
        %select_n3A_849 = arith.select %eq3A_848, %max3A_844, %scan3A_445 : vector<16xi1>, vector<16xf32>
        %broadcast_in_dim3A_850 = vector.broadcast %min3A_627 : i32 to vector<16xi32>
        %eq3A_851 = arith.constant 1 : i32
        %eq3A_852 = vector.broadcast %eq3A_851 : i32 to vector<16xi32>
        %eq3A_853 = arith.cmpi eq, %broadcast_in_dim3A_850, %eq3A_852 : vector<16xi32>
        %select_n3A_854 = arith.select %eq3A_853, %max3A_844, %scan3A_446 : vector<16xi1>, vector<16xf32>
        %broadcast_in_dim3A_855 = vector.broadcast %min3A_627 : i32 to vector<16xi32>
        %eq3A_856 = arith.constant 2 : i32
        %eq3A_857 = vector.broadcast %eq3A_856 : i32 to vector<16xi32>
        %eq3A_858 = arith.cmpi eq, %broadcast_in_dim3A_855, %eq3A_857 : vector<16xi32>
        %select_n3A_859 = arith.select %eq3A_858, %max3A_844, %scan3A_447 : vector<16xi1>, vector<16xf32>
        %broadcast_in_dim3A_860 = vector.broadcast %min3A_627 : i32 to vector<16xi32>
        %eq3A_861 = arith.constant 3 : i32
        %eq3A_862 = vector.broadcast %eq3A_861 : i32 to vector<16xi32>
        %eq3A_863 = arith.cmpi eq, %broadcast_in_dim3A_860, %eq3A_862 : vector<16xi32>
        %select_n3A_864 = arith.select %eq3A_863, %max3A_844, %scan3A_448 : vector<16xi1>, vector<16xf32>
        %broadcast_in_dim3A_865 = vector.broadcast %min3A_627 : i32 to vector<16xi32>
        %eq3A_866 = arith.constant 4 : i32
        %eq3A_867 = vector.broadcast %eq3A_866 : i32 to vector<16xi32>
        %eq3A_868 = arith.cmpi eq, %broadcast_in_dim3A_865, %eq3A_867 : vector<16xi32>
        %select_n3A_869 = arith.select %eq3A_868, %max3A_844, %scan3A_449 : vector<16xi1>, vector<16xf32>
        %broadcast_in_dim3A_870 = vector.broadcast %min3A_627 : i32 to vector<16xi32>
        %eq3A_871 = arith.constant 5 : i32
        %eq3A_872 = vector.broadcast %eq3A_871 : i32 to vector<16xi32>
        %eq3A_873 = arith.cmpi eq, %broadcast_in_dim3A_870, %eq3A_872 : vector<16xi32>
        %select_n3A_874 = arith.select %eq3A_873, %max3A_844, %scan3A_450 : vector<16xi1>, vector<16xf32>
        %broadcast_in_dim3A_875 = vector.broadcast %min3A_627 : i32 to vector<16xi32>
        %eq3A_876 = arith.constant 6 : i32
        %eq3A_877 = vector.broadcast %eq3A_876 : i32 to vector<16xi32>
        %eq3A_878 = arith.cmpi eq, %broadcast_in_dim3A_875, %eq3A_877 : vector<16xi32>
        %select_n3A_879 = arith.select %eq3A_878, %max3A_844, %scan3A_451 : vector<16xi1>, vector<16xf32>
        %broadcast_in_dim3A_880 = vector.broadcast %min3A_627 : i32 to vector<16xi32>
        %eq3A_881 = arith.constant 7 : i32
        %eq3A_882 = vector.broadcast %eq3A_881 : i32 to vector<16xi32>
        %eq3A_883 = arith.cmpi eq, %broadcast_in_dim3A_880, %eq3A_882 : vector<16xi32>
        %select_n3A_884 = arith.select %eq3A_883, %max3A_844, %scan3A_452 : vector<16xi1>, vector<16xf32>
        %eq3A_885 = vector.broadcast %scan3A_440 : i32 to vector<16xi32>
        %eq3A_886 = arith.cmpi eq, %iota3A, %eq3A_885 : vector<16xi32>
        %broadcast_in_dim3A_887 = vector.broadcast %reduce_max3A_462 : f32 to vector<16xf32>
        %select_n3A_888 = arith.select %eq3A_886, %broadcast_in_dim3A_887, %scan3A_441 : vector<16xi1>, vector<16xf32>
        %sub3A = arith.constant 16 : i32
        %sub3A_889 = arith.subi %scan3A_440, %sub3A : i32
        %eq3A_890 = vector.broadcast %sub3A_889 : i32 to vector<16xi32>
        %eq3A_891 = arith.cmpi eq, %iota3A, %eq3A_890 : vector<16xi32>
        %broadcast_in_dim3A_892 = vector.broadcast %reduce_max3A_462 : f32 to vector<16xf32>
        %select_n3A_893 = arith.select %eq3A_891, %broadcast_in_dim3A_892, %scan3A_442 : vector<16xi1>, vector<16xf32>
        %eq3A_894 = vector.broadcast %scan3A_440 : i32 to vector<16xi32>
        %eq3A_895 = arith.cmpi eq, %iota3A, %eq3A_894 : vector<16xi32>
        %broadcast_in_dim3A_896 = vector.broadcast %add3A_711 : i32 to vector<16xi32>
        %select_n3A_897 = arith.select %eq3A_895, %broadcast_in_dim3A_896, %scan3A_443 : vector<16xi1>, vector<16xi32>
        %sub3A_898 = arith.constant 16 : i32
        %sub3A_899 = arith.subi %scan3A_440, %sub3A_898 : i32
        %eq3A_900 = vector.broadcast %sub3A_899 : i32 to vector<16xi32>
        %eq3A_901 = arith.cmpi eq, %iota3A, %eq3A_900 : vector<16xi32>
        %broadcast_in_dim3A_902 = vector.broadcast %add3A_711 : i32 to vector<16xi32>
        %select_n3A_903 = arith.select %eq3A_901, %broadcast_in_dim3A_902, %scan3A_444 : vector<16xi1>, vector<16xi32>
        scf.yield %select_n3A_888, %select_n3A_893, %select_n3A_897, %select_n3A_903, %select_n3A_849, %select_n3A_854, %select_n3A_859, %select_n3A_864, %select_n3A_869, %select_n3A_874, %select_n3A_879, %select_n3A_884 : vector<16xf32>, vector<16xf32>, vector<16xi32>, vector<16xi32>, vector<16xf32>, vector<16xf32>, vector<16xf32>, vector<16xf32>, vector<16xf32>, vector<16xf32>, vector<16xf32>, vector<16xf32>
      }
      %scan3A_398 = arith.constant 20 : i32
      %swap3A = arith.constant 0 : index
      %swap3A_399 = tpu.vector_load %arg14[%swap3A] {strides = array<i32>} : memref<32xf32, #tpu.memory_space<vmem>>, vector<16xf32>,
      tpu.vector_store %arg14[%swap3A], %scan3A_397#0 {strides = array<i32>} : memref<32xf32, #tpu.memory_space<vmem>>, vector<16xf32>,
      %swap3A_400 = arith.constant 16 : index
      %swap3A_401 = tpu.vector_load %arg14[%swap3A_400] {strides = array<i32>} : memref<32xf32, #tpu.memory_space<vmem>>, vector<16xf32>,
      tpu.vector_store %arg14[%swap3A_400], %scan3A_397#1 {strides = array<i32>} : memref<32xf32, #tpu.memory_space<vmem>>, vector<16xf32>,
      %broadcast_in_dim3A_402 = arith.constant 0 : i32
      %broadcast_in_dim3A_403 = vector.broadcast %broadcast_in_dim3A_402 : i32 to vector<16xi32>
      %gather3A = tpu.vector_load_idx %arg6[%broadcast_in_dim3A_403, %scan3A_397#2] : memref<3x2048xf32, #tpu.memory_space<vmem>>[vector<16xi32>, vector<16xi32>], vector<16xf32>,
      %swap3A_404 = arith.constant 0 : index
      %swap3A_405 = tpu.vector_load %arg15[%swap3A_404] {strides = array<i32>} : memref<32xf32, #tpu.memory_space<vmem>>, vector<16xf32>,
      tpu.vector_store %arg15[%swap3A_404], %gather3A {strides = array<i32>} : memref<32xf32, #tpu.memory_space<vmem>>, vector<16xf32>,
      %gather3A_406 = tpu.vector_load_idx %arg6[%broadcast_in_dim3A_403, %scan3A_397#3] : memref<3x2048xf32, #tpu.memory_space<vmem>>[vector<16xi32>, vector<16xi32>], vector<16xf32>,
      %swap3A_407 = arith.constant 16 : index
      %swap3A_408 = tpu.vector_load %arg15[%swap3A_407] {strides = array<i32>} : memref<32xf32, #tpu.memory_space<vmem>>, vector<16xf32>,
      tpu.vector_store %arg15[%swap3A_407], %gather3A_406 {strides = array<i32>} : memref<32xf32, #tpu.memory_space<vmem>>, vector<16xf32>,
      %add3A = arith.constant 1 : i32
      %add3A_409 = vector.broadcast %add3A : i32 to vector<16xi32>
      %add3A_410 = arith.addi %broadcast_in_dim3A_403, %add3A_409 : vector<16xi32>
      %gather3A_411 = tpu.vector_load_idx %arg6[%add3A_410, %scan3A_397#2] : memref<3x2048xf32, #tpu.memory_space<vmem>>[vector<16xi32>, vector<16xi32>], vector<16xf32>,
      %swap3A_412 = arith.constant 0 : index
      %swap3A_413 = tpu.vector_load %arg16[%swap3A_412] {strides = array<i32>} : memref<32xf32, #tpu.memory_space<vmem>>, vector<16xf32>,
      tpu.vector_store %arg16[%swap3A_412], %gather3A_411 {strides = array<i32>} : memref<32xf32, #tpu.memory_space<vmem>>, vector<16xf32>,
      %add3A_414 = arith.constant 1 : i32
      %add3A_415 = vector.broadcast %add3A_414 : i32 to vector<16xi32>
      %add3A_416 = arith.addi %broadcast_in_dim3A_403, %add3A_415 : vector<16xi32>
      %gather3A_417 = tpu.vector_load_idx %arg6[%add3A_416, %scan3A_397#3] : memref<3x2048xf32, #tpu.memory_space<vmem>>[vector<16xi32>, vector<16xi32>], vector<16xf32>,
      %swap3A_418 = arith.constant 16 : index
      %swap3A_419 = tpu.vector_load %arg16[%swap3A_418] {strides = array<i32>} : memref<32xf32, #tpu.memory_space<vmem>>, vector<16xf32>,
      tpu.vector_store %arg16[%swap3A_418], %gather3A_417 {strides = array<i32>} : memref<32xf32, #tpu.memory_space<vmem>>, vector<16xf32>,
      %add3A_420 = arith.constant 2 : i32
      %add3A_421 = vector.broadcast %add3A_420 : i32 to vector<16xi32>
      %add3A_422 = arith.addi %broadcast_in_dim3A_403, %add3A_421 : vector<16xi32>
      %gather3A_423 = tpu.vector_load_idx %arg6[%add3A_422, %scan3A_397#2] : memref<3x2048xf32, #tpu.memory_space<vmem>>[vector<16xi32>, vector<16xi32>], vector<16xf32>,
      %swap3A_424 = arith.constant 0 : index
      %swap3A_425 = tpu.vector_load %arg17[%swap3A_424] {strides = array<i32>} : memref<32xf32, #tpu.memory_space<vmem>>, vector<16xf32>,
      tpu.vector_store %arg17[%swap3A_424], %gather3A_423 {strides = array<i32>} : memref<32xf32, #tpu.memory_space<vmem>>, vector<16xf32>,
      %add3A_426 = arith.constant 2 : i32
      %add3A_427 = vector.broadcast %add3A_426 : i32 to vector<16xi32>
      %add3A_428 = arith.addi %broadcast_in_dim3A_403, %add3A_427 : vector<16xi32>
      %gather3A_429 = tpu.vector_load_idx %arg6[%add3A_428, %scan3A_397#3] : memref<3x2048xf32, #tpu.memory_space<vmem>>[vector<16xi32>, vector<16xi32>], vector<16xf32>,
      %swap3A_430 = arith.constant 16 : index
      %swap3A_431 = tpu.vector_load %arg17[%swap3A_430] {strides = array<i32>} : memref<32xf32, #tpu.memory_space<vmem>>, vector<16xf32>,
      tpu.vector_store %arg17[%swap3A_430], %gather3A_429 {strides = array<i32>} : memref<32xf32, #tpu.memory_space<vmem>>, vector<16xf32>,
      %mul3A_432 = arith.constant 32 : i32
      %mul3A_433 = arith.muli %arg1, %mul3A_432 : i32
      "tpu.region"() ({
        %run_scoped3A = tpu.sem_alloc : memref<!tpu.dma_semaphore, #tpu.memory_space<semaphore_mem>>
        %dma_start3A = tpu.memref_slice %arg19[%mul3A_433] : memref<512xf32, #tpu.memory_space<vmem_shared>> -> memref<32xf32, #tpu.memory_space<vmem_shared>>
        %dma_start3A_440 = tpu.memref_slice %arg19[%mul3A_433] : memref<512xf32, #tpu.memory_space<vmem_shared>> -> memref<32xf32, #tpu.memory_space<vmem_shared>>
        tpu.enqueue_dma source(%arg14 : memref<32xf32, #tpu.memory_space<vmem>>) target(%dma_start3A_440 : memref<32xf32, #tpu.memory_space<vmem_shared>>) target_semaphore(%run_scoped3A : memref<!tpu.dma_semaphore, #tpu.memory_space<semaphore_mem>>)
        %dma_wait3A = tpu.memref_slice %arg19[%mul3A_433] : memref<512xf32, #tpu.memory_space<vmem_shared>> -> memref<32xf32, #tpu.memory_space<vmem_shared>>
        %dma_wait3A_441 = tpu.memref_slice %arg19[%mul3A_433] : memref<512xf32, #tpu.memory_space<vmem_shared>> -> memref<32xf32, #tpu.memory_space<vmem_shared>>
        tpu.wait_dma2 semaphore(%run_scoped3A : memref<!tpu.dma_semaphore, #tpu.memory_space<semaphore_mem>>) src(%arg14 : memref<32xf32, #tpu.memory_space<vmem>>) dst(%dma_wait3A_441 : memref<32xf32, #tpu.memory_space<vmem_shared>>)
        tpu.yield
      }) : () -> ()
      %mul3A_434 = arith.constant 32 : i32
      %mul3A_435 = arith.muli %arg1, %mul3A_434 : i32
      "tpu.region"() ({
        %run_scoped3A = tpu.sem_alloc : memref<!tpu.dma_semaphore, #tpu.memory_space<semaphore_mem>>
        %dma_start3A = tpu.memref_slice %arg20[%mul3A_435] : memref<512xf32, #tpu.memory_space<vmem_shared>> -> memref<32xf32, #tpu.memory_space<vmem_shared>>
        %dma_start3A_440 = tpu.memref_slice %arg20[%mul3A_435] : memref<512xf32, #tpu.memory_space<vmem_shared>> -> memref<32xf32, #tpu.memory_space<vmem_shared>>
        tpu.enqueue_dma source(%arg15 : memref<32xf32, #tpu.memory_space<vmem>>) target(%dma_start3A_440 : memref<32xf32, #tpu.memory_space<vmem_shared>>) target_semaphore(%run_scoped3A : memref<!tpu.dma_semaphore, #tpu.memory_space<semaphore_mem>>)
        %dma_wait3A = tpu.memref_slice %arg20[%mul3A_435] : memref<512xf32, #tpu.memory_space<vmem_shared>> -> memref<32xf32, #tpu.memory_space<vmem_shared>>
        %dma_wait3A_441 = tpu.memref_slice %arg20[%mul3A_435] : memref<512xf32, #tpu.memory_space<vmem_shared>> -> memref<32xf32, #tpu.memory_space<vmem_shared>>
        tpu.wait_dma2 semaphore(%run_scoped3A : memref<!tpu.dma_semaphore, #tpu.memory_space<semaphore_mem>>) src(%arg15 : memref<32xf32, #tpu.memory_space<vmem>>) dst(%dma_wait3A_441 : memref<32xf32, #tpu.memory_space<vmem_shared>>)
        tpu.yield
      }) : () -> ()
      %mul3A_436 = arith.constant 32 : i32
      %mul3A_437 = arith.muli %arg1, %mul3A_436 : i32
      "tpu.region"() ({
        %run_scoped3A = tpu.sem_alloc : memref<!tpu.dma_semaphore, #tpu.memory_space<semaphore_mem>>
        %dma_start3A = tpu.memref_slice %arg21[%mul3A_437] : memref<512xf32, #tpu.memory_space<vmem_shared>> -> memref<32xf32, #tpu.memory_space<vmem_shared>>
        %dma_start3A_440 = tpu.memref_slice %arg21[%mul3A_437] : memref<512xf32, #tpu.memory_space<vmem_shared>> -> memref<32xf32, #tpu.memory_space<vmem_shared>>
        tpu.enqueue_dma source(%arg16 : memref<32xf32, #tpu.memory_space<vmem>>) target(%dma_start3A_440 : memref<32xf32, #tpu.memory_space<vmem_shared>>) target_semaphore(%run_scoped3A : memref<!tpu.dma_semaphore, #tpu.memory_space<semaphore_mem>>)
        %dma_wait3A = tpu.memref_slice %arg21[%mul3A_437] : memref<512xf32, #tpu.memory_space<vmem_shared>> -> memref<32xf32, #tpu.memory_space<vmem_shared>>
        %dma_wait3A_441 = tpu.memref_slice %arg21[%mul3A_437] : memref<512xf32, #tpu.memory_space<vmem_shared>> -> memref<32xf32, #tpu.memory_space<vmem_shared>>
        tpu.wait_dma2 semaphore(%run_scoped3A : memref<!tpu.dma_semaphore, #tpu.memory_space<semaphore_mem>>) src(%arg16 : memref<32xf32, #tpu.memory_space<vmem>>) dst(%dma_wait3A_441 : memref<32xf32, #tpu.memory_space<vmem_shared>>)
        tpu.yield
      }) : () -> ()
      %mul3A_438 = arith.constant 32 : i32
      %mul3A_439 = arith.muli %arg1, %mul3A_438 : i32
      "tpu.region"() ({
        %run_scoped3A = tpu.sem_alloc : memref<!tpu.dma_semaphore, #tpu.memory_space<semaphore_mem>>
        %dma_start3A = tpu.memref_slice %arg22[%mul3A_439] : memref<512xf32, #tpu.memory_space<vmem_shared>> -> memref<32xf32, #tpu.memory_space<vmem_shared>>
        %dma_start3A_440 = tpu.memref_slice %arg22[%mul3A_439] : memref<512xf32, #tpu.memory_space<vmem_shared>> -> memref<32xf32, #tpu.memory_space<vmem_shared>>
        tpu.enqueue_dma source(%arg17 : memref<32xf32, #tpu.memory_space<vmem>>) target(%dma_start3A_440 : memref<32xf32, #tpu.memory_space<vmem_shared>>) target_semaphore(%run_scoped3A : memref<!tpu.dma_semaphore, #tpu.memory_space<semaphore_mem>>)
        %dma_wait3A = tpu.memref_slice %arg22[%mul3A_439] : memref<512xf32, #tpu.memory_space<vmem_shared>> -> memref<32xf32, #tpu.memory_space<vmem_shared>>
        %dma_wait3A_441 = tpu.memref_slice %arg22[%mul3A_439] : memref<512xf32, #tpu.memory_space<vmem_shared>> -> memref<32xf32, #tpu.memory_space<vmem_shared>>
        tpu.wait_dma2 semaphore(%run_scoped3A : memref<!tpu.dma_semaphore, #tpu.memory_space<semaphore_mem>>) src(%arg17 : memref<32xf32, #tpu.memory_space<vmem>>) dst(%dma_wait3A_441 : memref<32xf32, #tpu.memory_space<vmem_shared>>)
        tpu.yield
      }) : () -> ()
    } else {
    }
    %barrier3A = arith.constant 0 : index
    tpu.barrier barrier_id(%barrier3A)
    %eq3A_5 = arith.constant 0 : i32
    %eq3A_6 = arith.cmpi eq, %arg0, %eq3A_5 : i32
    %eq3A_7 = arith.constant 0 : i32
    %eq3A_8 = arith.cmpi eq, %arg1, %eq3A_7 : i32
    %and3A = arith.andi %eq3A_6, %eq3A_8 : i1
    %convert_element_type3A_9 = arith.extui %and3A : i1 to i32
    %cond3A_10 = arith.constant 0 : i32
    %cond3A_11 = arith.cmpi ne, %convert_element_type3A_9, %cond3A_10 : i32
    scf.if %cond3A_11 {
      "tpu.region"() ({
        %run_scoped3A = tpu.sem_alloc : memref<!tpu.dma_semaphore, #tpu.memory_space<semaphore_mem>>
        tpu.enqueue_dma source(%arg19 : memref<512xf32, #tpu.memory_space<vmem_shared>>) target(%arg7 : memref<512xf32, #tpu.memory_space<vmem>>) target_semaphore(%run_scoped3A : memref<!tpu.dma_semaphore, #tpu.memory_space<semaphore_mem>>)
        tpu.wait_dma2 semaphore(%run_scoped3A : memref<!tpu.dma_semaphore, #tpu.memory_space<semaphore_mem>>) src(%arg19 : memref<512xf32, #tpu.memory_space<vmem_shared>>) dst(%arg7 : memref<512xf32, #tpu.memory_space<vmem>>)
        tpu.yield
      }) : () -> ()
      "tpu.region"() ({
        %run_scoped3A = tpu.sem_alloc : memref<!tpu.dma_semaphore, #tpu.memory_space<semaphore_mem>>
        tpu.enqueue_dma source(%arg20 : memref<512xf32, #tpu.memory_space<vmem_shared>>) target(%arg8 : memref<512xf32, #tpu.memory_space<vmem>>) target_semaphore(%run_scoped3A : memref<!tpu.dma_semaphore, #tpu.memory_space<semaphore_mem>>)
        tpu.wait_dma2 semaphore(%run_scoped3A : memref<!tpu.dma_semaphore, #tpu.memory_space<semaphore_mem>>) src(%arg20 : memref<512xf32, #tpu.memory_space<vmem_shared>>) dst(%arg8 : memref<512xf32, #tpu.memory_space<vmem>>)
        tpu.yield
      }) : () -> ()
      "tpu.region"() ({
        %run_scoped3A = tpu.sem_alloc : memref<!tpu.dma_semaphore, #tpu.memory_space<semaphore_mem>>
        tpu.enqueue_dma source(%arg21 : memref<512xf32, #tpu.memory_space<vmem_shared>>) target(%arg9 : memref<512xf32, #tpu.memory_space<vmem>>) target_semaphore(%run_scoped3A : memref<!tpu.dma_semaphore, #tpu.memory_space<semaphore_mem>>)
        tpu.wait_dma2 semaphore(%run_scoped3A : memref<!tpu.dma_semaphore, #tpu.memory_space<semaphore_mem>>) src(%arg21 : memref<512xf32, #tpu.memory_space<vmem_shared>>) dst(%arg9 : memref<512xf32, #tpu.memory_space<vmem>>)
        tpu.yield
      }) : () -> ()
      "tpu.region"() ({
        %run_scoped3A = tpu.sem_alloc : memref<!tpu.dma_semaphore, #tpu.memory_space<semaphore_mem>>
        tpu.enqueue_dma source(%arg22 : memref<512xf32, #tpu.memory_space<vmem_shared>>) target(%arg10 : memref<512xf32, #tpu.memory_space<vmem>>) target_semaphore(%run_scoped3A : memref<!tpu.dma_semaphore, #tpu.memory_space<semaphore_mem>>)
        tpu.wait_dma2 semaphore(%run_scoped3A : memref<!tpu.dma_semaphore, #tpu.memory_space<semaphore_mem>>) src(%arg22 : memref<512xf32, #tpu.memory_space<vmem_shared>>) dst(%arg10 : memref<512xf32, #tpu.memory_space<vmem>>)
        tpu.yield
      }) : () -> ()
      %broadcast_in_dim3A = arith.constant 0.000000e+00 : f32
      %broadcast_in_dim3A_12 = vector.broadcast %broadcast_in_dim3A : f32 to vector<16xf32>
      %scan3A = arith.constant 0 : i32
      %scan3A_13 = arith.constant 20 : i32
      %scan3A_14 = arith.addi %scan3A, %scan3A_13 : i32
      %scan3A_15 = arith.constant 1 : i32
      %scan3A_16:6 = scf.for %scan3A_89 = %scan3A to %scan3A_14 step %scan3A_15 iter_args(%scan3A_90 = %broadcast_in_dim3A_12, %scan3A_91 = %broadcast_in_dim3A_12, %scan3A_92 = %broadcast_in_dim3A_12, %scan3A_93 = %broadcast_in_dim3A_12, %scan3A_94 = %broadcast_in_dim3A_12, %scan3A_95 = %broadcast_in_dim3A_12) -> (vector<16xf32>, vector<16xf32>, vector<16xf32>, vector<16xf32>, vector<16xf32>, vector<16xf32>)  : i32 {
        %get3A = arith.constant 0 : index
        %get3A_96 = tpu.vector_load %arg7[%get3A] {strides = array<i32>} : memref<512xf32, #tpu.memory_space<vmem>>, vector<16xf32>,
        %get3A_97 = arith.constant 16 : index
        %get3A_98 = tpu.vector_load %arg7[%get3A_97] {strides = array<i32>} : memref<512xf32, #tpu.memory_space<vmem>>, vector<16xf32>,
        %max3A_99 = arith.maximumf %get3A_96, %get3A_98 : vector<16xf32>
        %get3A_100 = arith.constant 32 : index
        %get3A_101 = tpu.vector_load %arg7[%get3A_100] {strides = array<i32>} : memref<512xf32, #tpu.memory_space<vmem>>, vector<16xf32>,
        %max3A_102 = arith.maximumf %max3A_99, %get3A_101 : vector<16xf32>
        %get3A_103 = arith.constant 48 : index
        %get3A_104 = tpu.vector_load %arg7[%get3A_103] {strides = array<i32>} : memref<512xf32, #tpu.memory_space<vmem>>, vector<16xf32>,
        %max3A_105 = arith.maximumf %max3A_102, %get3A_104 : vector<16xf32>
        %get3A_106 = arith.constant 64 : index
        %get3A_107 = tpu.vector_load %arg7[%get3A_106] {strides = array<i32>} : memref<512xf32, #tpu.memory_space<vmem>>, vector<16xf32>,
        %max3A_108 = arith.maximumf %max3A_105, %get3A_107 : vector<16xf32>
        %get3A_109 = arith.constant 80 : index
        %get3A_110 = tpu.vector_load %arg7[%get3A_109] {strides = array<i32>} : memref<512xf32, #tpu.memory_space<vmem>>, vector<16xf32>,
        %max3A_111 = arith.maximumf %max3A_108, %get3A_110 : vector<16xf32>
        %get3A_112 = arith.constant 96 : index
        %get3A_113 = tpu.vector_load %arg7[%get3A_112] {strides = array<i32>} : memref<512xf32, #tpu.memory_space<vmem>>, vector<16xf32>,
        %max3A_114 = arith.maximumf %max3A_111, %get3A_113 : vector<16xf32>
        %get3A_115 = arith.constant 112 : index
        %get3A_116 = tpu.vector_load %arg7[%get3A_115] {strides = array<i32>} : memref<512xf32, #tpu.memory_space<vmem>>, vector<16xf32>,
        %max3A_117 = arith.maximumf %max3A_114, %get3A_116 : vector<16xf32>
        %get3A_118 = arith.constant 128 : index
        %get3A_119 = tpu.vector_load %arg7[%get3A_118] {strides = array<i32>} : memref<512xf32, #tpu.memory_space<vmem>>, vector<16xf32>,
        %max3A_120 = arith.maximumf %max3A_117, %get3A_119 : vector<16xf32>
        %get3A_121 = arith.constant 144 : index
        %get3A_122 = tpu.vector_load %arg7[%get3A_121] {strides = array<i32>} : memref<512xf32, #tpu.memory_space<vmem>>, vector<16xf32>,
        %max3A_123 = arith.maximumf %max3A_120, %get3A_122 : vector<16xf32>
        %get3A_124 = arith.constant 160 : index
        %get3A_125 = tpu.vector_load %arg7[%get3A_124] {strides = array<i32>} : memref<512xf32, #tpu.memory_space<vmem>>, vector<16xf32>,
        %max3A_126 = arith.maximumf %max3A_123, %get3A_125 : vector<16xf32>
        %get3A_127 = arith.constant 176 : index
        %get3A_128 = tpu.vector_load %arg7[%get3A_127] {strides = array<i32>} : memref<512xf32, #tpu.memory_space<vmem>>, vector<16xf32>,
        %max3A_129 = arith.maximumf %max3A_126, %get3A_128 : vector<16xf32>
        %get3A_130 = arith.constant 192 : index
        %get3A_131 = tpu.vector_load %arg7[%get3A_130] {strides = array<i32>} : memref<512xf32, #tpu.memory_space<vmem>>, vector<16xf32>,
        %max3A_132 = arith.maximumf %max3A_129, %get3A_131 : vector<16xf32>
        %get3A_133 = arith.constant 208 : index
        %get3A_134 = tpu.vector_load %arg7[%get3A_133] {strides = array<i32>} : memref<512xf32, #tpu.memory_space<vmem>>, vector<16xf32>,
        %max3A_135 = arith.maximumf %max3A_132, %get3A_134 : vector<16xf32>
        %get3A_136 = arith.constant 224 : index
        %get3A_137 = tpu.vector_load %arg7[%get3A_136] {strides = array<i32>} : memref<512xf32, #tpu.memory_space<vmem>>, vector<16xf32>,
        %max3A_138 = arith.maximumf %max3A_135, %get3A_137 : vector<16xf32>
        %get3A_139 = arith.constant 240 : index
        %get3A_140 = tpu.vector_load %arg7[%get3A_139] {strides = array<i32>} : memref<512xf32, #tpu.memory_space<vmem>>, vector<16xf32>,
        %max3A_141 = arith.maximumf %max3A_138, %get3A_140 : vector<16xf32>
        %get3A_142 = arith.constant 256 : index
        %get3A_143 = tpu.vector_load %arg7[%get3A_142] {strides = array<i32>} : memref<512xf32, #tpu.memory_space<vmem>>, vector<16xf32>,
        %max3A_144 = arith.maximumf %max3A_141, %get3A_143 : vector<16xf32>
        %get3A_145 = arith.constant 272 : index
        %get3A_146 = tpu.vector_load %arg7[%get3A_145] {strides = array<i32>} : memref<512xf32, #tpu.memory_space<vmem>>, vector<16xf32>,
        %max3A_147 = arith.maximumf %max3A_144, %get3A_146 : vector<16xf32>
        %get3A_148 = arith.constant 288 : index
        %get3A_149 = tpu.vector_load %arg7[%get3A_148] {strides = array<i32>} : memref<512xf32, #tpu.memory_space<vmem>>, vector<16xf32>,
        %max3A_150 = arith.maximumf %max3A_147, %get3A_149 : vector<16xf32>
        %get3A_151 = arith.constant 304 : index
        %get3A_152 = tpu.vector_load %arg7[%get3A_151] {strides = array<i32>} : memref<512xf32, #tpu.memory_space<vmem>>, vector<16xf32>,
        %max3A_153 = arith.maximumf %max3A_150, %get3A_152 : vector<16xf32>
        %get3A_154 = arith.constant 320 : index
        %get3A_155 = tpu.vector_load %arg7[%get3A_154] {strides = array<i32>} : memref<512xf32, #tpu.memory_space<vmem>>, vector<16xf32>,
        %max3A_156 = arith.maximumf %max3A_153, %get3A_155 : vector<16xf32>
        %get3A_157 = arith.constant 336 : index
        %get3A_158 = tpu.vector_load %arg7[%get3A_157] {strides = array<i32>} : memref<512xf32, #tpu.memory_space<vmem>>, vector<16xf32>,
        %max3A_159 = arith.maximumf %max3A_156, %get3A_158 : vector<16xf32>
        %get3A_160 = arith.constant 352 : index
        %get3A_161 = tpu.vector_load %arg7[%get3A_160] {strides = array<i32>} : memref<512xf32, #tpu.memory_space<vmem>>, vector<16xf32>,
        %max3A_162 = arith.maximumf %max3A_159, %get3A_161 : vector<16xf32>
        %get3A_163 = arith.constant 368 : index
        %get3A_164 = tpu.vector_load %arg7[%get3A_163] {strides = array<i32>} : memref<512xf32, #tpu.memory_space<vmem>>, vector<16xf32>,
        %max3A_165 = arith.maximumf %max3A_162, %get3A_164 : vector<16xf32>
        %get3A_166 = arith.constant 384 : index
        %get3A_167 = tpu.vector_load %arg7[%get3A_166] {strides = array<i32>} : memref<512xf32, #tpu.memory_space<vmem>>, vector<16xf32>,
        %max3A_168 = arith.maximumf %max3A_165, %get3A_167 : vector<16xf32>
        %get3A_169 = arith.constant 400 : index
        %get3A_170 = tpu.vector_load %arg7[%get3A_169] {strides = array<i32>} : memref<512xf32, #tpu.memory_space<vmem>>, vector<16xf32>,
        %max3A_171 = arith.maximumf %max3A_168, %get3A_170 : vector<16xf32>
        %get3A_172 = arith.constant 416 : index
        %get3A_173 = tpu.vector_load %arg7[%get3A_172] {strides = array<i32>} : memref<512xf32, #tpu.memory_space<vmem>>, vector<16xf32>,
        %max3A_174 = arith.maximumf %max3A_171, %get3A_173 : vector<16xf32>
        %get3A_175 = arith.constant 432 : index
        %get3A_176 = tpu.vector_load %arg7[%get3A_175] {strides = array<i32>} : memref<512xf32, #tpu.memory_space<vmem>>, vector<16xf32>,
        %max3A_177 = arith.maximumf %max3A_174, %get3A_176 : vector<16xf32>
        %get3A_178 = arith.constant 448 : index
        %get3A_179 = tpu.vector_load %arg7[%get3A_178] {strides = array<i32>} : memref<512xf32, #tpu.memory_space<vmem>>, vector<16xf32>,
        %max3A_180 = arith.maximumf %max3A_177, %get3A_179 : vector<16xf32>
        %get3A_181 = arith.constant 464 : index
        %get3A_182 = tpu.vector_load %arg7[%get3A_181] {strides = array<i32>} : memref<512xf32, #tpu.memory_space<vmem>>, vector<16xf32>,
        %max3A_183 = arith.maximumf %max3A_180, %get3A_182 : vector<16xf32>
        %get3A_184 = arith.constant 480 : index
        %get3A_185 = tpu.vector_load %arg7[%get3A_184] {strides = array<i32>} : memref<512xf32, #tpu.memory_space<vmem>>, vector<16xf32>,
        %max3A_186 = arith.maximumf %max3A_183, %get3A_185 : vector<16xf32>
        %get3A_187 = arith.constant 496 : index
        %get3A_188 = tpu.vector_load %arg7[%get3A_187] {strides = array<i32>} : memref<512xf32, #tpu.memory_space<vmem>>, vector<16xf32>,
        %max3A_189 = arith.maximumf %max3A_186, %get3A_188 : vector<16xf32>
        %reduce_max3A = arith.constant true
        %reduce_max3A_190 = vector.broadcast %reduce_max3A : i1 to vector<16xi1>
        %reduce_max3A_191 = tpu.scan <max>, %max3A_189 masked %reduce_max3A_190 : vector<16xf32>, vector<16xi1> -> vector<16xf32>
        %reduce_max3A_192 = vector.extract %reduce_max3A_191[15] : f32 from vector<16xf32>
        %eq3A_193 = vector.broadcast %reduce_max3A_192 : f32 to vector<16xf32>
        %eq3A_194 = arith.cmpf oeq, %max3A_189, %eq3A_193 : vector<16xf32>
        %iota3A_195 = tpu.iota {dimensions = array<i32: 0>} : vector<16xi32>
        %broadcast_in_dim3A_196 = arith.constant 9999 : i32
        %broadcast_in_dim3A_197 = vector.broadcast %broadcast_in_dim3A_196 : i32 to vector<16xi32>
        %select_n3A = arith.select %eq3A_194, %iota3A_195, %broadcast_in_dim3A_197 : vector<16xi1>, vector<16xi32>
        %reduce_min3A = arith.constant true
        %reduce_min3A_198 = vector.broadcast %reduce_min3A : i1 to vector<16xi1>
        %reduce_min3A_199 = arith.constant -2147483648 : i32
        %reduce_min3A_200 = vector.broadcast %reduce_min3A_199 : i32 to vector<16xi32>
        %reduce_min3A_201 = arith.xori %select_n3A, %reduce_min3A_200 : vector<16xi32>
        %reduce_min3A_202 = tpu.scan <min>, %reduce_min3A_201 masked %reduce_min3A_198 : vector<16xi32>, vector<16xi1> -> vector<16xi32>
        %reduce_min3A_203 = arith.xori %reduce_min3A_202, %reduce_min3A_200 : vector<16xi32>
        %reduce_min3A_204 = vector.extract %reduce_min3A_203[15] : i32 from vector<16xi32>
        %add3A_205 = arith.constant 0 : i32
        %add3A_206 = vector.broadcast %add3A_205 : i32 to vector<16xi32>
        %add3A_207 = arith.addi %iota3A, %add3A_206 : vector<16xi32>
        %mul3A_208 = arith.constant 16 : i32
        %mul3A_209 = vector.broadcast %mul3A_208 : i32 to vector<16xi32>
        %mul3A_210 = arith.muli %add3A_207, %mul3A_209 : vector<16xi32>
        %add3A_211 = vector.broadcast %reduce_min3A_204 : i32 to vector<16xi32>
        %add3A_212 = arith.addi %mul3A_210, %add3A_211 : vector<16xi32>
        %gather3A = tpu.vector_load_idx %arg7[%add3A_212] : memref<512xf32, #tpu.memory_space<vmem>>[vector<16xi32>], vector<16xf32>,
        %eq3A_213 = vector.broadcast %reduce_max3A_192 : f32 to vector<16xf32>
        %eq3A_214 = arith.cmpf oeq, %gather3A, %eq3A_213 : vector<16xf32>
        %add3A_215 = arith.constant 0 : i32
        %add3A_216 = vector.broadcast %add3A_215 : i32 to vector<16xi32>
        %add3A_217 = arith.addi %iota3A, %add3A_216 : vector<16xi32>
        %broadcast_in_dim3A_218 = arith.constant 9999 : i32
        %broadcast_in_dim3A_219 = vector.broadcast %broadcast_in_dim3A_218 : i32 to vector<16xi32>
        %select_n3A_220 = arith.select %eq3A_214, %add3A_217, %broadcast_in_dim3A_219 : vector<16xi1>, vector<16xi32>
        %reduce_min3A_221 = arith.constant true
        %reduce_min3A_222 = vector.broadcast %reduce_min3A_221 : i1 to vector<16xi1>
        %reduce_min3A_223 = arith.constant -2147483648 : i32
        %reduce_min3A_224 = vector.broadcast %reduce_min3A_223 : i32 to vector<16xi32>
        %reduce_min3A_225 = arith.xori %select_n3A_220, %reduce_min3A_224 : vector<16xi32>
        %reduce_min3A_226 = tpu.scan <min>, %reduce_min3A_225 masked %reduce_min3A_222 : vector<16xi32>, vector<16xi1> -> vector<16xi32>
        %reduce_min3A_227 = arith.xori %reduce_min3A_226, %reduce_min3A_224 : vector<16xi32>
        %reduce_min3A_228 = vector.extract %reduce_min3A_227[15] : i32 from vector<16xi32>
        %min3A = arith.constant 9999 : i32
        %min3A_229 = arith.minsi %min3A, %reduce_min3A_228 : i32
        %add3A_230 = arith.constant 16 : i32
        %add3A_231 = vector.broadcast %add3A_230 : i32 to vector<16xi32>
        %add3A_232 = arith.addi %iota3A, %add3A_231 : vector<16xi32>
        %mul3A_233 = arith.constant 16 : i32
        %mul3A_234 = vector.broadcast %mul3A_233 : i32 to vector<16xi32>
        %mul3A_235 = arith.muli %add3A_232, %mul3A_234 : vector<16xi32>
        %add3A_236 = vector.broadcast %reduce_min3A_204 : i32 to vector<16xi32>
        %add3A_237 = arith.addi %mul3A_235, %add3A_236 : vector<16xi32>
        %gather3A_238 = tpu.vector_load_idx %arg7[%add3A_237] : memref<512xf32, #tpu.memory_space<vmem>>[vector<16xi32>], vector<16xf32>,
        %eq3A_239 = vector.broadcast %reduce_max3A_192 : f32 to vector<16xf32>
        %eq3A_240 = arith.cmpf oeq, %gather3A_238, %eq3A_239 : vector<16xf32>
        %add3A_241 = arith.constant 16 : i32
        %add3A_242 = vector.broadcast %add3A_241 : i32 to vector<16xi32>
        %add3A_243 = arith.addi %iota3A, %add3A_242 : vector<16xi32>
        %broadcast_in_dim3A_244 = arith.constant 9999 : i32
        %broadcast_in_dim3A_245 = vector.broadcast %broadcast_in_dim3A_244 : i32 to vector<16xi32>
        %select_n3A_246 = arith.select %eq3A_240, %add3A_243, %broadcast_in_dim3A_245 : vector<16xi1>, vector<16xi32>
        %reduce_min3A_247 = arith.constant true
        %reduce_min3A_248 = vector.broadcast %reduce_min3A_247 : i1 to vector<16xi1>
        %reduce_min3A_249 = arith.constant -2147483648 : i32
        %reduce_min3A_250 = vector.broadcast %reduce_min3A_249 : i32 to vector<16xi32>
        %reduce_min3A_251 = arith.xori %select_n3A_246, %reduce_min3A_250 : vector<16xi32>
        %reduce_min3A_252 = tpu.scan <min>, %reduce_min3A_251 masked %reduce_min3A_248 : vector<16xi32>, vector<16xi1> -> vector<16xi32>
        %reduce_min3A_253 = arith.xori %reduce_min3A_252, %reduce_min3A_250 : vector<16xi32>
        %reduce_min3A_254 = vector.extract %reduce_min3A_253[15] : i32 from vector<16xi32>
        %min3A_255 = arith.minsi %min3A_229, %reduce_min3A_254 : i32
        %mul3A_256 = arith.constant 16 : i32
        %mul3A_257 = arith.muli %min3A_255, %mul3A_256 : i32
        %add3A_258 = arith.addi %mul3A_257, %reduce_min3A_204 : i32
        %broadcast_in_dim3A_259 = vector.broadcast %add3A_258 : i32 to vector<16xi32>
        %broadcast_in_dim3A_260 = arith.constant -3.000000e+38 : f32
        %broadcast_in_dim3A_261 = vector.broadcast %broadcast_in_dim3A_260 : f32 to vector<16xf32>
        tpu.vector_store_idx %arg7[%broadcast_in_dim3A_259], %broadcast_in_dim3A_261 masked %eq3A_1 : memref<512xf32, #tpu.memory_space<vmem>>[vector<16xi32>], vector<16xf32>, vector<16xi1>
        %broadcast_in_dim3A_262 = vector.broadcast %add3A_258 : i32 to vector<16xi32>
        %gather3A_263 = tpu.vector_load_idx %arg8[%broadcast_in_dim3A_262] : memref<512xf32, #tpu.memory_space<vmem>>[vector<16xi32>], vector<16xf32>,
        %gather3A_264 = tpu.vector_load_idx %arg9[%broadcast_in_dim3A_262] : memref<512xf32, #tpu.memory_space<vmem>>[vector<16xi32>], vector<16xf32>,
        %gather3A_265 = tpu.vector_load_idx %arg10[%broadcast_in_dim3A_262] : memref<512xf32, #tpu.memory_space<vmem>>[vector<16xi32>], vector<16xf32>,
        %eq3A_266 = vector.broadcast %scan3A_89 : i32 to vector<16xi32>
        %eq3A_267 = arith.cmpi eq, %iota3A, %eq3A_266 : vector<16xi32>
        %select_n3A_268 = arith.select %eq3A_267, %gather3A_263, %scan3A_90 : vector<16xi1>, vector<16xf32>
        %sub3A_269 = arith.constant 16 : i32
        %sub3A_270 = arith.subi %scan3A_89, %sub3A_269 : i32
        %eq3A_271 = vector.broadcast %sub3A_270 : i32 to vector<16xi32>
        %eq3A_272 = arith.cmpi eq, %iota3A, %eq3A_271 : vector<16xi32>
        %select_n3A_273 = arith.select %eq3A_272, %gather3A_263, %scan3A_91 : vector<16xi1>, vector<16xf32>
        %eq3A_274 = vector.broadcast %scan3A_89 : i32 to vector<16xi32>
        %eq3A_275 = arith.cmpi eq, %iota3A, %eq3A_274 : vector<16xi32>
        %select_n3A_276 = arith.select %eq3A_275, %gather3A_264, %scan3A_92 : vector<16xi1>, vector<16xf32>
        %sub3A_277 = arith.constant 16 : i32
        %sub3A_278 = arith.subi %scan3A_89, %sub3A_277 : i32
        %eq3A_279 = vector.broadcast %sub3A_278 : i32 to vector<16xi32>
        %eq3A_280 = arith.cmpi eq, %iota3A, %eq3A_279 : vector<16xi32>
        %select_n3A_281 = arith.select %eq3A_280, %gather3A_264, %scan3A_93 : vector<16xi1>, vector<16xf32>
        %eq3A_282 = vector.broadcast %scan3A_89 : i32 to vector<16xi32>
        %eq3A_283 = arith.cmpi eq, %iota3A, %eq3A_282 : vector<16xi32>
        %select_n3A_284 = arith.select %eq3A_283, %gather3A_265, %scan3A_94 : vector<16xi1>, vector<16xf32>
        %sub3A_285 = arith.constant 16 : i32
        %sub3A_286 = arith.subi %scan3A_89, %sub3A_285 : i32
        %eq3A_287 = vector.broadcast %sub3A_286 : i32 to vector<16xi32>
        %eq3A_288 = arith.cmpi eq, %iota3A, %eq3A_287 : vector<16xi32>
        %select_n3A_289 = arith.select %eq3A_288, %gather3A_265, %scan3A_95 : vector<16xi1>, vector<16xf32>
        scf.yield %select_n3A_268, %select_n3A_273, %select_n3A_276, %select_n3A_281, %select_n3A_284, %select_n3A_289 : vector<16xf32>, vector<16xf32>, vector<16xf32>, vector<16xf32>, vector<16xf32>, vector<16xf32>
      }
      %scan3A_17 = arith.constant 20 : i32
      %swap3A = arith.constant 0 : index
      %swap3A_18 = tpu.vector_load %arg11[%swap3A] {strides = array<i32>} : memref<32xf32, #tpu.memory_space<vmem>>, vector<16xf32>,
      tpu.vector_store %arg11[%swap3A], %scan3A_16#0 {strides = array<i32>} : memref<32xf32, #tpu.memory_space<vmem>>, vector<16xf32>,
      %swap3A_19 = arith.constant 16 : index
      %swap3A_20 = tpu.vector_load %arg11[%swap3A_19] {strides = array<i32>} : memref<32xf32, #tpu.memory_space<vmem>>, vector<16xf32>,
      tpu.vector_store %arg11[%swap3A_19], %scan3A_16#1 {strides = array<i32>} : memref<32xf32, #tpu.memory_space<vmem>>, vector<16xf32>,
      %swap3A_21 = arith.constant 0 : index
      %swap3A_22 = tpu.vector_load %arg12[%swap3A_21] {strides = array<i32>} : memref<32xf32, #tpu.memory_space<vmem>>, vector<16xf32>,
      tpu.vector_store %arg12[%swap3A_21], %scan3A_16#2 {strides = array<i32>} : memref<32xf32, #tpu.memory_space<vmem>>, vector<16xf32>,
      %swap3A_23 = arith.constant 16 : index
      %swap3A_24 = tpu.vector_load %arg12[%swap3A_23] {strides = array<i32>} : memref<32xf32, #tpu.memory_space<vmem>>, vector<16xf32>,
      tpu.vector_store %arg12[%swap3A_23], %scan3A_16#3 {strides = array<i32>} : memref<32xf32, #tpu.memory_space<vmem>>, vector<16xf32>,
      %swap3A_25 = arith.constant 0 : index
      %swap3A_26 = tpu.vector_load %arg13[%swap3A_25] {strides = array<i32>} : memref<32xf32, #tpu.memory_space<vmem>>, vector<16xf32>,
      tpu.vector_store %arg13[%swap3A_25], %scan3A_16#4 {strides = array<i32>} : memref<32xf32, #tpu.memory_space<vmem>>, vector<16xf32>,
      %swap3A_27 = arith.constant 16 : index
      %swap3A_28 = tpu.vector_load %arg13[%swap3A_27] {strides = array<i32>} : memref<32xf32, #tpu.memory_space<vmem>>, vector<16xf32>,
      tpu.vector_store %arg13[%swap3A_27], %scan3A_16#5 {strides = array<i32>} : memref<32xf32, #tpu.memory_space<vmem>>, vector<16xf32>,
      %scan3A_29 = arith.constant 0 : i32
      %scan3A_30 = arith.constant 19 : i32
      %scan3A_31 = arith.addi %scan3A_29, %scan3A_30 : i32
      %scan3A_32 = arith.constant 1 : i32
      %scan3A_33:4 = scf.for %scan3A_89 = %scan3A_29 to %scan3A_31 step %scan3A_32 iter_args(%scan3A_90 = %broadcast_in_dim3A_12, %scan3A_91 = %broadcast_in_dim3A_12, %scan3A_92 = %broadcast_in_dim3A_12, %scan3A_93 = %broadcast_in_dim3A_12) -> (vector<16xf32>, vector<16xf32>, vector<16xf32>, vector<16xf32>)  : i32 {
        %broadcast_in_dim3A_94 = vector.broadcast %scan3A_89 : i32 to vector<16xi32>
        %gather3A = tpu.vector_load_idx %arg11[%broadcast_in_dim3A_94] : memref<32xf32, #tpu.memory_space<vmem>>[vector<16xi32>], vector<16xf32>,
        %broadcast_in_dim3A_95 = vector.broadcast %scan3A_89 : i32 to vector<16xi32>
        %gather3A_96 = tpu.vector_load_idx %arg12[%broadcast_in_dim3A_95] : memref<32xf32, #tpu.memory_space<vmem>>[vector<16xi32>], vector<16xf32>,
        %broadcast_in_dim3A_97 = vector.broadcast %scan3A_89 : i32 to vector<16xi32>
        %gather3A_98 = tpu.vector_load_idx %arg13[%broadcast_in_dim3A_97] : memref<32xf32, #tpu.memory_space<vmem>>[vector<16xi32>], vector<16xf32>,
        %sub3A_99 = arith.subf %scan3A_16#0, %gather3A : vector<16xf32>
        %sub3A_100 = arith.subf %scan3A_16#2, %gather3A_96 : vector<16xf32>
        %sub3A_101 = arith.subf %scan3A_16#4, %gather3A_98 : vector<16xf32>
        %sub3A_102 = arith.subf %scan3A_16#1, %gather3A : vector<16xf32>
        %sub3A_103 = arith.subf %scan3A_16#3, %gather3A_96 : vector<16xf32>
        %sub3A_104 = arith.subf %scan3A_16#5, %gather3A_98 : vector<16xf32>
        %mul3A_105 = arith.mulf %sub3A_99, %sub3A_99 : vector<16xf32>
        %mul3A_106 = arith.mulf %sub3A_100, %sub3A_100 : vector<16xf32>
        %add3A_107 = arith.addf %mul3A_105, %mul3A_106 : vector<16xf32>
        %mul3A_108 = arith.mulf %sub3A_101, %sub3A_101 : vector<16xf32>
        %add3A_109 = arith.addf %add3A_107, %mul3A_108 : vector<16xf32>
        %mul3A_110 = arith.mulf %sub3A_102, %sub3A_102 : vector<16xf32>
        %mul3A_111 = arith.mulf %sub3A_103, %sub3A_103 : vector<16xf32>
        %add3A_112 = arith.addf %mul3A_110, %mul3A_111 : vector<16xf32>
        %mul3A_113 = arith.mulf %sub3A_104, %sub3A_104 : vector<16xf32>
        %add3A_114 = arith.addf %add3A_112, %mul3A_113 : vector<16xf32>
        %gt3A = vector.broadcast %scan3A_89 : i32 to vector<16xi32>
        %gt3A_115 = arith.cmpi sgt, %iota3A, %gt3A : vector<16xi32>
        %lt3A = arith.constant 20 : i32
        %lt3A_116 = vector.broadcast %lt3A : i32 to vector<16xi32>
        %lt3A_117 = arith.cmpi slt, %iota3A, %lt3A_116 : vector<16xi32>
        %and3A_118 = arith.andi %gt3A_115, %lt3A_117 : vector<16xi1>
        %add3A_119 = arith.constant 16 : i32
        %add3A_120 = vector.broadcast %add3A_119 : i32 to vector<16xi32>
        %add3A_121 = arith.addi %iota3A, %add3A_120 : vector<16xi32>
        %gt3A_122 = vector.broadcast %scan3A_89 : i32 to vector<16xi32>
        %gt3A_123 = arith.cmpi sgt, %add3A_121, %gt3A_122 : vector<16xi32>
        %add3A_124 = arith.constant 16 : i32
        %add3A_125 = vector.broadcast %add3A_124 : i32 to vector<16xi32>
        %add3A_126 = arith.addi %iota3A, %add3A_125 : vector<16xi32>
        %lt3A_127 = arith.constant 20 : i32
        %lt3A_128 = vector.broadcast %lt3A_127 : i32 to vector<16xi32>
        %lt3A_129 = arith.cmpi slt, %add3A_126, %lt3A_128 : vector<16xi32>
        %and3A_130 = arith.andi %gt3A_123, %lt3A_129 : vector<16xi1>
        %broadcast_in_dim3A_131 = arith.constant 1.000000e-30 : f32
        %broadcast_in_dim3A_132 = vector.broadcast %broadcast_in_dim3A_131 : f32 to vector<16xf32>
        %max3A_133 = arith.maximumf %add3A_109, %broadcast_in_dim3A_132 : vector<16xf32>
        %bitcast3A_134 = vector.bitcast %max3A_133 : vector<16xf32> to vector<16xi32>
        %broadcast_in_dim3A_135 = arith.constant 1 : i32
        %broadcast_in_dim3A_136 = vector.broadcast %broadcast_in_dim3A_135 : i32 to vector<16xi32>
        %shift_right_arithmetic3A_137 = arith.shrsi %bitcast3A_134, %broadcast_in_dim3A_136 : vector<16xi32>
        %broadcast_in_dim3A_138 = arith.constant 532487669 : i32
        %broadcast_in_dim3A_139 = vector.broadcast %broadcast_in_dim3A_138 : i32 to vector<16xi32>
        %add3A_140 = arith.addi %shift_right_arithmetic3A_137, %broadcast_in_dim3A_139 : vector<16xi32>
        %bitcast3A_141 = vector.bitcast %add3A_140 : vector<16xi32> to vector<16xf32>
        %broadcast_in_dim3A_142 = arith.constant 5.000000e-01 : f32
        %broadcast_in_dim3A_143 = vector.broadcast %broadcast_in_dim3A_142 : f32 to vector<16xf32>
        %div3A_144 = arith.divf %max3A_133, %bitcast3A_141 : vector<16xf32>
        %add3A_145 = arith.addf %bitcast3A_141, %div3A_144 : vector<16xf32>
        %mul3A_146 = arith.mulf %broadcast_in_dim3A_143, %add3A_145 : vector<16xf32>
        %broadcast_in_dim3A_147 = arith.constant 5.000000e-01 : f32
        %broadcast_in_dim3A_148 = vector.broadcast %broadcast_in_dim3A_147 : f32 to vector<16xf32>
        %div3A_149 = arith.divf %max3A_133, %mul3A_146 : vector<16xf32>
        %add3A_150 = arith.addf %mul3A_146, %div3A_149 : vector<16xf32>
        %mul3A_151 = arith.mulf %broadcast_in_dim3A_148, %add3A_150 : vector<16xf32>
        %broadcast_in_dim3A_152 = arith.constant 5.000000e-01 : f32
        %broadcast_in_dim3A_153 = vector.broadcast %broadcast_in_dim3A_152 : f32 to vector<16xf32>
        %div3A_154 = arith.divf %max3A_133, %mul3A_151 : vector<16xf32>
        %add3A_155 = arith.addf %mul3A_151, %div3A_154 : vector<16xf32>
        %mul3A_156 = arith.mulf %broadcast_in_dim3A_153, %add3A_155 : vector<16xf32>
        %broadcast_in_dim3A_157 = arith.constant 1.000000e-30 : f32
        %broadcast_in_dim3A_158 = vector.broadcast %broadcast_in_dim3A_157 : f32 to vector<16xf32>
        %max3A_159 = arith.maximumf %add3A_114, %broadcast_in_dim3A_158 : vector<16xf32>
        %bitcast3A_160 = vector.bitcast %max3A_159 : vector<16xf32> to vector<16xi32>
        %broadcast_in_dim3A_161 = arith.constant 1 : i32
        %broadcast_in_dim3A_162 = vector.broadcast %broadcast_in_dim3A_161 : i32 to vector<16xi32>
        %shift_right_arithmetic3A_163 = arith.shrsi %bitcast3A_160, %broadcast_in_dim3A_162 : vector<16xi32>
        %broadcast_in_dim3A_164 = arith.constant 532487669 : i32
        %broadcast_in_dim3A_165 = vector.broadcast %broadcast_in_dim3A_164 : i32 to vector<16xi32>
        %add3A_166 = arith.addi %shift_right_arithmetic3A_163, %broadcast_in_dim3A_165 : vector<16xi32>
        %bitcast3A_167 = vector.bitcast %add3A_166 : vector<16xi32> to vector<16xf32>
        %broadcast_in_dim3A_168 = arith.constant 5.000000e-01 : f32
        %broadcast_in_dim3A_169 = vector.broadcast %broadcast_in_dim3A_168 : f32 to vector<16xf32>
        %div3A_170 = arith.divf %max3A_159, %bitcast3A_167 : vector<16xf32>
        %add3A_171 = arith.addf %bitcast3A_167, %div3A_170 : vector<16xf32>
        %mul3A_172 = arith.mulf %broadcast_in_dim3A_169, %add3A_171 : vector<16xf32>
        %broadcast_in_dim3A_173 = arith.constant 5.000000e-01 : f32
        %broadcast_in_dim3A_174 = vector.broadcast %broadcast_in_dim3A_173 : f32 to vector<16xf32>
        %div3A_175 = arith.divf %max3A_159, %mul3A_172 : vector<16xf32>
        %add3A_176 = arith.addf %mul3A_172, %div3A_175 : vector<16xf32>
        %mul3A_177 = arith.mulf %broadcast_in_dim3A_174, %add3A_176 : vector<16xf32>
        %broadcast_in_dim3A_178 = arith.constant 5.000000e-01 : f32
        %broadcast_in_dim3A_179 = vector.broadcast %broadcast_in_dim3A_178 : f32 to vector<16xf32>
        %div3A_180 = arith.divf %max3A_159, %mul3A_177 : vector<16xf32>
        %add3A_181 = arith.addf %mul3A_177, %div3A_180 : vector<16xf32>
        %mul3A_182 = arith.mulf %broadcast_in_dim3A_179, %add3A_181 : vector<16xf32>
        %broadcast_in_dim3A_183 = arith.constant 0.000000e+00 : f32
        %broadcast_in_dim3A_184 = vector.broadcast %broadcast_in_dim3A_183 : f32 to vector<16xf32>
        %select_n3A = arith.select %and3A_118, %mul3A_156, %broadcast_in_dim3A_184 : vector<16xi1>, vector<16xf32>
        %add3A_185 = arith.addf %scan3A_90, %select_n3A : vector<16xf32>
        %select_n3A_186 = arith.select %and3A_130, %mul3A_182, %broadcast_in_dim3A_184 : vector<16xi1>, vector<16xf32>
        %add3A_187 = arith.addf %scan3A_91, %select_n3A_186 : vector<16xf32>
        %select_n3A_188 = arith.select %and3A_118, %add3A_109, %broadcast_in_dim3A_184 : vector<16xi1>, vector<16xf32>
        %add3A_189 = arith.addf %scan3A_92, %select_n3A_188 : vector<16xf32>
        %select_n3A_190 = arith.select %and3A_130, %add3A_114, %broadcast_in_dim3A_184 : vector<16xi1>, vector<16xf32>
        %add3A_191 = arith.addf %scan3A_93, %select_n3A_190 : vector<16xf32>
        scf.yield %add3A_185, %add3A_187, %add3A_189, %add3A_191 : vector<16xf32>, vector<16xf32>, vector<16xf32>, vector<16xf32>
      }
      %scan3A_34 = arith.constant 19 : i32
      %reduce_sum3A = arith.constant true
      %reduce_sum3A_35 = vector.broadcast %reduce_sum3A : i1 to vector<16xi1>
      %reduce_sum3A_36 = tpu.scan <sum>, %scan3A_33#0 masked %reduce_sum3A_35 : vector<16xf32>, vector<16xi1> -> vector<16xf32>
      %reduce_sum3A_37 = vector.extract %reduce_sum3A_36[15] : f32 from vector<16xf32>
      %reduce_sum3A_38 = arith.constant true
      %reduce_sum3A_39 = vector.broadcast %reduce_sum3A_38 : i1 to vector<16xi1>
      %reduce_sum3A_40 = tpu.scan <sum>, %scan3A_33#1 masked %reduce_sum3A_39 : vector<16xf32>, vector<16xi1> -> vector<16xf32>
      %reduce_sum3A_41 = vector.extract %reduce_sum3A_40[15] : f32 from vector<16xf32>
      %add3A = arith.addf %reduce_sum3A_37, %reduce_sum3A_41 : f32
      %broadcast_in_dim3A_42 = vector.broadcast %add3A : f32 to vector<16xf32>
      %reduce_sum3A_43 = arith.constant true
      %reduce_sum3A_44 = vector.broadcast %reduce_sum3A_43 : i1 to vector<16xi1>
      %reduce_sum3A_45 = tpu.scan <sum>, %scan3A_33#2 masked %reduce_sum3A_44 : vector<16xf32>, vector<16xi1> -> vector<16xf32>
      %reduce_sum3A_46 = vector.extract %reduce_sum3A_45[15] : f32 from vector<16xf32>
      %reduce_sum3A_47 = arith.constant true
      %reduce_sum3A_48 = vector.broadcast %reduce_sum3A_47 : i1 to vector<16xi1>
      %reduce_sum3A_49 = tpu.scan <sum>, %scan3A_33#3 masked %reduce_sum3A_48 : vector<16xf32>, vector<16xi1> -> vector<16xf32>
      %reduce_sum3A_50 = vector.extract %reduce_sum3A_49[15] : f32 from vector<16xf32>
      %add3A_51 = arith.addf %reduce_sum3A_46, %reduce_sum3A_50 : f32
      %broadcast_in_dim3A_52 = vector.broadcast %add3A_51 : f32 to vector<16xf32>
      %broadcast_in_dim3A_53 = arith.constant 1.900000e+02 : f32
      %broadcast_in_dim3A_54 = vector.broadcast %broadcast_in_dim3A_53 : f32 to vector<16xf32>
      %div3A = arith.divf %broadcast_in_dim3A_42, %broadcast_in_dim3A_54 : vector<16xf32>
      %broadcast_in_dim3A_55 = arith.constant 1.900000e+02 : f32
      %broadcast_in_dim3A_56 = vector.broadcast %broadcast_in_dim3A_55 : f32 to vector<16xf32>
      %mul3A = arith.mulf %broadcast_in_dim3A_56, %div3A : vector<16xf32>
      %mul3A_57 = arith.mulf %mul3A, %div3A : vector<16xf32>
      %sub3A = arith.subf %broadcast_in_dim3A_52, %mul3A_57 : vector<16xf32>
      %broadcast_in_dim3A_58 = arith.constant 1.890000e+02 : f32
      %broadcast_in_dim3A_59 = vector.broadcast %broadcast_in_dim3A_58 : f32 to vector<16xf32>
      %div3A_60 = arith.divf %sub3A, %broadcast_in_dim3A_59 : vector<16xf32>
      %broadcast_in_dim3A_61 = arith.constant 0.00999999977 : f32
      %broadcast_in_dim3A_62 = vector.broadcast %broadcast_in_dim3A_61 : f32 to vector<16xf32>
      %broadcast_in_dim3A_63 = arith.constant 1.000000e-30 : f32
      %broadcast_in_dim3A_64 = vector.broadcast %broadcast_in_dim3A_63 : f32 to vector<16xf32>
      %max3A = arith.maximumf %div3A_60, %broadcast_in_dim3A_64 : vector<16xf32>
      %bitcast3A = vector.bitcast %max3A : vector<16xf32> to vector<16xi32>
      %broadcast_in_dim3A_65 = arith.constant 1 : i32
      %broadcast_in_dim3A_66 = vector.broadcast %broadcast_in_dim3A_65 : i32 to vector<16xi32>
      %shift_right_arithmetic3A = arith.shrsi %bitcast3A, %broadcast_in_dim3A_66 : vector<16xi32>
      %broadcast_in_dim3A_67 = arith.constant 532487669 : i32
      %broadcast_in_dim3A_68 = vector.broadcast %broadcast_in_dim3A_67 : i32 to vector<16xi32>
      %add3A_69 = arith.addi %shift_right_arithmetic3A, %broadcast_in_dim3A_68 : vector<16xi32>
      %bitcast3A_70 = vector.bitcast %add3A_69 : vector<16xi32> to vector<16xf32>
      %broadcast_in_dim3A_71 = arith.constant 5.000000e-01 : f32
      %broadcast_in_dim3A_72 = vector.broadcast %broadcast_in_dim3A_71 : f32 to vector<16xf32>
      %div3A_73 = arith.divf %max3A, %bitcast3A_70 : vector<16xf32>
      %add3A_74 = arith.addf %bitcast3A_70, %div3A_73 : vector<16xf32>
      %mul3A_75 = arith.mulf %broadcast_in_dim3A_72, %add3A_74 : vector<16xf32>
      %broadcast_in_dim3A_76 = arith.constant 5.000000e-01 : f32
      %broadcast_in_dim3A_77 = vector.broadcast %broadcast_in_dim3A_76 : f32 to vector<16xf32>
      %div3A_78 = arith.divf %max3A, %mul3A_75 : vector<16xf32>
      %add3A_79 = arith.addf %mul3A_75, %div3A_78 : vector<16xf32>
      %mul3A_80 = arith.mulf %broadcast_in_dim3A_77, %add3A_79 : vector<16xf32>
      %broadcast_in_dim3A_81 = arith.constant 5.000000e-01 : f32
      %broadcast_in_dim3A_82 = vector.broadcast %broadcast_in_dim3A_81 : f32 to vector<16xf32>
      %div3A_83 = arith.divf %max3A, %mul3A_80 : vector<16xf32>
      %add3A_84 = arith.addf %mul3A_80, %div3A_83 : vector<16xf32>
      %mul3A_85 = arith.mulf %broadcast_in_dim3A_82, %add3A_84 : vector<16xf32>
      %mul3A_86 = arith.mulf %broadcast_in_dim3A_62, %mul3A_85 : vector<16xf32>
      %swap3A_87 = arith.constant 0 : index
      %swap3A_88 = tpu.vector_load %arg18[%swap3A_87] {strides = array<i32>} : memref<16xf32, #tpu.memory_space<vmem>>, vector<16xf32>,
      tpu.vector_store %arg18[%swap3A_87], %mul3A_86 {strides = array<i32>} : memref<16xf32, #tpu.memory_space<vmem>>, vector<16xf32>,
      "tpu.region"() ({
        %run_scoped3A = tpu.sem_alloc : memref<!tpu.dma_semaphore, #tpu.memory_space<semaphore_mem>>
        tpu.enqueue_dma source(%arg18 : memref<16xf32, #tpu.memory_space<vmem>>) target(%arg4 : memref<16xf32, #tpu.memory_space<hbm>>) target_semaphore(%run_scoped3A : memref<!tpu.dma_semaphore, #tpu.memory_space<semaphore_mem>>)
        tpu.wait_dma2 semaphore(%run_scoped3A : memref<!tpu.dma_semaphore, #tpu.memory_space<semaphore_mem>>) src(%arg18 : memref<16xf32, #tpu.memory_space<vmem>>) dst(%arg4 : memref<16xf32, #tpu.memory_space<hbm>>)
        tpu.yield
      }) : () -> ()
    } else {
    }
    return
  }
}

module attributes {stable_mosaic.version = 14 : i64} {
  func.func @_l1_body(%arg0: i32, %arg1: memref<16x32768xf32, #tpu.memory_space<vmem>>, %arg2: memref<16x32768xf32, #tpu.memory_space<vmem>>, %arg3: memref<1x1xf32, #tpu.memory_space<vmem>>) attributes {dimension_semantics = [#tpu.dimension_semantics<arbitrary>], iteration_bounds = array<i64: 8>, scalar_prefetch = 0 : i64, scratch_operands = 0 : i64, tpu.core_type = #tpu.core_type<tc>, window_params = [{transform_indices = @transform_0, window_bounds = array<i64: 16, 32768>}, {transform_indices = @transform_1, window_bounds = array<i64: 16, 32768>}, {pipeline_mode = #tpu.pipeline_mode<synchronous>, transform_indices = @transform_2, window_bounds = array<i64: 1, 1>}]} {
    %get3A = arith.constant 0 : index
    %get3A_0 = arith.constant 0 : index
    %get3A_1 = vector.load %arg1[%get3A, %get3A_0] : memref<16x32768xf32, #tpu.memory_space<vmem>>, vector<16x32768xf32>
    %get3A_2 = arith.constant 0 : index
    %get3A_3 = arith.constant 0 : index
    %get3A_4 = vector.load %arg2[%get3A_2, %get3A_3] : memref<16x32768xf32, #tpu.memory_space<vmem>>, vector<16x32768xf32>
    %sub3A = arith.subf %get3A_1, %get3A_4 : vector<16x32768xf32>
    %abs3A = math.absf %sub3A : vector<16x32768xf32>
    %reduce_sum3A = vector.shape_cast %abs3A : vector<16x32768xf32> to vector<1x16x32768xf32>
    %reduce_sum3A_5 = arith.constant dense<0.000000e+00> : vector<1xf32>
    %reduce_sum3A_6 = vector.multi_reduction <add>, %reduce_sum3A, %reduce_sum3A_5 [1, 2] : vector<1x16x32768xf32> to vector<1xf32>
    %reduce_sum3A_7 = vector.shape_cast %reduce_sum3A_6 : vector<1xf32> to vector<1x1x1xf32>
    %reduce_sum3A_8 = vector.extract %reduce_sum3A_7[0, 0, 0] : f32 from vector<1x1x1xf32>
    %eq3A = arith.constant 0 : i32
    %eq3A_9 = arith.cmpi eq, %arg0, %eq3A : i32
    %convert_element_type3A = arith.extui %eq3A_9 : i1 to i32
    %cond3A = arith.constant 0 : i32
    %cond3A_10 = arith.cmpi ne, %convert_element_type3A, %cond3A : i32
    scf.if %cond3A_10 {
      %reshape3A = vector.broadcast %reduce_sum3A_8 : f32 to vector<1x1xf32>
      %swap3A = arith.constant 0 : index
      %swap3A_20 = arith.constant 0 : index
      %swap3A_21 = vector.load %arg3[%swap3A, %swap3A_20] : memref<1x1xf32, #tpu.memory_space<vmem>>, vector<1x1xf32>
      tpu.vector_store %arg3[%swap3A, %swap3A_20], %reshape3A {strides = array<i32>} : memref<1x1xf32, #tpu.memory_space<vmem>>, vector<1x1xf32>,
    } else {
    }
    %ne3A = arith.constant 0 : i32
    %ne3A_11 = arith.cmpi ne, %arg0, %ne3A : i32
    %convert_element_type3A_12 = arith.extui %ne3A_11 : i1 to i32
    %cond3A_13 = arith.constant 0 : i32
    %cond3A_14 = arith.cmpi ne, %convert_element_type3A_12, %cond3A_13 : i32
    scf.if %cond3A_14 {
      %get3A_20 = arith.constant 0 : index
      %get3A_21 = arith.constant 0 : index
      %get3A_22 = vector.load %arg3[%get3A_20, %get3A_21] : memref<1x1xf32, #tpu.memory_space<vmem>>, vector<1x1xf32>
      %reshape3A = vector.broadcast %reduce_sum3A_8 : f32 to vector<1x1xf32>
      %add3A = arith.addf %get3A_22, %reshape3A : vector<1x1xf32>
      %swap3A = arith.constant 0 : index
      %swap3A_23 = arith.constant 0 : index
      %swap3A_24 = vector.load %arg3[%swap3A, %swap3A_23] : memref<1x1xf32, #tpu.memory_space<vmem>>, vector<1x1xf32>
      tpu.vector_store %arg3[%swap3A, %swap3A_23], %add3A {strides = array<i32>} : memref<1x1xf32, #tpu.memory_space<vmem>>, vector<1x1xf32>,
    } else {
    }
    %eq3A_15 = arith.constant 7 : i32
    %eq3A_16 = arith.cmpi eq, %arg0, %eq3A_15 : i32
    %convert_element_type3A_17 = arith.extui %eq3A_16 : i1 to i32
    %cond3A_18 = arith.constant 0 : i32
    %cond3A_19 = arith.cmpi ne, %convert_element_type3A_17, %cond3A_18 : i32
    scf.if %cond3A_19 {
      %get3A_20 = arith.constant 0 : index
      %get3A_21 = arith.constant 0 : index
      %get3A_22 = vector.load %arg3[%get3A_20, %get3A_21] : memref<1x1xf32, #tpu.memory_space<vmem>>, vector<1x1xf32>
      %div3A = arith.constant 0x4A800000 : f32
      %div3A_23 = vector.broadcast %div3A : f32 to vector<1x1xf32>
      %div3A_24 = arith.divf %get3A_22, %div3A_23 : vector<1x1xf32>
      %swap3A = arith.constant 0 : index
      %swap3A_25 = arith.constant 0 : index
      %swap3A_26 = vector.load %arg3[%swap3A, %swap3A_25] : memref<1x1xf32, #tpu.memory_space<vmem>>, vector<1x1xf32>
      tpu.vector_store %arg3[%swap3A, %swap3A_25], %div3A_24 {strides = array<i32>} : memref<1x1xf32, #tpu.memory_space<vmem>>, vector<1x1xf32>,
    } else {
    }
    return
  }
  func.func @transform_0(%arg0: i32) -> (i32, i32) {
    %c0_i32 = arith.constant 0 : i32
    %c0_i32_0 = arith.constant 0 : i32
    return %arg0, %c0_i32 : i32, i32
  }
  func.func @transform_1(%arg0: i32) -> (i32, i32) {
    %c0_i32 = arith.constant 0 : i32
    %c0_i32_0 = arith.constant 0 : i32
    return %arg0, %c0_i32 : i32, i32
  }
  func.func @transform_2(%arg0: i32) -> (i32, i32) {
    %c0_i32 = arith.constant 0 : i32
    %c0_i32_0 = arith.constant 0 : i32
    %c0_i32_1 = arith.constant 0 : i32
    return %c0_i32, %c0_i32_0 : i32, i32
  }
}

</mosaic_0001>

<sc_bundles>
// kernel: kernel.4.cloned.1.call-start
scs
__scs_entry_jumppad:
0x0: {  	(pc) =	sbr.rel $0x88, $3  }
0x1: {  	(tag) =	ssettag $0x0;
	lr =	simm.s32 $0x1  }
0x2: {  	[smem:$0x3F9D] =	sst lr;
	_ =	strace $0xD0000000  }
0x3: {  	_ = 	snop  }
0x4: {  	_ = 	snop  }
0x5: {  	_ = 	snop  }
0x6: {  	_ = 	snop  }
0x7: {  	_ = 	snop  }
__scs_overlays_trampoline_lowered:
0x8: {  	[smem:$0x3FAC] =	sst s0  }
0x9: {  	[smem:$0x3FAD] =	sst s1  }
0xa: {  	[smem:$0x3FAE] =	sst s2  }
0xb: {  	[smem:$0x3FAF] =	sst s3  }
0xc: {  	[smem:$0x3FB0] =	sst s4  }
0xd: {  	[smem:$0x3FB1] =	sst s5  }
0xe: {  	[smem:$0x3FB2] =	sst s6  }
0xf: {  	[smem:$0x3FB3] =	sst s7  }
0x10: {  	[smem:$0x3FB4] =	sst s8  }
0x11: {  	[smem:$0x3FB5] =	sst s9;
	s0 =	simm.s32 @!p0 $0x0  }
0x12: {  	s1 =	sld [smem:$0x3F9B];
	s0 =	simm.s32 @p0 $0x1  }
0x13: {  	[smem:$0x3FB6] =	sst s0;
	s0 =	simm.s32 @!p1 $0x0  }
0x14: {  	s2 =	sld [smem:$0x3F9A];
	s0 =	simm.s32 @p1 $0x1  }
0x15: {  	[smem:$0x3FB7] =	sst s0;
	s0 =	simm.s32 @!p2 $0x0  }
0x16: {  	s3 =	sld [smem:$0x3FDB];
	s0 =	simm.s32 @p2 $0x1  }
0x17: {  	s4 =	simm.s32 $0x1BF5;
	[smem:$0x3FB9] =	sst s0  }
0x18: {  	s0 =	sld [smem:$0x3F9C];
	_ =	swait.ge [sflag:s4], $0x0  }
0x19: {  	s7 =	sld [smem:$0x3F9D]  }
0x1a: {  	s8 =	sadd.s32 $0xFFFFE003, lr  }
0x1b: {  	s9 =	sadd.s32 $0xFFFFFEF7, lr;
	s5 =	simm.s32 $0xFFFFFFFF;
	p2 =	slt.u32 s8, $0xFFFFF086  }
0x1c: {  	p1 =	slt.u32 s9, $0xF7A;
	s5 =	simm.s32 @!p2 $0x0  }
0x1d: {  	s5 =	simm.s32 @p1 $0x1;
	p0 =	seq.s32 s7, s2  }
0x1e: {  	s7 =	smul.u32 @!p0 $0xF7A, s2;
	p2 =	seq.s32 @!p0 s5, $0x0  }
0x1f: {  	s9 =	smul.u32 $0xF7A, s1;
	s8 =	simm.s32 @!p0 $0x1BF5;
	p2 =	por !p2, p0  }
0x20: {  	[sflag:s8] =	ssyncset.s32 @!p0 $0xFFFFF086;
	s6 =	sadd.s32 @!p0 s3, s7;
	s7 =	simm.s32 @!p0 $0x108  }
0x21: {  	s3 =	sadd.s32 s3, s9;
	s6 =	sadd.s32 @!p0 $0x88, s6;
	s7 =	simm.s32 @p2 $0x1082  }
0x22: {  	[simem:s7], [sflag:s8] =	dma.local @!p0 [hbm:s6], $0xF7A  }
0x23: {  	s9 =	sor.u32 $0xD0000000, s2;
	s6 =	simm.s32 $0x108;
	_ =	swait.ge @!p0 [sflag:s8], $0x0  }
0x24: {  	s3 =	sadd.s32 $0x88, s3;
	s6 =	simm.s32 @!p1 $0x1082;
	[sflag:s4] =	ssyncset.s32 $0xFFFFF086  }
0x25: {  	[simem:s6], [sflag:s4] =	dma.local [hbm:s3], $0xF7A  }
0x26: {  	[smem:$0x3F9D] =	sst s1;
	(tag) =	ssettag s2;
	_ =	strace s9  }
0x27: {  	s1 =	sld [smem:$0x3FAD]  }
0x28: {  	s2 =	sld [smem:$0x3FAE]  }
0x29: {  	s4 =	sld [smem:$0x3FB0]  }
0x2a: {  	p0 =	seq.s32 s5, $0x0;
	s5 =	sld [smem:$0x3FB1]  }
0x2b: {  	s6 =	sld [smem:$0x3FB2]  }
0x2c: {  	s7 =	sld [smem:$0x3FB3]  }
0x2d: {  	s3 =	simm.s32 $0x108;
	s8 =	sld [smem:$0x3FB4]  }
0x2e: {  	s3 =	simm.s32 @!p0 $0x1082;
	s9 =	sld [smem:$0x3FB5]  }
0x2f: {  	lr =	sadd.s32 s0, s3;
	s0 =	sld [smem:$0x3FAC]  }
0x30: {  	s3 =	sld [smem:$0x3FAF]  }
0x31: {  	[smem:$0x3FB8] =	sst s10  }
0x32: {  	s10 =	sld [smem:$0x3FB6];
	_ =	sdelay $0x3  }
0x33: {  	p0 =	seq.s32 s10, $0x1;
	s10 =	sld [smem:$0x3FB8];
	_ =	sdelay $0x3  }
0x34: {  	[smem:$0x3FB8] =	sst s10  }
0x35: {  	s10 =	sld [smem:$0x3FB7];
	_ =	sdelay $0x3  }
0x36: {  	p1 =	seq.s32 s10, $0x1;
	s10 =	sld [smem:$0x3FB8];
	_ =	sdelay $0x3  }
0x37: {  	[smem:$0x3FB8] =	sst s10  }
0x38: {  	s10 =	sld [smem:$0x3FB9]  }
0x39: {  	_ = 	snop;
	(pc) =	sbr.ind lr, $3  }
0x3a: {  	_ = 	snop  }
0x3b: {  	_ = 	snop  }
0x3c: {  	p2 =	seq.s32 s10, $0x1;
	s10 =	sld [smem:$0x3FB8]  }
0x3d: {  	_ =	shalt  }
0x3e: {  	_ =	shalt  }
0x3f: {  	_ =	shalt  }
0x40: {  	_ =	shalt  }
0x41: {  	_ =	shalt  }
0x42: {  	_ =	shalt  }
0x43: {  	_ =	shalt  }
0x44: {  	_ =	shalt  }
0x45: {  	_ =	shalt  }
0x46: {  	_ =	shalt  }
0x47: {  	_ =	shalt  }
0x48: {  	_ =	shalt  }
0x49: {  	_ =	shalt  }
0x4a: {  	_ =	shalt  }
0x4b: {  	_ =	shalt  }
0x4c: {  	_ =	shalt  }
0x4d: {  	_ =	shalt  }
0x4e: {  	_ =	shalt  }
0x4f: {  	_ =	shalt  }
0x50: {  	_ =	shalt  }
0x51: {  	_ =	shalt  }
0x52: {  	_ =	shalt  }
0x53: {  	_ =	shalt  }
0x54: {  	_ =	shalt  }
0x55: {  	_ =	shalt  }
0x56: {  	_ =	shalt  }
0x57: {  	_ =	shalt  }
0x58: {  	_ =	shalt  }
0x59: {  	_ =	shalt  }
0x5a: {  	_ =	shalt  }
0x5b: {  	_ =	shalt  }
0x5c: {  	_ =	shalt  }
0x5d: {  	_ =	shalt  }
0x5e: {  	_ =	shalt  }
0x5f: {  	_ =	shalt  }
0x60: {  	_ =	shalt  }
0x61: {  	_ =	shalt  }
0x62: {  	_ =	shalt  }
0x63: {  	_ =	shalt  }
0x64: {  	_ =	shalt  }
0x65: {  	_ =	shalt  }
0x66: {  	_ =	shalt  }
0x67: {  	_ =	shalt  }
0x68: {  	_ =	shalt  }
0x69: {  	_ =	shalt  }
0x6a: {  	_ =	shalt  }
0x6b: {  	_ =	shalt  }
0x6c: {  	_ =	shalt  }
0x6d: {  	_ =	shalt  }
0x6e: {  	_ =	shalt  }
0x6f: {  	_ =	shalt  }
0x70: {  	_ =	shalt  }
0x71: {  	_ =	shalt  }
0x72: {  	_ =	shalt  }
0x73: {  	_ =	shalt  }
0x74: {  	_ =	shalt  }
0x75: {  	_ =	shalt  }
0x76: {  	_ =	shalt  }
0x77: {  	_ =	shalt  }
0x78: {  	_ =	shalt  }
0x79: {  	_ =	shalt  }
0x7a: {  	_ =	shalt  }
0x7b: {  	_ =	shalt  }
0x7c: {  	_ =	shalt  }
0x7d: {  	_ =	shalt  }
0x7e: {  	_ =	shalt  }
0x7f: {  	_ =	shalt  }
0x80: {  	_ =	shalt  }
0x81: {  	_ =	shalt  }
0x82: {  	_ =	shalt  }
0x83: {  	_ =	shalt  }
0x84: {  	_ =	shalt  }
0x85: {  	_ =	shalt  }
0x86: {  	_ =	shalt  }
0x87: {  	_ =	shalt  }
.Lfunc_end0:
.L_simem_size_0:
called_computation_lowered:
.L_overlay_start_0:
0x88: {  	s0 =	sld [smem:$0x3FD9]  }
0x89: {  	s1 =	sld [smem:$0x3FFE];
	_ =	sdelay $0x3  }
0x8a: {  	s0 =	sadd.s32 s1, s0  }
0x8b: {  	[smem:$0x3FC4] =	sst s0  }
0x8c: {  	_ = 	snop  }
0x8d: {  	s0 =	sld [smem:$0x3FD0];
	_ =	sdelay $0x1  }
0x8e: {  	s14 =	sld [smem:$0x3FC7]  }
0x8f: {  	s3 =	simm.s32 $0xA;
	s4 =	simm.s32 $0x10;
	s2 =	sld [smem:$0x3FC6]  }
0x90: {  	[smem:s4], [sflag:s3] =	dma.local [hbm:s0], $0x1  }
0x91: {  	_ =	swait.eq [sflag:s3], $0x1  }
0x92: {  	[sflag:s3] =	ssyncset.done $0x0  }
0x93: {  	[sflag:s3] =	ssyncadd.s32 $0xFFFFFFFF  }
0x94: {  	s15 =	sld [smem:$0x12];
	(tm) =	ssettm $0x1  }
0x95: {  	s16 =	sld [smem:$0x3FFB];
	_ =	sdelay $0x3  }
0x96: {  	_ =	strace s16  }
0x97: {  	s3 =	sld [smem:$0x3FFC];
	_ =	sdelay $0x3  }
0x98: {  	_ =	strace s3  }
0x99: {  	s3 =	sld [smem:$0x3FFD];
	_ =	sdelay $0x3  }
0x9a: {  	_ =	strace s3  }
0x9b: {  	_ =	strace $0x8FFFFFFF  }
0x9c: {  	s17 =	sld [smem:$0x3FDB];
	_ =	sdelay $0x1  }
0x9d: {  	s18 =	simm.s32 $_scs_section_size  }
0x9e: {  	s5 =	simm.s32 $_size__tile_overlayer_lowered;
	s6 =	simm.s32 $_tile_overlayer_lowered  }
0x9f: {  	s21 =	simm.s32 $0x1BFF;
	s20 =	sshll.u32 s6, $0x1;
	s3 =	sadd.s32 s18, s17  }
0xa0: {  	s7 =	simm.s32 $0x0;
	s19 =	sshll.u32 s5, $0x1;
	s5 =	sadd.s32 s20, s3  }
0xa1: {  	[timem:s7], [sflag:s21] =	dma.local [hbm:s5], s19  }
0xa2: {  	_ =	swait.ge [sflag:s21], s19  }
0xa3: {  	s4 =	ssub.s32 $0x0, s19;
	[sflag:s21] =	ssyncset.done $0x0  }
0xa4: {  	[sflag:s21] =	ssyncadd.s32 s4;
	_ =	sdelay $0x1  }
0xa5: {  	s22 =	simm.s32 $0x1B8B  }
0xa6: {  	_ =	swait.ge [sflag:s22], $0x1  }
0xa7: {  	[sflag:s22] =	ssyncset.done $0x0  }
0xa8: {  	s23 =	simm.s32 $0x1B8E;
	[sflag:s22] =	ssyncadd.s32 $0xFFFFFFFF  }
0xa9: {  	s24 =	simm.s32 $execute0_lowered;
	[smem:$0x3FD2] =	sst s23  }
0xaa: {  	s4 =	sshll.u32 s24, $0x1;
	_ =	strace $0x80000046;
	[dreg:$0x1] =	wrdreg $0xFFFFFFFF  }
0xab: {  	s25 =	simm.s32 $_size_execute0_lowered;
	s3 =	sadd.s32 s3, s4;
	[dreg:$0x0] =	wrdreg $0x0  }
0xac: {  	s4 =	sshll.u32 s25, $0x1;
	[dreg:$0x2] =	wrdreg s3  }
0xad: {  	[dreg:$0x3] =	wrdreg s4  }
0xae: {  	[dreg:$0x4] =	wrdreg $0xC0  }
0xaf: {  	_ =	task [dreg:s7], $0x5FFFF  }
0xb0: {  	[dreg:$0x1] =	wrdreg $0xFFFFFFFF  }
0xb1: {  	[dreg:$0x0] =	wrdreg $0x60  }
0xb2: {  	[dreg:$0x2] =	wrdreg s14  }
0xb3: {  	[dreg:$0x3] =	wrdreg s2  }
0xb4: {  	[dreg:$0x4] =	wrdreg s15  }
0xb5: {  	[dreg:$0x5] =	wrdreg $0x34000  }
0xb6: {  	[dreg:$0x6] =	wrdreg $0x34200  }
0xb7: {  	[dreg:$0x7] =	wrdreg $0x34400  }
0xb8: {  	[dreg:$0x8] =	wrdreg $0x34600  }
0xb9: {  	[dreg:$0x9] =	wrdreg $0x9  }
0xba: {  	_ =	task.clear_ibuf [dreg:s7], $0xAFFFF;
	_ =	strace $0x90000046  }
0xbb: {  	s26 =	simm.s32 $0x9;
	_ =	strace $0x80000048  }
0xbc: {  	_ =	swait.ge [sflag:s26], $0x1  }
0xbd: {  	[sflag:s26] =	ssyncadd.s32 $0xFFFFFFFF  }
0xbe: {  	_ =	strace $0x90000048  }
0xbf: {  	_ =	sfence  }
0xc0: {  	s28 =	sld [smem:$0x0];
	_ =	sdelay $0x1  }
0xc1: {  	s29 =	srdreg.scid  }
0xc2: {  	s30 =	sshll.u32 s29, $0xD;
	s31 =	sshrl.u32 s29, $0x2  }
0xc3: {  	s1 =	sand.u32 $0x1, s29;
	s2 =	sand.u32 $0x4000, s30;
	s0 =	sadd.s32 s31, s28  }
0xc4: {  	s1 =	sor.u32 s2, s1;
	s0 =	sshll.u32 s0, $0x11  }
0xc5: {  	s0 =	sor.u32 s0, s1  }
0xc6: {  	s0 =	sadd.s32 $0x8F2B, s0  }
0xc7: {  	[sflag:s0] =	ssyncadd.remote.s32 $0x1  }
0xc8: {  	_ =	sfence.sel $0xFFFF  }
0xc9: {  	[dreg:$0x0] =	wrdreg $0xFFFFFFFF;
	(pc) =	sbr.abs _section_cstart, $3  }
0xca: {  	[dreg:$0x1] =	wrdreg $0xFFFFFFFF  }
0xcb: {  	_ =	task.clear_ibuf [dreg:s7], $0x2FFFF;
	_ =	strace $0x9FFFFFFF  }
0xcc: {  	(tm) =	ssettm $0x7FFFFFFF  }
0xcd: {  	_ =	shalt  }
tec
execute0_lowered:
.L_overlay_start_1:
0x0: {  	(tag) =	ssettag $0x1  }
0x1: {  	s8 =	rddreg [dreg:$0x0]  }
0x2: {  	s9 =	rddreg [dreg:$0x1]  }
0x3: {  	s1 =	rddreg [dreg:$0x2]  }
0x4: {  	s5 =	rddreg [dreg:$0x3]  }
0x5: {  	s4 =	rddreg [dreg:$0x4]  }
0x6: {  	s3 =	rddreg [dreg:$0x5]  }
0x7: {  	s2 =	rddreg [dreg:$0x6];
	s7 =	simm.s32 $0x0;
	s6 =	stileid.u32  }
0x8: {  	[smem:$0x7FF] =	sst s7;
	s10 =	sshll.u32 s6, $0x8  }
0x9: {  	s0 =	rddreg [dreg:$0x7];
	_ =	strace $0x80000047;
	s8 =	sadd.s32 s8, s10  }
0xa: {  	[tilespmem:s7], [sflag:$0x1] =	stream.linear.gather [hbm4b:s8+s7], $0x800, $0x38;
	[tilespmem:$0x3480] =	vst v63  }
0xb: {  	s8 =	simm.s32 $0x1  }
0xc: {  	_ =	swait.ge [sflag:s8], $0x800  }
0xd: {  	s22 =	sshll.u32 s6, $0xA;
	[sflag:s8] =	ssyncset.done $0x0  }
0xe: {  	s23 =	simm.s32 $0x800;
	s9 =	sadd.s32 s9, s22;
	[sflag:s8] =	ssyncadd.s32 $0xFFFFF800  }
0xf: {  	[tilespmem:s23], [sflag:$0x1] =	stream.linear.gather [hbm4b:s9+s7], $0x80, $0x38;
	[tilespmem:$0x3480] =	vst v63  }
0x10: {  	s11 =	simm.s32 $0xA00;
	s24 =	sadd.s32 $0x40, s9  }
0x11: {  	[tilespmem:s11], [sflag:$0x1] =	stream.linear.gather [hbm4b:s24+s7], $0x80, $0x38;
	[tilespmem:$0x3480] =	vst v63  }
0x12: {  	s26 =	simm.s32 $0xC00;
	s25 =	sadd.s32 $0x80, s9  }
0x13: {  	[tilespmem:s26], [sflag:$0x1] =	stream.linear.gather [hbm4b:s25+s7], $0x80, $0x38;
	[tilespmem:$0x3480] =	vst v63  }
0x14: {  	s29 =	simm.s32 $0xE00;
	s28 =	sadd.s32 $0xC0, s9  }
0x15: {  	[tilespmem:s29], [sflag:$0x1] =	stream.linear.gather [hbm4b:s28+s7], $0x80, $0x38;
	[tilespmem:$0x3480] =	vst v63  }
0x16: {  	s31 =	simm.s32 $0x1000;
	s30 =	sadd.s32 $0x100, s9  }
0x17: {  	[tilespmem:s31], [sflag:$0x1] =	stream.linear.gather [hbm4b:s30+s7], $0x80, $0x38;
	[tilespmem:$0x3480] =	vst v63  }
0x18: {  	s12 =	simm.s32 $0x1200;
	s11 =	sadd.s32 $0x140, s9  }
0x19: {  	[tilespmem:s12], [sflag:$0x1] =	stream.linear.gather [hbm4b:s11+s7], $0x80, $0x38;
	[tilespmem:$0x3480] =	vst v63  }
0x1a: {  	s14 =	simm.s32 $0x1400;
	s13 =	sadd.s32 $0x180, s9  }
0x1b: {  	[tilespmem:s14], [sflag:$0x1] =	stream.linear.gather [hbm4b:s13+s7], $0x80, $0x38;
	[tilespmem:$0x3480] =	vst v63  }
0x1c: {  	s16 =	simm.s32 $0x1600;
	s15 =	sadd.s32 $0x1C0, s9  }
0x1d: {  	[tilespmem:s16], [sflag:$0x1] =	stream.linear.gather [hbm4b:s15+s7], $0x80, $0x38;
	[tilespmem:$0x3480] =	vst v63  }
0x1e: {  	s18 =	simm.s32 $0x1800;
	s17 =	sadd.s32 $0x200, s9  }
0x1f: {  	[tilespmem:s18], [sflag:$0x1] =	stream.linear.gather [hbm4b:s17+s7], $0x80, $0x38;
	[tilespmem:$0x3480] =	vst v63  }
0x20: {  	s20 =	simm.s32 $0x1A00;
	s19 =	sadd.s32 $0x240, s9  }
0x21: {  	[tilespmem:s20], [sflag:$0x1] =	stream.linear.gather [hbm4b:s19+s7], $0x80, $0x38;
	[tilespmem:$0x3480] =	vst v63  }
0x22: {  	s22 =	simm.s32 $0x1C00;
	s21 =	sadd.s32 $0x280, s9  }
0x23: {  	[tilespmem:s22], [sflag:$0x1] =	stream.linear.gather [hbm4b:s21+s7], $0x80, $0x38;
	[tilespmem:$0x3480] =	vst v63  }
0x24: {  	s23 =	sadd.s32 $0x2C0, s9;
	s24 =	simm.s32 $0x1E00  }
0x25: {  	[tilespmem:s24], [sflag:$0x1] =	stream.linear.gather [hbm4b:s23+s7], $0x80, $0x38;
	[tilespmem:$0x3480] =	vst v63  }
0x26: {  	s25 =	sadd.s32 $0x300, s9;
	s26 =	simm.s32 $0x2000  }
0x27: {  	[tilespmem:s26], [sflag:$0x1] =	stream.linear.gather [hbm4b:s25+s7], $0x80, $0x38;
	[tilespmem:$0x3480] =	vst v63  }
0x28: {  	s28 =	sadd.s32 $0x340, s9;
	s29 =	simm.s32 $0x2200  }
0x29: {  	[tilespmem:s29], [sflag:$0x1] =	stream.linear.gather [hbm4b:s28+s7], $0x80, $0x38;
	[tilespmem:$0x3480] =	vst v63  }
0x2a: {  	s30 =	sadd.s32 $0x380, s9;
	s31 =	simm.s32 $0x2400  }
0x2b: {  	[tilespmem:s31], [sflag:$0x1] =	stream.linear.gather [hbm4b:s30+s7], $0x80, $0x38;
	[tilespmem:$0x3480] =	vst v63  }
0x2c: {  	s11 =	sadd.s32 $0x3C0, s9;
	s12 =	simm.s32 $0x2600  }
0x2d: {  	[tilespmem:s12], [sflag:$0x1] =	stream.linear.gather [hbm4b:s11+s7], $0x80, $0x38;
	[tilespmem:$0x3480] =	vst v63  }
0x2e: {  	_ =	swait.ge [sflag:s8], $0x800  }
0x2f: {  	[sflag:s8] =	ssyncset.done $0x0  }
0x30: {  	s13 =	sadd.s32 $0x10, s9;
	s14 =	simm.s32 $0x880;
	[sflag:s8] =	ssyncadd.s32 $0xFFFFF800  }
0x31: {  	[tilespmem:s14], [sflag:$0x1] =	stream.linear.gather [hbm4b:s13+s7], $0x80, $0x38;
	[tilespmem:$0x3480] =	vst v63  }
0x32: {  	s15 =	sadd.s32 $0x50, s9;
	s16 =	simm.s32 $0xA80  }
0x33: {  	[tilespmem:s16], [sflag:$0x1] =	stream.linear.gather [hbm4b:s15+s7], $0x80, $0x38;
	[tilespmem:$0x3480] =	vst v63  }
0x34: {  	s17 =	sadd.s32 $0x90, s9;
	s18 =	simm.s32 $0xC80  }
0x35: {  	[tilespmem:s18], [sflag:$0x1] =	stream.linear.gather [hbm4b:s17+s7], $0x80, $0x38;
	[tilespmem:$0x3480] =	vst v63  }
0x36: {  	s19 =	sadd.s32 $0xD0, s9;
	s20 =	simm.s32 $0xE80  }
0x37: {  	[tilespmem:s20], [sflag:$0x1] =	stream.linear.gather [hbm4b:s19+s7], $0x80, $0x38;
	[tilespmem:$0x3480] =	vst v63  }
0x38: {  	s21 =	sadd.s32 $0x110, s9;
	s22 =	simm.s32 $0x1080  }
0x39: {  	[tilespmem:s22], [sflag:$0x1] =	stream.linear.gather [hbm4b:s21+s7], $0x80, $0x38;
	[tilespmem:$0x3480] =	vst v63  }
0x3a: {  	s23 =	sadd.s32 $0x150, s9;
	s24 =	simm.s32 $0x1280  }
0x3b: {  	[tilespmem:s24], [sflag:$0x1] =	stream.linear.gather [hbm4b:s23+s7], $0x80, $0x38;
	[tilespmem:$0x3480] =	vst v63  }
0x3c: {  	s25 =	sadd.s32 $0x190, s9;
	s26 =	simm.s32 $0x1480  }
0x3d: {  	[tilespmem:s26], [sflag:$0x1] =	stream.linear.gather [hbm4b:s25+s7], $0x80, $0x38;
	[tilespmem:$0x3480] =	vst v63  }
0x3e: {  	s28 =	sadd.s32 $0x1D0, s9;
	s29 =	simm.s32 $0x1680  }
0x3f: {  	[tilespmem:s29], [sflag:$0x1] =	stream.linear.gather [hbm4b:s28+s7], $0x80, $0x38;
	[tilespmem:$0x3480] =	vst v63  }
0x40: {  	s30 =	sadd.s32 $0x210, s9;
	s31 =	simm.s32 $0x1880  }
0x41: {  	[tilespmem:s31], [sflag:$0x1] =	stream.linear.gather [hbm4b:s30+s7], $0x80, $0x38;
	[tilespmem:$0x3480] =	vst v63  }
0x42: {  	s11 =	sadd.s32 $0x250, s9;
	s12 =	simm.s32 $0x1A80  }
0x43: {  	[tilespmem:s12], [sflag:$0x1] =	stream.linear.gather [hbm4b:s11+s7], $0x80, $0x38;
	[tilespmem:$0x3480] =	vst v63  }
0x44: {  	s13 =	sadd.s32 $0x290, s9;
	s14 =	simm.s32 $0x1C80  }
0x45: {  	[tilespmem:s14], [sflag:$0x1] =	stream.linear.gather [hbm4b:s13+s7], $0x80, $0x38;
	[tilespmem:$0x3480] =	vst v63  }
0x46: {  	s15 =	sadd.s32 $0x2D0, s9;
	s16 =	simm.s32 $0x1E80  }
0x47: {  	[tilespmem:s16], [sflag:$0x1] =	stream.linear.gather [hbm4b:s15+s7], $0x80, $0x38;
	[tilespmem:$0x3480] =	vst v63  }
0x48: {  	s17 =	sadd.s32 $0x310, s9;
	s18 =	simm.s32 $0x2080  }
0x49: {  	[tilespmem:s18], [sflag:$0x1] =	stream.linear.gather [hbm4b:s17+s7], $0x80, $0x38;
	[tilespmem:$0x3480] =	vst v63  }
0x4a: {  	s19 =	sadd.s32 $0x350, s9;
	s20 =	simm.s32 $0x2280  }
0x4b: {  	[tilespmem:s20], [sflag:$0x1] =	stream.linear.gather [hbm4b:s19+s7], $0x80, $0x38;
	[tilespmem:$0x3480] =	vst v63  }
0x4c: {  	s21 =	sadd.s32 $0x390, s9;
	s22 =	simm.s32 $0x2480  }
0x4d: {  	[tilespmem:s22], [sflag:$0x1] =	stream.linear.gather [hbm4b:s21+s7], $0x80, $0x38;
	[tilespmem:$0x3480] =	vst v63  }
0x4e: {  	s23 =	sadd.s32 $0x3D0, s9;
	s24 =	simm.s32 $0x2680  }
0x4f: {  	[tilespmem:s24], [sflag:$0x1] =	stream.linear.gather [hbm4b:s23+s7], $0x80, $0x38;
	[tilespmem:$0x3480] =	vst v63  }
0x50: {  	_ =	swait.ge [sflag:s8], $0x800  }
0x51: {  	[sflag:s8] =	ssyncset.done $0x0  }
0x52: {  	s25 =	sadd.s32 $0x20, s9;
	s26 =	simm.s32 $0x900;
	[sflag:s8] =	ssyncadd.s32 $0xFFFFF800  }
0x53: {  	[tilespmem:s26], [sflag:$0x1] =	stream.linear.gather [hbm4b:s25+s7], $0x100, $0x38;
	[tilespmem:$0x3480] =	vst v63  }
0x54: {  	s28 =	sadd.s32 $0x60, s9;
	s29 =	simm.s32 $0xB00  }
0x55: {  	[tilespmem:s29], [sflag:$0x1] =	stream.linear.gather [hbm4b:s28+s7], $0x100, $0x38;
	[tilespmem:$0x3480] =	vst v63  }
0x56: {  	s30 =	sadd.s32 $0xA0, s9;
	s31 =	simm.s32 $0xD00  }
0x57: {  	[tilespmem:s31], [sflag:$0x1] =	stream.linear.gather [hbm4b:s30+s7], $0x100, $0x38;
	[tilespmem:$0x3480] =	vst v63  }
0x58: {  	s11 =	sadd.s32 $0xE0, s9;
	s12 =	simm.s32 $0xF00  }
0x59: {  	[tilespmem:s12], [sflag:$0x1] =	stream.linear.gather [hbm4b:s11+s7], $0x100, $0x38;
	[tilespmem:$0x3480] =	vst v63  }
0x5a: {  	s13 =	sadd.s32 $0x120, s9;
	s14 =	simm.s32 $0x1100  }
0x5b: {  	[tilespmem:s14], [sflag:$0x1] =	stream.linear.gather [hbm4b:s13+s7], $0x100, $0x38;
	[tilespmem:$0x3480] =	vst v63  }
0x5c: {  	s15 =	sadd.s32 $0x160, s9;
	s16 =	simm.s32 $0x1300  }
0x5d: {  	[tilespmem:s16], [sflag:$0x1] =	stream.linear.gather [hbm4b:s15+s7], $0x100, $0x38;
	[tilespmem:$0x3480] =	vst v63  }
0x5e: {  	s17 =	sadd.s32 $0x1A0, s9;
	s18 =	simm.s32 $0x1500  }
0x5f: {  	[tilespmem:s18], [sflag:$0x1] =	stream.linear.gather [hbm4b:s17+s7], $0x100, $0x38;
	[tilespmem:$0x3480] =	vst v63  }
0x60: {  	s19 =	sadd.s32 $0x1E0, s9;
	s20 =	simm.s32 $0x1700  }
0x61: {  	[tilespmem:s20], [sflag:$0x1] =	stream.linear.gather [hbm4b:s19+s7], $0x100, $0x38;
	[tilespmem:$0x3480] =	vst v63  }
0x62: {  	s21 =	sadd.s32 $0x220, s9;
	s22 =	simm.s32 $0x1900  }
0x63: {  	[tilespmem:s22], [sflag:$0x1] =	stream.linear.gather [hbm4b:s21+s7], $0x100, $0x38;
	[tilespmem:$0x3480] =	vst v63  }
0x64: {  	s23 =	sadd.s32 $0x260, s9;
	s24 =	simm.s32 $0x1B00  }
0x65: {  	[tilespmem:s24], [sflag:$0x1] =	stream.linear.gather [hbm4b:s23+s7], $0x100, $0x38;
	[tilespmem:$0x3480] =	vst v63  }
0x66: {  	s25 =	sadd.s32 $0x2A0, s9;
	s26 =	simm.s32 $0x1D00  }
0x67: {  	[tilespmem:s26], [sflag:$0x1] =	stream.linear.gather [hbm4b:s25+s7], $0x100, $0x38;
	[tilespmem:$0x3480] =	vst v63  }
0x68: {  	s28 =	sadd.s32 $0x2E0, s9;
	s29 =	simm.s32 $0x1F00  }
0x69: {  	[tilespmem:s29], [sflag:$0x1] =	stream.linear.gather [hbm4b:s28+s7], $0x100, $0x38;
	[tilespmem:$0x3480] =	vst v63  }
0x6a: {  	s30 =	sadd.s32 $0x320, s9;
	s31 =	simm.s32 $0x2100  }
0x6b: {  	[tilespmem:s31], [sflag:$0x1] =	stream.linear.gather [hbm4b:s30+s7], $0x100, $0x38;
	[tilespmem:$0x3480] =	vst v63  }
0x6c: {  	s12 =	sadd.s32 $0x360, s9;
	s13 =	simm.s32 $0x2300  }
0x6d: {  	[tilespmem:s13], [sflag:$0x1] =	stream.linear.gather [hbm4b:s12+s7], $0x100, $0x38;
	[tilespmem:$0x3480] =	vst v63  }
0x6e: {  	s14 =	sadd.s32 $0x3A0, s9;
	s15 =	simm.s32 $0x2500  }
0x6f: {  	[tilespmem:s15], [sflag:$0x1] =	stream.linear.gather [hbm4b:s14+s7], $0x100, $0x38;
	[tilespmem:$0x3480] =	vst v63  }
0x70: {  	s9 =	sadd.s32 $0x3E0, s9;
	s16 =	simm.s32 $0x2700  }
0x71: {  	[tilespmem:s16], [sflag:$0x1] =	stream.linear.gather [hbm4b:s9+s7], $0x100, $0x38;
	[tilespmem:$0x3480] =	vst v63  }
0x72: {  	_ =	swait.ge [sflag:s8], $0x1000  }
0x73: {  	[sflag:s8] =	ssyncset.done $0x0  }
0x74: {  	[sflag:s8] =	ssyncadd.s32 $0xFFFFF000  }
0x75: {  	v2 =	vld [tilespmem:$0xC0];
	_ =	sdelay $0x4  }
0x76: {  	[tilespmem:$0x1FE70] =	vst v2;
	v2 =	vld [tilespmem:$0xD0];
	_ =	sdelay $0x2  }
0x77: {  	v0 =	vld [tilespmem:$0x0]  }
0x78: {  	v1 =	vld [tilespmem:$0x10]  }
0x79: {  	[tilespmem:$0x1FE80] =	vst v2;
	v2 =	vld [tilespmem:$0xE0]  }
0x7a: {  	v7 =	vld [tilespmem:$0x20]  }
0x7b: {  	v8 =	vld [tilespmem:$0x30]  }
0x7c: {  	v10 =	vld [tilespmem:$0x40]  }
0x7d: {  	v12 =	vld [tilespmem:$0x50]  }
0x7e: {  	[tilespmem:$0x1FE90] =	vst v2;
	v2 =	vld [tilespmem:$0xF0]  }
0x7f: {  	v13 =	vld [tilespmem:$0x60]  }
0x80: {  	v15 =	vld [tilespmem:$0x70]  }
0x81: {  	v32 =	vld [tilespmem:$0x80]  }
0x82: {  	v42 =	vld [tilespmem:$0x90]  }
0x83: {  	[tilespmem:$0x1FEA0] =	vst v2;
	v2 =	vld [tilespmem:$0x2A0]  }
0x84: {  	v45 =	vld [tilespmem:$0xA0]  }
0x85: {  	v57 =	vld [tilespmem:$0xB0]  }
0x86: {  	v17 =	vld [tilespmem:$0x100]  }
0x87: {  	v18 =	vld [tilespmem:$0x110]  }
0x88: {  	[tilespmem:$0x1FEB0] =	vst v2;
	v2 =	vld [tilespmem:$0x2B0]  }
0x89: {  	v19 =	vld [tilespmem:$0x120]  }
0x8a: {  	v20 =	vld [tilespmem:$0x130]  }
0x8b: {  	v21 =	vld [tilespmem:$0x140]  }
0x8c: {  	v22 =	vld [tilespmem:$0x150]  }
0x8d: {  	[tilespmem:$0x1FEC0] =	vst v2;
	v2 =	vld [tilespmem:$0x2C0]  }
0x8e: {  	v23 =	vld [tilespmem:$0x160]  }
0x8f: {  	v24 =	vld [tilespmem:$0x170]  }
0x90: {  	v25 =	vld [tilespmem:$0x180]  }
0x91: {  	v26 =	vld [tilespmem:$0x190]  }
0x92: {  	[tilespmem:$0x1FED0] =	vst v2;
	v2 =	vld [tilespmem:$0x2D0]  }
0x93: {  	v27 =	vld [tilespmem:$0x1A0]  }
0x94: {  	v28 =	vld [tilespmem:$0x1B0]  }
0x95: {  	v29 =	vld [tilespmem:$0x1C0]  }
0x96: {  	v40 =	vld [tilespmem:$0x1D0]  }
0x97: {  	[tilespmem:$0x1FEE0] =	vst v2;
	v2 =	vld [tilespmem:$0x2E0]  }
0x98: {  	v46 =	vld [tilespmem:$0x1E0]  }
0x99: {  	v58 =	vld [tilespmem:$0x1F0]  }
0x9a: {  	v33 =	vld [tilespmem:$0x200]  }
0x9b: {  	v34 =	vld [tilespmem:$0x210]  }
0x9c: {  	[tilespmem:$0x1FF00] =	vst v2;
	v2 =	vld [tilespmem:$0x2F0]  }
0x9d: {  	v35 =	vld [tilespmem:$0x220]  }
0x9e: {  	v36 =	vld [tilespmem:$0x230]  }
0x9f: {  	v37 =	vld [tilespmem:$0x240]  }
0xa0: {  	v38 =	vld [tilespmem:$0x250]  }
0xa1: {  	[tilespmem:$0x1FF20] =	vst v2;
	v2 =	vld [tilespmem:$0x380]  }
0xa2: {  	v39 =	vld [tilespmem:$0x260]  }
0xa3: {  	v43 =	vld [tilespmem:$0x270]  }
0xa4: {  	v56 =	vld [tilespmem:$0x280]  }
0xa5: {  	v62 =	vld [tilespmem:$0x290]  }
0xa6: {  	[tilespmem:$0x1FEF0] =	vst v2;
	v2 =	vld [tilespmem:$0x390]  }
0xa7: {  	v49 =	vld [tilespmem:$0x300]  }
0xa8: {  	v50 =	vld [tilespmem:$0x310]  }
0xa9: {  	v51 =	vld [tilespmem:$0x320]  }
0xaa: {  	v52 =	vld [tilespmem:$0x330]  }
0xab: {  	[tilespmem:$0x1FF10] =	vst v2;
	v2 =	vld [tilespmem:$0x3A0]  }
0xac: {  	v53 =	vld [tilespmem:$0x340]  }
0xad: {  	v54 =	vld [tilespmem:$0x350]  }
0xae: {  	v55 =	vld [tilespmem:$0x360]  }
0xaf: {  	v60 =	vld [tilespmem:$0x370]  }
0xb0: {  	[tilespmem:$0x1FF30] =	vst v2;
	v2 =	vld [tilespmem:$0x3B0]  }
0xb1: {  	v3 =	vld [tilespmem:$0x400]  }
0xb2: {  	v4 =	vld [tilespmem:$0x420]  }
0xb3: {  	v5 =	vld [tilespmem:$0x430]  }
0xb4: {  	v6 =	vld [tilespmem:$0x440]  }
0xb5: {  	[tilespmem:$0x1FF40] =	vst v2;
	v2 =	vld [tilespmem:$0x3C0]  }
0xb6: {  	v9 =	vld [tilespmem:$0x450]  }
0xb7: {  	v11 =	vld [tilespmem:$0x460]  }
0xb8: {  	v14 =	vld [tilespmem:$0x470]  }
0xb9: {  	v31 =	vld [tilespmem:$0x480]  }
0xba: {  	[tilespmem:$0x1FF50] =	vst v2;
	v2 =	vld [tilespmem:$0x3D0]  }
0xbb: {  	v44 =	vld [tilespmem:$0x490]  }
0xbc: {  	v47 =	vld [tilespmem:$0x4A0]  }
0xbd: {  	v59 =	vld [tilespmem:$0x4B0]  }
0xbe: {  	v0 =	vmax.f32 v0, v1;
	v1 =	vld [tilespmem:$0x570]  }
0xbf: {  	[tilespmem:$0x1FF60] =	vst v2;
	v2 =	vld [tilespmem:$0x3E0]  }
0xc0: {  	v16 =	vld [tilespmem:$0x4C0]  }
0xc1: {  	v30 =	vld [tilespmem:$0x500]  }
0xc2: {  	v41 =	vld [tilespmem:$0x520]  }
0xc3: {  	v63 =	vld [tilespmem:$0x550];
	[tilespmem:$0x1FFF0] =	vst v1  }
0xc4: {  	v1 =	vmax.f32 v17, v18;
	[tilespmem:$0x1FF80] =	vst v2;
	v2 =	vld [tilespmem:$0x3F0]  }
0xc5: {  	v48 =	vld [tilespmem:$0x530];
	v1 =	vmax.f32 v1, v19  }
0xc6: {  	v61 =	vld [tilespmem:$0x540];
	v1 =	vmax.f32 v1, v20  }
0xc7: {  	[tilespmem:$0x1FF70] =	vst v16;
	v16 =	vld [tilespmem:$0x4D0];
	v20 =	vmax.f32 v33, v34;
	v1 =	vmax.f32 v1, v21  }
0xc8: {  	[tilespmem:$0x1FFC0] =	vst v63;
	v63 =	vld [tilespmem:$0x560];
	v20 =	vmax.f32 v20, v35;
	v1 =	vmax.f32 v1, v22  }
0xc9: {  	v0 =	vmax.f32 v0, v7;
	v20 =	vmax.f32 v20, v36;
	v1 =	vmax.f32 v1, v23;
	[tilespmem:$0x1FFA0] =	vst v2;
	v2 =	vld [tilespmem:$0x410]  }
0xca: {  	v7 =	vld [tilespmem:$0x580];
	v0 =	vmax.f32 v0, v8;
	v20 =	vmax.f32 v20, v37;
	v1 =	vmax.f32 v1, v24  }
0xcb: {  	v8 =	vld [tilespmem:$0x590];
	v0 =	vmax.f32 v0, v10;
	v20 =	vmax.f32 v20, v38;
	v1 =	vmax.f32 v1, v25  }
0xcc: {  	v10 =	vld [tilespmem:$0x5A0];
	v20 =	vmax.f32 v20, v39;
	v1 =	vmax.f32 v1, v26;
	v26 =	vmax.f32 v49, v50  }
0xcd: {  	v0 =	vmax.f32 v0, v12;
	v12 =	vld [tilespmem:$0x5B0];
	v20 =	vmax.f32 v20, v43;
	v26 =	vmax.f32 v26, v51  }
0xce: {  	[tilespmem:$0x1FF90] =	vst v16;
	v16 =	vld [tilespmem:$0x4E0];
	v2 =	vmax.f32 v3, v2;
	v3 =	vmax.f32 v20, v56;
	v20 =	vmax.f32 v26, v52  }
0xcf: {  	v2 =	vmax.f32 v2, v4;
	v4 =	vmax.f32 v20, v53;
	v20 =	vld [tilespmem:$0x1FEB0]  }
0xd0: {  	v0 =	vmax.f32 v0, v13;
	v13 =	vld [tilespmem:$0x5C0]  }
0xd1: {  	v17 =	vld [tilespmem:$0x5E0]  }
0xd2: {  	v18 =	vld [tilespmem:$0x5F0]  }
0xd3: {  	[tilespmem:$0x1FFE0] =	vst v63;
	v63 =	vld [tilespmem:$0x6E0];
	v3 =	vmax.f32 v3, v62  }
0xd4: {  	v3 =	vmax.f32 v3, v20;
	v20 =	vld [tilespmem:$0x1FEC0]  }
0xd5: {  	v0 =	vmax.f32 v0, v15;
	v15 =	vld [tilespmem:$0x5D0]  }
0xd6: {  	v19 =	vld [tilespmem:$0x600]  }
0xd7: {  	v21 =	vld [tilespmem:$0x610]  }
0xd8: {  	v22 =	vld [tilespmem:$0x1FE70]  }
0xd9: {  	v3 =	vmax.f32 v3, v20;
	v20 =	vld [tilespmem:$0x1FED0]  }
0xda: {  	v36 =	vld [tilespmem:$0x700]  }
0xdb: {  	[tilespmem:$0x1FFB0] =	vst v16;
	v16 =	vld [tilespmem:$0x4F0]  }
0xdc: {  	v23 =	vld [tilespmem:$0x1FE80]  }
0xdd: {  	v24 =	vld [tilespmem:$0x1FE90]  }
0xde: {  	v3 =	vmax.f32 v3, v20;
	v20 =	vld [tilespmem:$0x1FEE0]  }
0xdf: {  	v38 =	vld [tilespmem:$0x710]  }
0xe0: {  	v0 =	vmax.f32 v0, v32;
	v43 =	vld [tilespmem:$0x1FF90]  }
0xe1: {  	v0 =	vmax.f32 v0, v42;
	v50 =	vld [tilespmem:$0x1FFE0]  }
0xe2: {  	v0 =	vmax.f32 v0, v45;
	v19 =	vmax.f32 v19, v21;
	v21 =	vld [tilespmem:$0x750]  }
0xe3: {  	v0 =	vmax.f32 v0, v57;
	v3 =	vmax.f32 v3, v20;
	v20 =	vld [tilespmem:$0x1FEF0]  }
0xe4: {  	v0 =	vmax.f32 v0, v22;
	v22 =	vld [tilespmem:$0x620]  }
0xe5: {  	v1 =	vmax.f32 v1, v27;
	v27 =	vld [tilespmem:$0x660];
	v4 =	vmax.f32 v4, v54  }
0xe6: {  	v51 =	vld [tilespmem:$0x1FFF0];
	v4 =	vmax.f32 v4, v55  }
0xe7: {  	[tilespmem:$0x1FFD0] =	vst v16;
	v16 =	vld [tilespmem:$0x510];
	v4 =	vmax.f32 v4, v60  }
0xe8: {  	v4 =	vmax.f32 v4, v20;
	v20 =	vld [tilespmem:$0x1FF00]  }
0xe9: {  	v0 =	vmax.f32 v0, v23;
	v23 =	vld [tilespmem:$0x630]  }
0xea: {  	v0 =	vmax.f32 v0, v24;
	v24 =	vld [tilespmem:$0x640]  }
0xeb: {  	v25 =	vld [tilespmem:$0x1FEA0]  }
0xec: {  	v1 =	vmax.f32 v1, v28;
	v49 =	vld [tilespmem:$0x1FFD0]  }
0xed: {  	v1 =	vmax.f32 v1, v29;
	v2 =	vmax.f32 v2, v5;
	v3 =	vmax.f32 v3, v20;
	v20 =	vld [tilespmem:$0x1FF10]  }
0xee: {  	v1 =	vmax.f32 v1, v40;
	v40 =	vld [tilespmem:$0x1FF70];
	v2 =	vmax.f32 v2, v6  }
0xef: {  	v1 =	vmax.f32 v1, v46;
	v46 =	vld [tilespmem:$0x1FFB0];
	v2 =	vmax.f32 v2, v9  }
0xf0: {  	v1 =	vmax.f32 v1, v58;
	v58 =	vld [tilespmem:$0x670];
	v2 =	vmax.f32 v2, v11  }
0xf1: {  	v0 =	vmax.f32 v0, v25;
	v25 =	vld [tilespmem:$0x650];
	v2 =	vmax.f32 v2, v14  }
0xf2: {  	v16 =	vmax.f32 v30, v16;
	v4 =	vmax.f32 v4, v20;
	v20 =	vmax.f32 v2, v31;
	v2 =	vld [tilespmem:$0x1FF20]  }
0xf3: {  	v16 =	vmax.f32 v16, v41;
	v41 =	vld [tilespmem:$0x720]  }
0xf4: {  	v16 =	vmax.f32 v16, v48;
	v48 =	vld [tilespmem:$0x740]  }
0xf5: {  	v35 =	vld [tilespmem:$0x1FF40]  }
0xf6: {  	v37 =	vld [tilespmem:$0x1FF50]  }
0xf7: {  	v2 =	vmax.f32 v3, v2;
	v3 =	vld [tilespmem:$0x1FF30]  }
0xf8: {  	v39 =	vld [tilespmem:$0x1FF60]  }
0xf9: {  	v42 =	vld [tilespmem:$0x1FF80]  }
0xfa: {  	v45 =	vld [tilespmem:$0x1FFA0]  }
0xfb: {  	v26 =	vld [tilespmem:$0x680]  }
0xfc: {  	v52 =	vld [tilespmem:$0x760];
	v3 =	vmax.f32 v4, v3;
	v4 =	vmax.f32 v20, v44  }
0xfd: {  	v4 =	vmax.f32 v4, v47;
	v47 =	vld [tilespmem:$0x1FFC0]  }
0xfe: {  	v5 =	vld [tilespmem:$0x690]  }
0xff: {  	v19 =	vmax.f32 v19, v22;
	v6 =	vld [tilespmem:$0x6A0]  }
0x100: {  	v22 =	vmax.f32 v36, v38;
	v9 =	vld [tilespmem:$0x6B0];
	v3 =	vmax.f32 v3, v35;
	v4 =	vmax.f32 v4, v59  }
0x101: {  	v16 =	vmax.f32 v16, v61;
	v44 =	vld [tilespmem:$0x730];
	v3 =	vmax.f32 v3, v37;
	v4 =	vmax.f32 v4, v40  }
0x102: {  	v11 =	vld [tilespmem:$0x6C0];
	v3 =	vmax.f32 v3, v39;
	v4 =	vmax.f32 v4, v43;
	v16 =	vmax.f32 v16, v47  }
0x103: {  	v14 =	vld [tilespmem:$0x6D0];
	v3 =	vmax.f32 v3, v42;
	v4 =	vmax.f32 v4, v46;
	v16 =	vmax.f32 v16, v50  }
0x104: {  	v20 =	vld [tilespmem:$0x6F0];
	v3 =	vmax.f32 v3, v45;
	v4 =	vmax.f32 v4, v49;
	v16 =	vmax.f32 v16, v51  }
0x105: {  	v7 =	vmax.f32 v16, v7;
	v16 =	vmax.f32 v19, v23;
	v19 =	vmax.f32 v22, v41;
	v22 =	vld [tilespmem:$0x770]  }
0x106: {  	v7 =	vmax.f32 v7, v8;
	v8 =	vmax.f32 v16, v24;
	v16 =	vmax.f32 v19, v44;
	v19 =	vld [tilespmem:$0x780]  }
0x107: {  	v7 =	vmax.f32 v7, v10;
	v8 =	vmax.f32 v8, v25;
	v10 =	vmax.f32 v16, v48;
	v16 =	vld [tilespmem:$0x790]  }
0x108: {  	v7 =	vmax.f32 v7, v12;
	v8 =	vmax.f32 v8, v27;
	v10 =	vmax.f32 v10, v21;
	v12 =	vld [tilespmem:$0x7A0]  }
0x109: {  	v7 =	vmax.f32 v7, v13;
	v8 =	vmax.f32 v8, v58;
	v10 =	vmax.f32 v10, v52;
	v13 =	vld [tilespmem:$0x7B0]  }
0x10a: {  	v7 =	vmax.f32 v7, v15;
	v8 =	vmax.f32 v8, v26;
	v10 =	vmax.f32 v10, v22;
	v15 =	vld [tilespmem:$0x7C0]  }
0x10b: {  	v7 =	vmax.f32 v7, v17;
	v8 =	vmax.f32 v8, v5;
	v10 =	vmax.f32 v10, v19;
	v17 =	vld [tilespmem:$0x7D0]  }
0x10c: {  	v5 =	vmax.f32 v7, v18;
	v6 =	vmax.f32 v8, v6;
	v7 =	vmax.f32 v10, v16;
	v8 =	vld [tilespmem:$0x7E0]  }
0x10d: {  	v10 =	vmax.f32 v0, v1;
	v6 =	vmax.f32 v6, v9;
	v7 =	vmax.f32 v7, v12;
	v9 =	vld [tilespmem:$0x7F0]  }
0x10e: {  	v10 =	vmax.f32 v10, v2;
	v6 =	vmax.f32 v6, v11;
	v7 =	vmax.f32 v7, v13  }
0x10f: {  	v10 =	vmax.f32 v10, v3;
	v6 =	vmax.f32 v6, v14;
	v7 =	vmax.f32 v7, v15  }
0x110: {  	v10 =	vmax.f32 v10, v4;
	v6 =	vmax.f32 v6, v63;
	v7 =	vmax.f32 v7, v17  }
0x111: {  	v6 =	vmax.f32 v6, v20;
	v7 =	vmax.f32 v7, v8;
	v8 =	vmax.f32 v10, v5  }
0x112: {  	v7 =	vmax.f32 v7, v9;
	v8 =	vmax.f32 v8, v6  }
0x113: {  	v8 =	vmax.f32 v8, v7  }
0x114: {  	(xrf0) =	vmax.scan.msk.f32 $0xffff, v8;
	_ =	sdelay $0x5  }
0x115: {  	v8, _, _ =	vpop (xrf0)  }
0x116: {  	v24 =	vbroadcast v8, $0xF;
	_ =	sdelay $0x1  }
0x117: {  	v8 =	vimm.s32 $0x0;
	vm0 =	veq.f32 v7, v24  }
0x118: {  	vm1 =	veq.f32 v6, v24;
	v9 =	vsel vm0, $0x1, v8  }
0x119: {  	vm0 =	veq.f32 v5, v24;
	v10 =	vsel vm1, $0x1, v8;
	v9 =	vor.u32 $0x80000000, v9  }
0x11a: {  	v11 =	vsel vm0, $0x1, v8;
	v10 =	vor.u32 $0x80000000, v10;
	vm0 =	veq.f32 v4, v24;
	(xrf0) =	vmax.scan.msk.u32 $0xffff, v9  }
0x11b: {  	vm1 =	veq.f32 v3, v24;
	v9 =	vor.u32 $0x80000000, v11;
	v11 =	vsel vm0, $0x1, v8;
	(xrf0) =	vmax.scan.msk.u32 $0xffff, v10  }
0x11c: {  	vm0 =	veq.f32 v2, v24;
	v10 =	vsel vm1, $0x1, v8;
	v11 =	vor.u32 $0x80000000, v11;
	(xrf0) =	vmax.scan.msk.u32 $0xffff, v9  }
0x11d: {  	vm1 =	veq.f32 v0, v24;
	v9 =	vsel vm0, $0x1, v8;
	v10 =	vor.u32 $0x80000000, v10;
	(xrf0) =	vmax.scan.msk.u32 $0xffff, v11  }
0x11e: {  	vm0 =	veq.f32 v1, v24;
	v9 =	vor.u32 $0x80000000, v9;
	(xrf0) =	vmax.scan.msk.u32 $0xffff, v10;
	v10 =	vsel vm1, $0x1, v8  }
0x11f: {  	v11 =	vsel vm0, $0x1, v8;
	(xrf0) =	vmax.scan.msk.u32 $0xffff, v9;
	v9 =	vor.u32 $0x80000000, v10  }
0x120: {  	v11 =	vor.u32 $0x80000000, v11  }
0x121: {  	(xrf0) =	vmax.scan.msk.u32 $0xffff, v11;
	v10, _, _ =	vpop (xrf0)  }
0x122: {  	(xrf0) =	vmax.scan.msk.u32 $0xffff, v9;
	v9, _, _ =	vpop (xrf0);
	(v2sf) =	vpush v10, $0xF  }
0x123: {  	v10, _, _ =	vpop (xrf0);
	(v2sf) =	vpush v9, $0xF  }
0x124: {  	v9, _, _ =	vpop (xrf0);
	(v2sf) =	vpush v10, $0xF  }
0x125: {  	v10, _, _ =	vpop (xrf0);
	(v2sf) =	vpush v9, $0xF  }
0x126: {  	v9, _, _ =	vpop (xrf0);
	(v2sf) =	vpush v10, $0xF  }
0x127: {  	v10, _, _ =	vpop (xrf0);
	(v2sf) =	vpush v9, $0xF  }
0x128: {  	v9, _, _ =	vpop (xrf0);
	(v2sf) =	vpush v10, $0xF  }
0x129: {  	(v2sf) =	vpush v9, $0xF;
	_ =	sdelay $0x6  }
0x12a: {  	s17 =	simm.s32 $0x7  }
0x12b: {  	[dreg:$0x8] =	wrdreg s17;
	s18 =	spop (v2sf)  }
0x12c: {  	s8 =	rddreg [dreg:$0x8];
	p0 =	sgt.u32 s18, $0x80000000;
	s19 =	spop (v2sf)  }
0x12d: {  	p1 =	sgt.u32 s19, $0x80000000;
	s8 =	simm.s32 @!p0 $0x270F;
	s20 =	spop (v2sf)  }
0x12e: {  	p0 =	sgt.u32 s20, $0x80000000;
	s8 =	simm.s32 @p1 $0x6;
	s21 =	spop (v2sf)  }
0x12f: {  	p1 =	sgt.u32 s21, $0x80000000;
	s8 =	simm.s32 @p0 $0x5;
	s22 =	spop (v2sf)  }
0x130: {  	p0 =	sgt.u32 s22, $0x80000000;
	s8 =	simm.s32 @p1 $0x4;
	s23 =	spop (v2sf)  }
0x131: {  	p1 =	sgt.u32 s23, $0x80000000;
	s8 =	simm.s32 @p0 $0x3;
	s24 =	spop (v2sf)  }
0x132: {  	p0 =	sgt.u32 s24, $0x80000000;
	s8 =	simm.s32 @p1 $0x2;
	s25 =	spop (v2sf)  }
0x133: {  	p1 =	sgt.u32 s25, $0x80000000;
	s8 =	simm.s32 @p0 $0x1  }
0x134: {  	s8 =	simm.s32 @p1 $0x0  }
0x135: {  	v9 =	vmov s8  }
0x136: {  	vm0 =	veq.s32 v9, $0x0  }
0x137: {  	vm1 =	veq.s32 v9, $0x1;
	v10 =	vnsel vm0, $0xFF61B1E6, v0  }
0x138: {  	vm2 =	veq.s32 v9, $0x2;
	v10 =	vsel vm1, v1, v10  }
0x139: {  	vm3 =	veq.s32 v9, $0x3;
	v10 =	vsel vm2, v2, v10  }
0x13a: {  	vm4 =	veq.s32 v9, $0x4;
	v10 =	vsel vm3, v3, v10  }
0x13b: {  	vm5 =	veq.s32 v9, $0x5;
	v10 =	vsel vm4, v4, v10  }
0x13c: {  	vm6 =	veq.s32 v9, $0x6;
	v10 =	vsel vm5, v5, v10  }
0x13d: {  	vm7 =	veq.s32 v9, $0x7;
	v10 =	vsel vm6, v6, v10  }
0x13e: {  	v9 =	vlaneseq.u32;
	v11 =	vsel vm7, v7, v10  }
0x13f: {  	v10 =	vor.u32 $0x80000000, v9;
	vm8 =	veq.f32 v11, v24  }
0x140: {  	v11 =	vnsel vm8, $0x8000270F, v10  }
0x141: {  	(xrf0) =	vmin.scan.msk.u32 $0xffff, v11;
	_ =	sdelay $0x5  }
0x142: {  	v11, _, _ =	vpop (xrf0)  }
0x143: {  	(v2sf) =	vpush v11, $0xF;
	_ =	sdelay $0xe  }
0x144: {  	s26 =	spop (v2sf)  }
0x145: {  	s9 =	sxor.u32 $0x80000000, s26  }
0x146: {  	s28 =	sshll.u32 s8, $0x8;
	v11 =	vmov s9  }
0x147: {  	v12 =	vadd.s32 s28, v11  }
0x148: {  	v11 =	vmul.u32 $0x10, v9;
	v12 =	vbroadcast v12, $0x0;
	_ =	sdelay $0x1  }
0x149: {  	v12 =	vadd.s32 v11, v12;
	_ =	sdelay $0x4  }
0x14a: {  	v12 =	vld.idx.msk [tilespmem:v12+s7+$0x0], $0xffff;
	_ =	sdelay $0x4  }
0x14b: {  	vm8 =	veq.f32 v12, v24  }
0x14c: {  	v12 =	vnsel vm8, $0x8000270F, v10  }
0x14d: {  	(xrf0) =	vmin.scan.msk.u32 $0xffff, v12;
	_ =	sdelay $0x5  }
0x14e: {  	v12, _, _ =	vpop (xrf0)  }
0x14f: {  	(v2sf) =	vpush v12, $0xF;
	_ =	sdelay $0xe  }
0x150: {  	v13 =	vmov s28;
	vm8 =	vcmask $0x300;
	s29 =	spop (v2sf)  }
0x151: {  	v13 =	vshrl.u32 v13, $0x7;
	s9 =	sadd.s32 s28, s9;
	v12 =	vsel vm8, $0x7, v8;
	s8 =	sshll.u32 s29, $0x4  }
0x152: {  	v13 =	vshll.u32 v13, v12;
	s8 =	sadd.s32 s8, s9  }
0x153: {  	v21 =	vbroadcast v13, $0x0;
	v19 =	vmov s8  }
0x154: {  	v20 =	vor.u32 s28, v9;
	v13 =	vor.u32 $0x10, v9  }
0x155: {  	v14 =	vor.u32 $0x20, v9;
	v22 =	vor.u32 v13, v21  }
0x156: {  	v15 =	vimm.f32 $-3.000000010e+38;
	s30 =	sor.u32 $0x80, s28;
	v16 =	vor.u32 $0x30, v9;
	v23 =	vor.u32 v14, v21  }
0x157: {  	v17 =	vor.u32 $0x40, v9;
	v25 =	vmov s30;
	v26 =	vor.u32 v16, v21  }
0x158: {  	v18 =	vor.u32 $0x50, v9;
	v25 =	vshrl.u32 v25, $0x7;
	v27 =	vor.u32 v17, v21;
	[tilespmem:v19+s7+$0x0] =	vst.idx.msk $0x1, v15  }
0x159: {  	v25 =	vshll.u32 v25, v12;
	v54 =	vor.u32 v18, v21;
	v19 =	vor.u32 $0x60, v9;
	v53 =	vld.idx.msk [tilespmem:v20+s7+$0x0], $0xffff  }
0x15a: {  	v25 =	vbroadcast v25, $0x0;
	v20 =	vor.u32 $0x70, v9;
	v22 =	vld.idx.msk [tilespmem:v22+s7+$0x0], $0xffff;
	v55 =	vor.u32 v19, v21  }
0x15b: {  	v23 =	vld.idx.msk [tilespmem:v23+s7+$0x0], $0xffff;
	v21 =	vor.u32 v20, v21  }
0x15c: {  	v56 =	vor.u32 v9, v25;
	v26 =	vld.idx.msk [tilespmem:v26+s7+$0x0], $0xffff  }
0x15d: {  	v57 =	vor.u32 v13, v25;
	v27 =	vld.idx.msk [tilespmem:v27+s7+$0x0], $0xffff  }
0x15e: {  	v58 =	vor.u32 v14, v25;
	v29 =	vld.idx.msk [tilespmem:v54+s7+$0x0], $0xffff;
	v28 =	vmax.f32 v53, $-3.000000010e+38  }
0x15f: {  	v59 =	vor.u32 v16, v25;
	v30 =	vld.idx.msk [tilespmem:v55+s7+$0x0], $0xffff;
	v22 =	vmax.f32 v28, v22  }
0x160: {  	v60 =	vor.u32 v17, v25;
	v21 =	vld.idx.msk [tilespmem:v21+s7+$0x0], $0xffff;
	v22 =	vmax.f32 v22, v23  }
0x161: {  	v61 =	vor.u32 v18, v25;
	v23 =	vld.idx.msk [tilespmem:v56+s7+$0x0], $0xffff;
	v22 =	vmax.f32 v22, v26  }
0x162: {  	v62 =	vor.u32 v19, v25;
	v26 =	vld.idx.msk [tilespmem:v57+s7+$0x0], $0xffff;
	v22 =	vmax.f32 v22, v27  }
0x163: {  	v25 =	vor.u32 v20, v25;
	v27 =	vld.idx.msk [tilespmem:v58+s7+$0x0], $0xffff;
	v22 =	vmax.f32 v22, v29  }
0x164: {  	v63 =	vld.idx.msk [tilespmem:v59+s7+$0x0], $0xffff;
	v22 =	vmax.f32 v22, v30  }
0x165: {  	v28 =	vld.idx.msk [tilespmem:v60+s7+$0x0], $0xffff;
	v21 =	vmax.f32 v22, v21  }
0x166: {  	v22 =	vld.idx.msk [tilespmem:v61+s7+$0x0], $0xffff;
	v21 =	vmax.f32 v21, v23  }
0x167: {  	v23 =	vld.idx.msk [tilespmem:v62+s7+$0x0], $0xffff;
	v21 =	vmax.f32 v21, v26  }
0x168: {  	v25 =	vld.idx.msk [tilespmem:v25+s7+$0x0], $0xffff;
	v21 =	vmax.f32 v21, v27  }
0x169: {  	s31 =	simm.s32 $0xFFFFFFF0;
	v21 =	vmax.f32 v21, v63  }
0x16a: {  	v26 =	vmov s7;
	v27 =	vmov s31;
	v21 =	vmax.f32 v21, v28  }
0x16b: {  	vm8 =	veq.s32 v26, v9;
	vm9 =	veq.s32 v27, v9;
	v26 =	vmax.f32 v21, v22  }
0x16c: {  	v22 =	vsel vm8, s8, v8;
	v21 =	vsel vm9, s8, v8;
	v26 =	vmax.f32 v26, v23  }
0x16d: {  	s8 =	simm.s32 $0x1;
	v23 =	vsel vm8, v24, v15;
	v24 =	vsel vm9, v24, v15;
	v25 =	vmax.f32 v26, v25  }
.LBB2_1:
0x16e: {  	v0 =	vsel vm0, v25, v0  }
0x16f: {  	v1 =	vsel vm1, v25, v1;
	v7 =	vsel vm7, v25, v7;
	v2 =	vsel vm2, v25, v2  }
0x170: {  	v3 =	vsel vm3, v25, v3;
	v6 =	vsel vm6, v25, v6;
	v26 =	vmax.f32 v0, v1  }
0x171: {  	v4 =	vsel vm4, v25, v4;
	v5 =	vsel vm5, v25, v5;
	v25 =	vmax.f32 v26, v2  }
0x172: {  	v25 =	vmax.f32 v25, v3  }
0x173: {  	v25 =	vmax.f32 v25, v4  }
0x174: {  	v25 =	vmax.f32 v25, v5  }
0x175: {  	v25 =	vmax.f32 v25, v6  }
0x176: {  	v25 =	vmax.f32 v25, v7  }
0x177: {  	(xrf0) =	vmax.scan.msk.f32 $0xffff, v25;
	_ =	sdelay $0x5  }
0x178: {  	v25, _, _ =	vpop (xrf0)  }
0x179: {  	v25 =	vbroadcast v25, $0xF;
	_ =	sdelay $0x1  }
0x17a: {  	vm0 =	veq.f32 v5, v25;
	vm2 =	veq.f32 v7, v25  }
0x17b: {  	vm1 =	veq.f32 v6, v25;
	v26 =	vsel vm0, $0x1, v8;
	v28 =	vsel vm2, $0x1, v8  }
0x17c: {  	v27 =	vsel vm1, $0x1, v8;
	vm0 =	veq.f32 v2, v25;
	v28 =	vor.u32 $0x80000000, v28  }
0x17d: {  	vm1 =	veq.f32 v3, v25;
	vm2 =	veq.f32 v4, v25;
	v27 =	vor.u32 $0x80000000, v27;
	(xrf0) =	vmax.scan.msk.u32 $0xffff, v28  }
0x17e: {  	v26 =	vor.u32 $0x80000000, v26;
	v47 =	vsel vm0, $0x1, v8;
	v30 =	vsel vm2, $0x1, v8;
	(xrf0) =	vmax.scan.msk.u32 $0xffff, v27  }
0x17f: {  	v29 =	vsel vm1, $0x1, v8;
	vm0 =	veq.f32 v0, v25;
	v49 =	vor.u32 $0x80000000, v30;
	(xrf0) =	vmax.scan.msk.u32 $0xffff, v26  }
0x180: {  	vm1 =	veq.f32 v1, v25;
	v48 =	vor.u32 $0x80000000, v29;
	v27 =	vor.u32 $0x80000000, v47;
	(xrf0) =	vmax.scan.msk.u32 $0xffff, v49  }
0x181: {  	v50 =	vsel vm1, $0x1, v8;
	v26 =	vsel vm0, $0x1, v8;
	(xrf0) =	vmax.scan.msk.u32 $0xffff, v48  }
0x182: {  	v52 =	vor.u32 $0x80000000, v50;
	(xrf0) =	vmax.scan.msk.u32 $0xffff, v27  }
0x183: {  	v51 =	vor.u32 $0x80000000, v26;
	(xrf0) =	vmax.scan.msk.u32 $0xffff, v52;
	v27, _, _ =	vpop (xrf0)  }
0x184: {  	(xrf0) =	vmax.scan.msk.u32 $0xffff, v51;
	v26, _, _ =	vpop (xrf0);
	(v2sf) =	vpush v27, $0xF  }
0x185: {  	v27, _, _ =	vpop (xrf0);
	(v2sf) =	vpush v26, $0xF  }
0x186: {  	v26, _, _ =	vpop (xrf0);
	(v2sf) =	vpush v27, $0xF  }
0x187: {  	v27, _, _ =	vpop (xrf0);
	(v2sf) =	vpush v26, $0xF  }
0x188: {  	v26, _, _ =	vpop (xrf0);
	(v2sf) =	vpush v27, $0xF  }
0x189: {  	v27, _, _ =	vpop (xrf0);
	(v2sf) =	vpush v26, $0xF  }
0x18a: {  	v26, _, _ =	vpop (xrf0);
	(v2sf) =	vpush v27, $0xF  }
0x18b: {  	(v2sf) =	vpush v26, $0xF;
	_ =	sdelay $0x7  }
0x18c: {  	s11 =	spop (v2sf)  }
0x18d: {  	s10 =	rddreg [dreg:$0x8];
	p1 =	sgt.u32 s11, $0x80000000;
	s21 =	spop (v2sf)  }
0x18e: {  	p2 =	sgt.u32 s21, $0x80000000;
	s10 =	simm.s32 @!p1 $0x270F;
	s22 =	spop (v2sf)  }
0x18f: {  	p1 =	sgt.u32 s22, $0x80000000;
	s10 =	simm.s32 @p2 $0x6;
	s23 =	spop (v2sf)  }
0x190: {  	p2 =	sgt.u32 s23, $0x80000000;
	s10 =	simm.s32 @p1 $0x5;
	s24 =	spop (v2sf)  }
0x191: {  	p1 =	sgt.u32 s24, $0x80000000;
	s10 =	simm.s32 @p2 $0x4;
	s25 =	spop (v2sf)  }
0x192: {  	p2 =	sgt.u32 s25, $0x80000000;
	s10 =	simm.s32 @p1 $0x3;
	s26 =	spop (v2sf)  }
0x193: {  	p1 =	sgt.u32 s26, $0x80000000;
	s10 =	simm.s32 @p2 $0x2;
	s28 =	spop (v2sf)  }
0x194: {  	p2 =	sgt.u32 s28, $0x80000000;
	s10 =	simm.s32 @p1 $0x1  }
0x195: {  	s10 =	simm.s32 @p2 $0x0  }
0x196: {  	v26 =	vmov s10  }
0x197: {  	vm0 =	veq.s32 v26, $0x0  }
0x198: {  	vm1 =	veq.s32 v26, $0x1;
	v27 =	vnsel vm0, $0xFF61B1E6, v0  }
0x199: {  	vm2 =	veq.s32 v26, $0x2;
	v27 =	vsel vm1, v1, v27  }
0x19a: {  	vm3 =	veq.s32 v26, $0x3;
	v27 =	vsel vm2, v2, v27  }
0x19b: {  	vm4 =	veq.s32 v26, $0x4;
	v27 =	vsel vm3, v3, v27  }
0x19c: {  	vm5 =	veq.s32 v26, $0x5;
	v27 =	vsel vm4, v4, v27  }
0x19d: {  	vm6 =	veq.s32 v26, $0x6;
	v27 =	vsel vm5, v5, v27  }
0x19e: {  	vm7 =	veq.s32 v26, $0x7;
	v27 =	vsel vm6, v6, v27  }
0x19f: {  	v26 =	vsel vm7, v7, v27  }
0x1a0: {  	vm8 =	veq.f32 v26, v25  }
0x1a1: {  	v26 =	vnsel vm8, $0x8000270F, v10  }
0x1a2: {  	(xrf0) =	vmin.scan.msk.u32 $0xffff, v26;
	_ =	sdelay $0x5  }
0x1a3: {  	v26, _, _ =	vpop (xrf0)  }
0x1a4: {  	(v2sf) =	vpush v26, $0xF;
	_ =	sdelay $0xe  }
0x1a5: {  	s29 =	spop (v2sf)  }
0x1a6: {  	s11 =	sxor.u32 $0x80000000, s29  }
0x1a7: {  	s10 =	sshll.u32 s10, $0x8;
	v26 =	vmov s11  }
0x1a8: {  	v26 =	vadd.s32 s10, v26  }
0x1a9: {  	v26 =	vbroadcast v26, $0x0;
	_ =	sdelay $0x1  }
0x1aa: {  	v26 =	vadd.s32 v11, v26;
	_ =	sdelay $0x4  }
0x1ab: {  	v26 =	vld.idx.msk [tilespmem:v26+s7+$0x0], $0xffff;
	_ =	sdelay $0x4  }
0x1ac: {  	vm8 =	veq.f32 v26, v25  }
0x1ad: {  	v26 =	vnsel vm8, $0x8000270F, v10  }
0x1ae: {  	(xrf0) =	vmin.scan.msk.u32 $0xffff, v26;
	_ =	sdelay $0x5  }
0x1af: {  	v26, _, _ =	vpop (xrf0)  }
0x1b0: {  	(v2sf) =	vpush v26, $0xF;
	_ =	sdelay $0xe  }
0x1b1: {  	s9 =	smov.u32 s8;
	v27 =	vmov s10;
	s13 =	spop (v2sf)  }
0x1b2: {  	s30 =	sadd.s32 $0xFFFFFFF0, s9;
	v27 =	vshrl.u32 v27, $0x7;
	s11 =	sadd.s32 s10, s11;
	s13 =	sshll.u32 s13, $0x4  }
0x1b3: {  	v54 =	vmov s30;
	v27 =	vshll.u32 v27, v12;
	v26 =	vmov s9;
	s31 =	sadd.s32 s13, s11  }
0x1b4: {  	v27 =	vbroadcast v27, $0x0;
	vm8 =	veq.s32 v26, v9;
	v26 =	vmov s31  }
0x1b5: {  	vm9 =	veq.s32 v54, v9;
	v55 =	vor.u32 s10, v9  }
0x1b6: {  	v24 =	vsel vm9, v25, v24;
	v23 =	vsel vm8, v25, v23;
	v25 =	vor.u32 v13, v27  }
0x1b7: {  	s12 =	sor.u32 $0x80, s10;
	v56 =	vor.u32 v14, v27  }
0x1b8: {  	v53 =	vmov s12;
	v31 =	vor.u32 v16, v27  }
0x1b9: {  	v28 =	vshrl.u32 v53, $0x7;
	[tilespmem:v26+s7+$0x0] =	vst.idx.msk $0x1, v15;
	v26 =	vor.u32 v17, v27  }
0x1ba: {  	v28 =	vshll.u32 v28, v12;
	v32 =	vor.u32 v18, v27;
	v29 =	vld.idx.msk [tilespmem:v55+s7+$0x0], $0xffff  }
0x1bb: {  	v28 =	vbroadcast v28, $0x0;
	v33 =	vor.u32 v19, v27;
	v25 =	vld.idx.msk [tilespmem:v25+s7+$0x0], $0xffff  }
0x1bc: {  	v27 =	vor.u32 v20, v27;
	v30 =	vld.idx.msk [tilespmem:v56+s7+$0x0], $0xffff  }
0x1bd: {  	v34 =	vor.u32 v9, v28;
	v31 =	vld.idx.msk [tilespmem:v31+s7+$0x0], $0xffff  }
0x1be: {  	v35 =	vor.u32 v13, v28;
	v26 =	vld.idx.msk [tilespmem:v26+s7+$0x0], $0xffff  }
0x1bf: {  	v36 =	vor.u32 v14, v28;
	v32 =	vld.idx.msk [tilespmem:v32+s7+$0x0], $0xffff;
	v29 =	vmax.f32 v29, $-3.000000010e+38  }
0x1c0: {  	v37 =	vor.u32 v16, v28;
	v33 =	vld.idx.msk [tilespmem:v33+s7+$0x0], $0xffff;
	v25 =	vmax.f32 v29, v25  }
0x1c1: {  	v57 =	vor.u32 v17, v28;
	v27 =	vld.idx.msk [tilespmem:v27+s7+$0x0], $0xffff;
	v25 =	vmax.f32 v25, v30  }
0x1c2: {  	v59 =	vor.u32 v18, v28;
	v58 =	vld.idx.msk [tilespmem:v34+s7+$0x0], $0xffff;
	v25 =	vmax.f32 v25, v31  }
0x1c3: {  	v61 =	vor.u32 v19, v28;
	v60 =	vld.idx.msk [tilespmem:v35+s7+$0x0], $0xffff;
	v25 =	vmax.f32 v25, v26  }
0x1c4: {  	v28 =	vor.u32 v20, v28;
	v26 =	vld.idx.msk [tilespmem:v36+s7+$0x0], $0xffff;
	v25 =	vmax.f32 v25, v32  }
0x1c5: {  	v62 =	vld.idx.msk [tilespmem:v37+s7+$0x0], $0xffff;
	v25 =	vmax.f32 v25, v33  }
0x1c6: {  	v29 =	vld.idx.msk [tilespmem:v57+s7+$0x0], $0xffff;
	v25 =	vmax.f32 v25, v27  }
0x1c7: {  	v27 =	vld.idx.msk [tilespmem:v59+s7+$0x0], $0xffff;
	v25 =	vmax.f32 v25, v58  }
0x1c8: {  	v63 =	vld.idx.msk [tilespmem:v61+s7+$0x0], $0xffff;
	v25 =	vmax.f32 v25, v60  }
0x1c9: {  	p0 =	sne.s32 s8, $0x13;
	v28 =	vld.idx.msk [tilespmem:v28+s7+$0x0], $0xffff;
	v25 =	vmax.f32 v25, v26  }
.Ltmp0:
0x1ca: {  	v25 =	vmax.f32 v25, v62;
	(pc) =	sbr.rel @p0 .LBB2_1-.Ltmp0, $4  }
0x1cb: {  	v25 =	vmax.f32 v25, v29  }
0x1cc: {  	v25 =	vmax.f32 v25, v27  }
0x1cd: {  	v25 =	vmax.f32 v25, v63  }
0x1ce: {  	s8 =	sadd.s32 $0x1, s8;
	v22 =	vsel vm8, s31, v22;
	v21 =	vsel vm9, s31, v21;
	v25 =	vmax.f32 v25, v28  }
0x1cf: {  	v0 =	vshll.u32 v22, $0x2  }
0x1d0: {  	v1 =	vand.u32 $0x7F, v22;
	v0 =	vand.u32 $0xFFFFFE00, v0  }
0x1d1: {  	v0 =	vor.u32 v1, v0;
	_ =	sdelay $0x2  }
0x1d2: {  	[tilespmem:$0x3180] =	vst v23  }
0x1d3: {  	[tilespmem:$0x3190] =	vst v24;
	s7 =	simm.s32 $0x800;
	v1 =	vshll.u32 v21, $0x2  }
0x1d4: {  	v3 =	vand.u32 $0x7F, v21;
	v1 =	vand.u32 $0xFFFFFE00, v1;
	v2 =	vld.idx.msk [tilespmem:v0+s7+$0x0], $0xffff  }
0x1d5: {  	v1 =	vor.u32 v3, v1;
	_ =	sdelay $0x3  }
0x1d6: {  	[tilespmem:$0x3200] =	vst v2  }
0x1d7: {  	v2 =	vld.idx.msk [tilespmem:v1+s7+$0x0], $0xffff  }
0x1d8: {  	v3 =	vor.u32 $0x80, v0;
	_ =	sdelay $0x3  }
0x1d9: {  	[tilespmem:$0x3210] =	vst v2  }
0x1da: {  	v2 =	vld.idx.msk [tilespmem:v3+s7+$0x0], $0xffff  }
0x1db: {  	v3 =	vor.u32 $0x80, v1;
	_ =	sdelay $0x3  }
0x1dc: {  	[tilespmem:$0x3280] =	vst v2  }
0x1dd: {  	v2 =	vld.idx.msk [tilespmem:v3+s7+$0x0], $0xffff  }
0x1de: {  	v0 =	vor.u32 $0x100, v0;
	_ =	sdelay $0x3  }
0x1df: {  	[tilespmem:$0x3290] =	vst v2  }
0x1e0: {  	v0 =	vld.idx.msk [tilespmem:v0+s7+$0x0], $0xffff  }
0x1e1: {  	v1 =	vor.u32 $0x100, v1;
	v2 =	vimm.f32 $1.900000000e+02  }
0x1e2: {  	(erf) = vrcp.f32 v2;
	v2 =	vimm.f32 $1.890000000e+02  }
0x1e3: {  	(erf) = vrcp.f32 v2;
	_ =	sdelay $0x1  }
0x1e4: {  	[tilespmem:$0x3300] =	vst v0  }
0x1e5: {  	v0 =	vld.idx.msk [tilespmem:v1+s7+$0x0], $0xffff;
	_ =	sdelay $0x3  }
0x1e6: {  	s8 =	sshll.u32 s6, $0x5  }
0x1e7: {  	s9 =	simm.s32 $0x3180;
	s26 =	sadd.s32 s8, s5;
	s7 =	simm.s32 $0x1;
	v1 =	vpop (erf);
	[tilespmem:$0x3310] =	vst v0  }
0x1e8: {  	v0 =	vpop (erf);
	[spmem:s26] =	stream.linear.scatter [tilespmem:s9], [sflag:$0x1], $0x20, $0x38;
	[tilespmem:$0x3480] =	vst v63  }
0x1e9: {  	_ =	swait.ge [sflag:s7], $0x20  }
0x1ea: {  	[sflag:s7] =	ssyncset.done $0x0  }
0x1eb: {  	s10 =	simm.s32 $0x3200;
	s28 =	sadd.s32 s8, s4;
	[sflag:s7] =	ssyncadd.s32 $0xFFFFFFE0  }
0x1ec: {  	[spmem:s28] =	stream.linear.scatter [tilespmem:s10], [sflag:$0x1], $0x20, $0x38;
	[tilespmem:$0x3480] =	vst v63  }
0x1ed: {  	_ =	swait.ge [sflag:s7], $0x20  }
0x1ee: {  	[sflag:s7] =	ssyncset.done $0x0  }
0x1ef: {  	s30 =	simm.s32 $0x3280;
	s29 =	sadd.s32 s8, s3;
	[sflag:s7] =	ssyncadd.s32 $0xFFFFFFE0  }
0x1f0: {  	[spmem:s29] =	stream.linear.scatter [tilespmem:s30], [sflag:$0x1], $0x20, $0x38;
	[tilespmem:$0x3480] =	vst v63  }
0x1f1: {  	_ =	swait.ge [sflag:s7], $0x20  }
0x1f2: {  	[sflag:s7] =	ssyncset.done $0x0  }
0x1f3: {  	s31 =	simm.s32 $0x3300;
	s8 =	sadd.s32 s8, s2;
	[sflag:s7] =	ssyncadd.s32 $0xFFFFFFE0  }
0x1f4: {  	[spmem:s8] =	stream.linear.scatter [tilespmem:s31], [sflag:$0x1], $0x20, $0x38;
	[tilespmem:$0x3480] =	vst v63  }
0x1f5: {  	_ =	swait.ge [sflag:s7], $0x20  }
0x1f6: {  	[sflag:s7] =	ssyncset.done $0x0  }
0x1f7: {  	[sflag:s7] =	ssyncadd.s32 $0xFFFFFFE0  }
0x1f8: {  	p0 =	sne.s32 s6, $0x0;
	[bflag:$0x0] =	sbarrier.arrive $0xFFFF  }
0x1f9: {  	_ =	sfence.sel @p0 $0x180000  }
0x1fa: {  	[bflag:$0x0] =	sbarrier.arrive @p0 $0xFFFF  }
0x1fb: {  	_ =	strace @p0 $0x90000047  }
0x1fc: {  	[bflag:$0x2] =	sbarrier.arrive @p0 $0xFFFF  }
0x1fd: {  	_ =	shalt @p0  }
.LBB2_3:
0x1fe: {  	s6 =	simm.s32 $0x2800  }
0x1ff: {  	[tilespmem:s6], [sflag:$0x1] =	stream.linear.gather [spmem:s5], $0x200, $0x38;
	[tilespmem:$0x3480] =	vst v63  }
0x200: {  	_ =	swait.ge [sflag:s7], $0x200  }
0x201: {  	[sflag:s7] =	ssyncset.done $0x0  }
0x202: {  	s5 =	simm.s32 $0x2A00;
	[sflag:s7] =	ssyncadd.s32 $0xFFFFFE00  }
0x203: {  	[tilespmem:s5], [sflag:$0x1] =	stream.linear.gather [spmem:s4], $0x200, $0x38;
	[tilespmem:$0x3480] =	vst v63  }
0x204: {  	_ =	swait.ge [sflag:s7], $0x200  }
0x205: {  	[sflag:s7] =	ssyncset.done $0x0  }
0x206: {  	s4 =	simm.s32 $0x2C00;
	[sflag:s7] =	ssyncadd.s32 $0xFFFFFE00  }
0x207: {  	[tilespmem:s4], [sflag:$0x1] =	stream.linear.gather [spmem:s3], $0x200, $0x38;
	[tilespmem:$0x3480] =	vst v63  }
0x208: {  	_ =	swait.ge [sflag:s7], $0x200  }
0x209: {  	[sflag:s7] =	ssyncset.done $0x0  }
0x20a: {  	s3 =	simm.s32 $0x2E00;
	[sflag:s7] =	ssyncadd.s32 $0xFFFFFE00  }
0x20b: {  	[tilespmem:s3], [sflag:$0x1] =	stream.linear.gather [spmem:s2], $0x200, $0x38;
	[tilespmem:$0x3480] =	vst v63  }
0x20c: {  	_ =	swait.ge [sflag:s7], $0x200  }
0x20d: {  	[sflag:s7] =	ssyncset.done $0x0  }
0x20e: {  	[sflag:s7] =	ssyncadd.s32 $0xFFFFFE00  }
0x20f: {  	v2 =	vld [tilespmem:$0x2810]  }
0x210: {  	v3 =	vld [tilespmem:$0x2800]  }
0x211: {  	v4 =	vld [tilespmem:$0x2820]  }
0x212: {  	v5 =	vld [tilespmem:$0x2830]  }
0x213: {  	v6 =	vld [tilespmem:$0x2840]  }
0x214: {  	v7 =	vld [tilespmem:$0x2850]  }
0x215: {  	v2 =	vmax.f32 v3, v2;
	v3 =	vld [tilespmem:$0x2860]  }
0x216: {  	v2 =	vmax.f32 v2, v4;
	v4 =	vld [tilespmem:$0x2870]  }
0x217: {  	v2 =	vmax.f32 v2, v5;
	v5 =	vld [tilespmem:$0x2880]  }
0x218: {  	v2 =	vmax.f32 v2, v6;
	v6 =	vld [tilespmem:$0x2890]  }
0x219: {  	v2 =	vmax.f32 v2, v7;
	v7 =	vld [tilespmem:$0x28A0]  }
0x21a: {  	v2 =	vmax.f32 v2, v3;
	v3 =	vld [tilespmem:$0x28B0]  }
0x21b: {  	v2 =	vmax.f32 v2, v4;
	v4 =	vld [tilespmem:$0x28C0]  }
0x21c: {  	v2 =	vmax.f32 v2, v5;
	v5 =	vld [tilespmem:$0x28D0]  }
0x21d: {  	v2 =	vmax.f32 v2, v6;
	v6 =	vld [tilespmem:$0x28E0]  }
0x21e: {  	v2 =	vmax.f32 v2, v7;
	v7 =	vld [tilespmem:$0x28F0]  }
0x21f: {  	v2 =	vmax.f32 v2, v3;
	v3 =	vld [tilespmem:$0x2900]  }
0x220: {  	v2 =	vmax.f32 v2, v4;
	v4 =	vld [tilespmem:$0x2910]  }
0x221: {  	v2 =	vmax.f32 v2, v5;
	v5 =	vld [tilespmem:$0x2920]  }
0x222: {  	v2 =	vmax.f32 v2, v6;
	v6 =	vld [tilespmem:$0x2930]  }
0x223: {  	v2 =	vmax.f32 v2, v7;
	v7 =	vld [tilespmem:$0x2940]  }
0x224: {  	v2 =	vmax.f32 v2, v3;
	v3 =	vld [tilespmem:$0x2950]  }
0x225: {  	v2 =	vmax.f32 v2, v4;
	v4 =	vld [tilespmem:$0x2960]  }
0x226: {  	v2 =	vmax.f32 v2, v5;
	v5 =	vld [tilespmem:$0x2970]  }
0x227: {  	v2 =	vmax.f32 v2, v6;
	v6 =	vld [tilespmem:$0x2980]  }
0x228: {  	v2 =	vmax.f32 v2, v7;
	v7 =	vld [tilespmem:$0x2990]  }
0x229: {  	v2 =	vmax.f32 v2, v3;
	v3 =	vld [tilespmem:$0x29A0]  }
0x22a: {  	v2 =	vmax.f32 v2, v4;
	v4 =	vld [tilespmem:$0x29B0]  }
0x22b: {  	v2 =	vmax.f32 v2, v5;
	v5 =	vld [tilespmem:$0x29C0]  }
0x22c: {  	v2 =	vmax.f32 v2, v6;
	v6 =	vld [tilespmem:$0x29D0]  }
0x22d: {  	v2 =	vmax.f32 v2, v7;
	v7 =	vld [tilespmem:$0x29E0]  }
0x22e: {  	v2 =	vmax.f32 v2, v3;
	v3 =	vld [tilespmem:$0x29F0]  }
0x22f: {  	v2 =	vmax.f32 v2, v4  }
0x230: {  	v2 =	vmax.f32 v2, v5  }
0x231: {  	v2 =	vmax.f32 v2, v6  }
0x232: {  	v2 =	vmax.f32 v2, v7  }
0x233: {  	v3 =	vmax.f32 v2, v3  }
0x234: {  	(xrf0) =	vmax.scan.msk.f32 $0xffff, v3;
	_ =	sdelay $0x5  }
0x235: {  	v2, _, _ =	vpop (xrf0)  }
0x236: {  	v5 =	vbroadcast v2, $0xF  }
0x237: {  	v2 =	vlaneseq.u32  }
0x238: {  	v4 =	vor.u32 $0x80000000, v2;
	vm0 =	veq.f32 v3, v5  }
0x239: {  	v3 =	vnsel vm0, $0x8000270F, v4  }
0x23a: {  	(xrf0) =	vmin.scan.msk.u32 $0xffff, v3;
	_ =	sdelay $0x5  }
0x23b: {  	v3, _, _ =	vpop (xrf0)  }
0x23c: {  	(v2sf) =	vpush v3, $0xF;
	_ =	sdelay $0xe  }
0x23d: {  	v10 =	vmul.u32 $0x10, v2;
	s29 =	spop (v2sf)  }
0x23e: {  	s2 =	sxor.u32 $0x80000000, s29  }
0x23f: {  	v11 =	vor.u32 $0x100, v10;
	v3 =	vadd.s32 s2, v10  }
0x240: {  	v6 =	vadd.s32 s2, v11;
	_ =	sdelay $0x3  }
0x241: {  	v3 =	vld.idx.msk [tilespmem:v3+s6+$0x0], $0xffff  }
0x242: {  	v6 =	vld.idx.msk [tilespmem:v6+s6+$0x0], $0xffff;
	_ =	sdelay $0x3  }
0x243: {  	vm14 =	veq.f32 v3, v5  }
0x244: {  	v12 =	vor.u32 $0x80000010, v2;
	vm15 =	veq.f32 v6, v5;
	v3 =	vnsel vm14, $0x8000270F, v4  }
0x245: {  	v5 =	vnsel vm15, $0x8000270F, v12;
	(xrf0) =	vmin.scan.msk.u32 $0xffff, v3  }
0x246: {  	(xrf0) =	vmin.scan.msk.u32 $0xffff, v5;
	_ =	sdelay $0x4  }
0x247: {  	v3, _, _ =	vpop (xrf0)  }
0x248: {  	(v2sf) =	vpush v3, $0xF;
	v3, _, _ =	vpop (xrf0)  }
0x249: {  	(v2sf) =	vpush v3, $0xF;
	_ =	sdelay $0xd  }
0x24a: {  	s30 =	spop (v2sf)  }
0x24b: {  	s8 =	spop (v2sf)  }
0x24c: {  	s7 =	sxor.u32 $0x80000000, s30;
	s8 =	sxor.u32 $0x80000000, s8  }
0x24d: {  	p0 =	slt.s32 s7, s8  }
0x24e: {  	s8 =	smov.u32 @p0 s7  }
0x24f: {  	p0 =	slt.s32 s8, $0x270F  }
0x250: {  	s8 =	simm.s32 @!p0 $0x270F  }
0x251: {  	s31 =	sshll.u32 s8, $0x4  }
0x252: {  	s2 =	sadd.s32 s2, s31  }
0x253: {  	v14 =	vmov s2;
	_ =	sdelay $0x3  }
0x254: {  	v13 =	vimm.f32 $-3.000000010e+38  }
0x255: {  	[tilespmem:v14+s6+$0x0] =	vst.idx.msk $0x1, v13  }
0x256: {  	v15 =	vld [tilespmem:$0x2810]  }
0x257: {  	v9 =	vimm.f32 $0.0e+00;
	v8 =	vimm.f32 $0.0e+00;
	v7 =	vimm.f32 $0.0e+00;
	v16 =	vld [tilespmem:$0x2800]  }
0x258: {  	v6 =	vimm.f32 $0.0e+00;
	v5 =	vimm.f32 $0.0e+00;
	v3 =	vimm.f32 $0.0e+00;
	s7 =	simm.s32 $0x0;
	s8 =	simm.s32 $0x2;
	s2 =	simm.s32 $0x1;
	v17 =	vld [tilespmem:$0x2820]  }
.LBB2_4:
0x259: {  	p0 =	sne.s32 s8, $0x13;
	v18 =	vld [tilespmem:$0x2830]  }
0x25a: {  	v19 =	vld [tilespmem:$0x2840]  }
0x25b: {  	v20 =	vld [tilespmem:$0x2850]  }
0x25c: {  	v15 =	vmax.f32 v16, v15;
	v16 =	vld [tilespmem:$0x2860]  }
0x25d: {  	v15 =	vmax.f32 v15, v17;
	v17 =	vld [tilespmem:$0x2870]  }
0x25e: {  	v15 =	vmax.f32 v15, v18;
	v18 =	vld [tilespmem:$0x2880]  }
0x25f: {  	v15 =	vmax.f32 v15, v19;
	v19 =	vld [tilespmem:$0x2890]  }
0x260: {  	v15 =	vmax.f32 v15, v20;
	v20 =	vld [tilespmem:$0x28A0]  }
0x261: {  	v15 =	vmax.f32 v15, v16;
	v16 =	vld [tilespmem:$0x28B0]  }
0x262: {  	v15 =	vmax.f32 v15, v17;
	v17 =	vld [tilespmem:$0x28C0]  }
0x263: {  	v15 =	vmax.f32 v15, v18;
	v18 =	vld [tilespmem:$0x28D0]  }
0x264: {  	v15 =	vmax.f32 v15, v19;
	v19 =	vld [tilespmem:$0x28E0]  }
0x265: {  	v15 =	vmax.f32 v15, v20;
	v20 =	vld [tilespmem:$0x28F0]  }
0x266: {  	v15 =	vmax.f32 v15, v16;
	v16 =	vld [tilespmem:$0x2900]  }
0x267: {  	v15 =	vmax.f32 v15, v17;
	v17 =	vld [tilespmem:$0x2910]  }
0x268: {  	v15 =	vmax.f32 v15, v18;
	v18 =	vld [tilespmem:$0x2920]  }
0x269: {  	v15 =	vmax.f32 v15, v19;
	v19 =	vld [tilespmem:$0x2930]  }
0x26a: {  	v15 =	vmax.f32 v15, v20;
	v20 =	vld [tilespmem:$0x2940]  }
0x26b: {  	v15 =	vmax.f32 v15, v16;
	v16 =	vld [tilespmem:$0x2950]  }
0x26c: {  	v15 =	vmax.f32 v15, v17;
	v17 =	vld [tilespmem:$0x2960]  }
0x26d: {  	v15 =	vmax.f32 v15, v18;
	v18 =	vld [tilespmem:$0x2970]  }
0x26e: {  	v15 =	vmax.f32 v15, v19;
	v19 =	vld [tilespmem:$0x2980]  }
0x26f: {  	v15 =	vmax.f32 v15, v20;
	v20 =	vld [tilespmem:$0x2990]  }
0x270: {  	v15 =	vmax.f32 v15, v16;
	v16 =	vld [tilespmem:$0x29A0]  }
0x271: {  	v15 =	vmax.f32 v15, v17;
	v17 =	vld [tilespmem:$0x29B0]  }
0x272: {  	v15 =	vmax.f32 v15, v18;
	v18 =	vld [tilespmem:$0x29C0]  }
0x273: {  	v15 =	vmax.f32 v15, v19;
	v19 =	vld [tilespmem:$0x29D0]  }
0x274: {  	v15 =	vmax.f32 v15, v20;
	v20 =	vld [tilespmem:$0x29E0]  }
0x275: {  	v15 =	vmax.f32 v15, v16;
	v16 =	vld [tilespmem:$0x29F0]  }
0x276: {  	v15 =	vmax.f32 v15, v17;
	v17 =	vld.idx.msk [tilespmem:v14+s5+$0x0], $0xffff  }
0x277: {  	v15 =	vmax.f32 v15, v18;
	v18 =	vld.idx.msk [tilespmem:v14+s4+$0x0], $0xffff  }
0x278: {  	v15 =	vmax.f32 v15, v19;
	v14 =	vld.idx.msk [tilespmem:v14+s3+$0x0], $0xffff  }
0x279: {  	s9 =	sadd.s32 $0xFFFFFFF0, s7;
	v15 =	vmax.f32 v15, v20  }
0x27a: {  	v19 =	vmov s9;
	v15 =	vmax.f32 v15, v16;
	v16 =	vmov s7;
	s7 =	smov.u32 s2;
	s2 =	smov.u32 s8  }
0x27b: {  	vm1 =	veq.s32 v19, v2;
	(xrf0) =	vmax.scan.msk.f32 $0xffff, v15;
	vm0 =	veq.s32 v16, v2  }
0x27c: {  	v8 =	vsel vm1, v17, v8;
	v9 =	vsel vm0, v17, v9  }
0x27d: {  	v6 =	vsel vm0, v18, v6;
	v7 =	vsel vm1, v18, v7  }
0x27e: {  	v5 =	vsel vm0, v14, v5;
	v3 =	vsel vm1, v14, v3;
	_ =	sdelay $0x2  }
0x27f: {  	v14, _, _ =	vpop (xrf0)  }
0x280: {  	v14 =	vbroadcast v14, $0xF;
	_ =	sdelay $0x1  }
0x281: {  	vm0 =	veq.f32 v15, v14  }
0x282: {  	v15 =	vnsel vm0, $0x8000270F, v4  }
0x283: {  	(xrf0) =	vmin.scan.msk.u32 $0xffff, v15;
	_ =	sdelay $0x5  }
0x284: {  	v15, _, _ =	vpop (xrf0)  }
0x285: {  	(v2sf) =	vpush v15, $0xF;
	_ =	sdelay $0xe  }
0x286: {  	s9 =	spop (v2sf)  }
0x287: {  	s9 =	sxor.u32 $0x80000000, s9  }
0x288: {  	v15 =	vadd.s32 s9, v10  }
0x289: {  	v16 =	vadd.s32 s9, v11;
	_ =	sdelay $0x3  }
0x28a: {  	v15 =	vld.idx.msk [tilespmem:v15+s6+$0x0], $0xffff  }
0x28b: {  	v16 =	vld.idx.msk [tilespmem:v16+s6+$0x0], $0xffff;
	_ =	sdelay $0x4  }
0x28c: {  	vm0 =	veq.f32 v15, v14  }
0x28d: {  	v15 =	vnsel vm0, $0x8000270F, v4;
	vm0 =	veq.f32 v16, v14  }
0x28e: {  	v14 =	vnsel vm0, $0x8000270F, v12;
	(xrf0) =	vmin.scan.msk.u32 $0xffff, v15  }
0x28f: {  	(xrf0) =	vmin.scan.msk.u32 $0xffff, v14;
	_ =	sdelay $0x4  }
0x290: {  	v14, _, _ =	vpop (xrf0)  }
0x291: {  	(v2sf) =	vpush v14, $0xF;
	v14, _, _ =	vpop (xrf0)  }
0x292: {  	(v2sf) =	vpush v14, $0xF;
	_ =	sdelay $0xd  }
0x293: {  	s10 =	spop (v2sf)  }
0x294: {  	s11 =	spop (v2sf)  }
0x295: {  	s10 =	sxor.u32 $0x80000000, s10;
	s11 =	sxor.u32 $0x80000000, s11  }
0x296: {  	p1 =	slt.s32 s10, s11  }
0x297: {  	s11 =	smov.u32 @p1 s10  }
0x298: {  	p1 =	slt.s32 s11, $0x270F  }
0x299: {  	s11 =	simm.s32 @!p1 $0x270F  }
0x29a: {  	s10 =	sshll.u32 s11, $0x4  }
0x29b: {  	s9 =	sadd.s32 s9, s10  }
0x29c: {  	v14 =	vmov s9;
	_ =	sdelay $0x3  }
.Ltmp1:
0x29d: {  	(pc) =	sbr.rel @p0 .LBB2_4-.Ltmp1, $4  }
0x29e: {  	[tilespmem:v14+s6+$0x0] =	vst.idx.msk $0x1, v13  }
0x29f: {  	v15 =	vld [tilespmem:$0x2810]  }
0x2a0: {  	v16 =	vld [tilespmem:$0x2800]  }
0x2a1: {  	s8 =	sadd.s32 $0x1, s8;
	v17 =	vld [tilespmem:$0x2820]  }
0x2a2: {  	v18 =	vld [tilespmem:$0x2830]  }
0x2a3: {  	v19 =	vld [tilespmem:$0x2840]  }
0x2a4: {  	v20 =	vld [tilespmem:$0x2850]  }
0x2a5: {  	v15 =	vmax.f32 v16, v15;
	v16 =	vld [tilespmem:$0x2860]  }
0x2a6: {  	v15 =	vmax.f32 v15, v17;
	v17 =	vld [tilespmem:$0x2870]  }
0x2a7: {  	v15 =	vmax.f32 v15, v18;
	v18 =	vld [tilespmem:$0x2880]  }
0x2a8: {  	v15 =	vmax.f32 v15, v19;
	v19 =	vld [tilespmem:$0x2890]  }
0x2a9: {  	v15 =	vmax.f32 v15, v20;
	v20 =	vld [tilespmem:$0x28A0]  }
0x2aa: {  	v15 =	vmax.f32 v15, v16;
	v16 =	vld [tilespmem:$0x28B0]  }
0x2ab: {  	v15 =	vmax.f32 v15, v17;
	v17 =	vld [tilespmem:$0x28C0]  }
0x2ac: {  	v15 =	vmax.f32 v15, v18;
	v18 =	vld [tilespmem:$0x28D0]  }
0x2ad: {  	v15 =	vmax.f32 v15, v19;
	v19 =	vld [tilespmem:$0x28E0]  }
0x2ae: {  	v15 =	vmax.f32 v15, v20;
	v20 =	vld [tilespmem:$0x28F0]  }
0x2af: {  	v15 =	vmax.f32 v15, v16;
	v16 =	vld [tilespmem:$0x2900]  }
0x2b0: {  	v15 =	vmax.f32 v15, v17;
	v17 =	vld [tilespmem:$0x2910]  }
0x2b1: {  	v15 =	vmax.f32 v15, v18;
	v18 =	vld [tilespmem:$0x2920]  }
0x2b2: {  	v15 =	vmax.f32 v15, v19;
	v19 =	vld [tilespmem:$0x2930]  }
0x2b3: {  	v15 =	vmax.f32 v15, v20;
	v20 =	vld [tilespmem:$0x2940]  }
0x2b4: {  	v15 =	vmax.f32 v15, v16;
	v16 =	vld [tilespmem:$0x2950]  }
0x2b5: {  	v15 =	vmax.f32 v15, v17;
	v17 =	vld [tilespmem:$0x2960]  }
0x2b6: {  	v15 =	vmax.f32 v15, v18;
	v18 =	vld [tilespmem:$0x2970]  }
0x2b7: {  	v15 =	vmax.f32 v15, v19;
	v19 =	vld [tilespmem:$0x2980]  }
0x2b8: {  	v15 =	vmax.f32 v15, v20;
	v20 =	vld [tilespmem:$0x2990]  }
0x2b9: {  	v15 =	vmax.f32 v15, v16;
	v16 =	vld [tilespmem:$0x29A0]  }
0x2ba: {  	v15 =	vmax.f32 v15, v17;
	v17 =	vld [tilespmem:$0x29B0]  }
0x2bb: {  	v15 =	vmax.f32 v15, v18;
	v18 =	vld [tilespmem:$0x29C0]  }
0x2bc: {  	v15 =	vmax.f32 v15, v19;
	v19 =	vld [tilespmem:$0x29D0]  }
0x2bd: {  	v15 =	vmax.f32 v15, v20;
	v20 =	vld [tilespmem:$0x29E0]  }
0x2be: {  	v15 =	vmax.f32 v15, v16;
	v16 =	vld [tilespmem:$0x29F0]  }
0x2bf: {  	v15 =	vmax.f32 v15, v17  }
0x2c0: {  	v15 =	vmax.f32 v15, v18  }
0x2c1: {  	v15 =	vmax.f32 v15, v19  }
0x2c2: {  	v15 =	vmax.f32 v15, v20  }
0x2c3: {  	v15 =	vmax.f32 v15, v16  }
0x2c4: {  	(xrf0) =	vmax.scan.msk.f32 $0xffff, v15;
	_ =	sdelay $0x5  }
0x2c5: {  	v16, _, _ =	vpop (xrf0)  }
0x2c6: {  	v16 =	vbroadcast v16, $0xF;
	_ =	sdelay $0x1  }
0x2c7: {  	vm0 =	veq.f32 v15, v16  }
0x2c8: {  	v15 =	vnsel vm0, $0x8000270F, v4  }
0x2c9: {  	(xrf0) =	vmin.scan.msk.u32 $0xffff, v15;
	_ =	sdelay $0x5  }
0x2ca: {  	v15, _, _ =	vpop (xrf0)  }
0x2cb: {  	(v2sf) =	vpush v15, $0xF;
	_ =	sdelay $0xe  }
0x2cc: {  	s8 =	spop (v2sf)  }
0x2cd: {  	s8 =	sxor.u32 $0x80000000, s8  }
0x2ce: {  	v10 =	vadd.s32 s8, v10  }
0x2cf: {  	v11 =	vadd.s32 s8, v11;
	_ =	sdelay $0x3  }
0x2d0: {  	v10 =	vld.idx.msk [tilespmem:v10+s6+$0x0], $0xffff  }
0x2d1: {  	v11 =	vld.idx.msk [tilespmem:v11+s6+$0x0], $0xffff;
	_ =	sdelay $0x3  }
0x2d2: {  	vm0 =	veq.f32 v10, v16  }
0x2d3: {  	v4 =	vnsel vm0, $0x8000270F, v4;
	vm0 =	veq.f32 v11, v16  }
0x2d4: {  	v10 =	vnsel vm0, $0x8000270F, v12;
	(xrf0) =	vmin.scan.msk.u32 $0xffff, v4  }
0x2d5: {  	(xrf0) =	vmin.scan.msk.u32 $0xffff, v10;
	_ =	sdelay $0x4  }
0x2d6: {  	v4, _, _ =	vpop (xrf0)  }
0x2d7: {  	(v2sf) =	vpush v4, $0xF;
	v4, _, _ =	vpop (xrf0)  }
0x2d8: {  	(v2sf) =	vpush v4, $0xF;
	_ =	sdelay $0xd  }
0x2d9: {  	s9 =	spop (v2sf)  }
0x2da: {  	s10 =	spop (v2sf)  }
0x2db: {  	s9 =	sxor.u32 $0x80000000, s9;
	s10 =	sxor.u32 $0x80000000, s10  }
0x2dc: {  	p0 =	slt.s32 s9, s10  }
0x2dd: {  	s10 =	smov.u32 @p0 s9  }
0x2de: {  	p0 =	slt.s32 s10, $0x270F  }
0x2df: {  	s10 =	simm.s32 @!p0 $0x270F  }
0x2e0: {  	s23 =	sshll.u32 s10, $0x4  }
0x2e1: {  	s8 =	sadd.s32 s8, s23  }
0x2e2: {  	v4 =	vmov s8;
	_ =	sdelay $0x2  }
0x2e3: {  	v12 =	vld.idx.msk [tilespmem:v14+s4+$0x0], $0xffff  }
0x2e4: {  	v10 =	vld.idx.msk [tilespmem:v14+s5+$0x0], $0xffff  }
0x2e5: {  	v14 =	vld.idx.msk [tilespmem:v14+s3+$0x0], $0xffff;
	[tilespmem:v4+s6+$0x0] =	vst.idx.msk $0x1, v13  }
0x2e6: {  	v11 =	vld.idx.msk [tilespmem:v4+s5+$0x0], $0xffff  }
0x2e7: {  	s24 =	sadd.s32 $0xFFFFFFF0, s7  }
0x2e8: {  	v15 =	vmov s24;
	v13 =	vmov s7;
	v16 =	vld.idx.msk [tilespmem:v4+s4+$0x0], $0xffff  }
0x2e9: {  	s25 =	sadd.s32 $0xFFFFFFF0, s2;
	vm1 =	veq.s32 v15, v2;
	vm0 =	veq.s32 v13, v2;
	v13 =	vmov s2  }
0x2ea: {  	v15 =	vmov s25;
	v4 =	vld.idx.msk [tilespmem:v4+s3+$0x0], $0xffff;
	v9 =	vsel vm0, v10, v9;
	vm2 =	veq.s32 v13, v2  }
0x2eb: {  	vm3 =	veq.s32 v15, v2;
	v8 =	vsel vm1, v10, v8;
	v9 =	vsel vm2, v11, v9  }
0x2ec: {  	s26 =	simm.s32 $0x0;
	v2 =	vsel vm0, v12, v6;
	v11 =	vsel vm3, v11, v8;
	[tilespmem:$0x3000] =	vst v9  }
0x2ed: {  	v17 =	vmov s26;
	v6 =	vsel vm1, v12, v7;
	v12 =	vsel vm2, v16, v2;
	[tilespmem:$0x3010] =	vst v11  }
0x2ee: {  	v3 =	vsel vm1, v14, v3;
	v15 =	vsel vm3, v16, v6;
	[tilespmem:$0x3080] =	vst v12  }
0x2ef: {  	v2 =	vsel vm0, v14, v5;
	v16 =	vsel vm3, v4, v3;
	[tilespmem:$0x3090] =	vst v15  }
0x2f0: {  	v13 =	vsel vm2, v4, v2;
	[tilespmem:$0x3110] =	vst v16  }
0x2f1: {  	s2 =	simm.s32 $0x3000;
	[tilespmem:$0x3100] =	vst v13  }
0x2f2: {  	s3 =	simm.s32 $0x3080;
	v2 =	vld.idx.msk [tilespmem:v17+s2+$0x0], $0xffff  }
0x2f3: {  	v3 =	vld.idx.msk [tilespmem:v17+s3+$0x0], $0xffff  }
0x2f4: {  	s4 =	simm.s32 $0x3100  }
0x2f5: {  	v5 =	vld.idx.msk [tilespmem:v17+s4+$0x0], $0xffff;
	_ =	sdelay $0x2  }
0x2f6: {  	v4 =	vsub.f32 v11, v2;
	v6 =	vsub.f32 v15, v3;
	_ =	sdelay $0x1  }
0x2f7: {  	v7 =	vsub.f32 v16, v5;
	v4 =	vmul.f32 v4, v4;
	v6 =	vmul.f32 v6, v6;
	_ =	sdelay $0x1  }
0x2f8: {  	v4 =	vadd.f32 v6, v4;
	v6 =	vmul.f32 v7, v7;
	_ =	sdelay $0x1  }
0x2f9: {  	v18 =	vadd.f32 v6, v4;
	_ =	sdelay $0x1  }
0x2fa: {  	v2 =	vsub.f32 v9, v2;
	v22 =	vmax.f32 v18, $1.000000000e-30  }
0x2fb: {  	s28 =	simm.s32 $0x1;
	v3 =	vsub.f32 v12, v3;
	v6 =	vshra.s32 v22, $0x1  }
0x2fc: {  	v2 =	vmul.f32 v2, v2;
	v4 =	vmov s28;
	v6 =	vadd.s32 $0x1FBD1DF5, v6  }
0x2fd: {  	v5 =	vsub.f32 v13, v5;
	v3 =	vmul.f32 v3, v3;
	(erf) = vrcp.f32 v6;
	_ =	sdelay $0x1  }
0x2fe: {  	v2 =	vadd.f32 v3, v2;
	v3 =	vmul.f32 v5, v5;
	_ =	sdelay $0x1  }
0x2ff: {  	v19 =	vadd.f32 v3, v2;
	v5 =	vld.idx.msk [tilespmem:v4+s2+$0x0], $0xffff  }
0x300: {  	v7 =	vld.idx.msk [tilespmem:v4+s3+$0x0], $0xffff  }
0x301: {  	v25 =	vmax.f32 v19, $1.000000000e-30;
	v3 =	vld.idx.msk [tilespmem:v4+s4+$0x0], $0xffff  }
0x302: {  	v2 =	vshra.s32 v25, $0x1  }
0x303: {  	v20 =	vadd.s32 $0x1FBD1DF5, v2  }
0x304: {  	(erf) = vrcp.f32 v20;
	v8 =	vpop (erf)  }
0x305: {  	v10 =	vsub.f32 v11, v5;
	v14 =	vsub.f32 v15, v7;
	v8 =	vmul.f32 v8, v22  }
0x306: {  	v2 =	vsub.f32 v16, v3  }
0x307: {  	v10 =	vmul.f32 v10, v10;
	v14 =	vmul.f32 v14, v14;
	v6 =	vadd.f32 v6, v8;
	_ =	sdelay $0x1  }
0x308: {  	v2 =	vmul.f32 v2, v2;
	v8 =	vadd.f32 v14, v10;
	v6 =	vmul.f32 $5.000000000e-01, v6;
	_ =	sdelay $0x1  }
0x309: {  	v7 =	vsub.f32 v12, v7;
	v2 =	vadd.f32 v2, v8;
	(erf) = vrcp.f32 v6  }
0x30a: {  	v5 =	vsub.f32 v9, v5  }
0x30b: {  	s29 =	simm.s32 $0x2;
	v3 =	vsub.f32 v13, v3;
	v7 =	vmul.f32 v7, v7;
	v10 =	vmax.f32 v2, $1.000000000e-30  }
0x30c: {  	v23 =	vpop (erf);
	v8 =	vmul.f32 v5, v5;
	v5 =	vmov s29;
	v14 =	vshra.s32 v10, $0x1  }
0x30d: {  	v23 =	vmul.f32 v23, v25;
	v21 =	vadd.s32 $0x1FBD1DF5, v14  }
0x30e: {  	v3 =	vmul.f32 v3, v3;
	v14 =	vadd.f32 v7, v8;
	(erf) = vrcp.f32 v21  }
0x30f: {  	v20 =	vadd.f32 v20, v23  }
0x310: {  	v24 =	vadd.f32 v3, v14  }
0x311: {  	v30 =	vmul.f32 $5.000000000e-01, v20;
	v7 =	vlaneseq.u32;
	v26 =	vld.idx.msk [tilespmem:v5+s2+$0x0], $0xffff  }
0x312: {  	v8 =	vimm.f32 $0.0e+00;
	vm1 =	vlt.u32 v17, v7;
	v23 =	vld.idx.msk [tilespmem:v5+s3+$0x0], $0xffff;
	v14 =	vmax.f32 v24, $1.000000000e-30;
	v27 =	vpop (erf)  }
0x313: {  	vm2 =	vlt.u32 v4, v7;
	v29 =	vld.idx.msk [tilespmem:v5+s4+$0x0], $0xffff;
	v28 =	vshra.s32 v14, $0x1;
	v27 =	vmul.f32 v27, v22  }
0x314: {  	vm1 =	vmmov vm1;
	vm2 =	vmmov vm2;
	v20 =	vadd.s32 $0x1FBD1DF5, v28  }
0x315: {  	v19 =	vnsel vm1, $0x0, v19;
	(erf) = vrcp.f32 v20;
	v6 =	vadd.f32 v27, v6  }
0x316: {  	vm0 =	vmmov $0xf;
	v19 =	vadd.f32 v19, v8;
	v24 =	vnsel vm2, $0x0, v24  }
0x317: {  	v31 =	vsub.f32 v15, v23;
	v27 =	vpop (erf);
	v28 =	vmul.f32 $5.000000000e-01, v6;
	v6 =	vsub.f32 v11, v26  }
0x318: {  	v32 =	vsub.f32 v16, v29;
	(erf) = vrcp.f32 v30;
	v27 =	vmul.f32 v27, v10  }
0x319: {  	v23 =	vsub.f32 v12, v23;
	v31 =	vmul.f32 v31, v31;
	v6 =	vmul.f32 v6, v6  }
0x31a: {  	v26 =	vsub.f32 v9, v26;
	(erf) = vrcp.f32 v28;
	v21 =	vadd.f32 v21, v27  }
0x31b: {  	v23 =	vmul.f32 v23, v23;
	v27 =	vmul.f32 v32, v32;
	v6 =	vadd.f32 v31, v6  }
0x31c: {  	v26 =	vmul.f32 v26, v26;
	v31 =	vmul.f32 $5.000000000e-01, v21;
	v21 =	vsub.f32 v13, v29  }
0x31d: {  	vm3 =	vlt.u32 v5, v7;
	v24 =	vadd.f32 v24, v19;
	v6 =	vadd.f32 v27, v6  }
0x31e: {  	v19 =	vpop (erf);
	v23 =	vadd.f32 v23, v26;
	(erf) = vrcp.f32 v31;
	v26 =	vmul.f32 v21, v21  }
0x31f: {  	v3 =	vor.u32 $0x10, v7;
	v19 =	vmul.f32 v19, v14;
	v21 =	vmax.f32 v6, $1.000000000e-30  }
0x320: {  	s30 =	simm.s32 $0x3;
	vm6 =	vmmov vm3;
	v26 =	vadd.f32 v26, v23;
	v23 =	vshra.s32 v21, $0x1  }
0x321: {  	vm1 =	vmmov vm1;
	v29 =	vadd.f32 v20, v19;
	v19 =	vmov s30  }
0x322: {  	vm3 =	vlt.u32 v17, v3;
	vm1 =	vmmov vm1;
	v27 =	vpop (erf);
	v57 =	vadd.s32 $0x1FBD1DF5, v23  }
0x323: {  	vm2 =	vmmov vm2;
	vm3 =	vmand vm3, vm0;
	v23 =	vpop (erf);
	(erf) = vrcp.f32 v57  }
0x324: {  	v18 =	vnsel vm3, $0x0, v18;
	vm4 =	vmmov vm1;
	v27 =	vmul.f32 v27, v25  }
0x325: {  	vm5 =	vlt.u32 v19, v7;
	v20 =	vmax.f32 v26, $1.000000000e-30;
	v22 =	vmul.f32 v23, v22  }
0x326: {  	v17 =	vnsel vm6, $0x0, v26;
	v26 =	vld.idx.msk [tilespmem:v19+s3+$0x0], $0xffff;
	v23 =	vadd.f32 v27, v30;
	v27 =	vshra.s32 v20, $0x1  }
0x327: {  	v29 =	vmul.f32 $5.000000000e-01, v29;
	v30 =	vld.idx.msk [tilespmem:v19+s2+$0x0], $0xffff;
	v27 =	vadd.s32 $0x1FBD1DF5, v27;
	v22 =	vadd.f32 v22, v28;
	v28 =	vpop (erf)  }
0x328: {  	v17 =	vadd.f32 v17, v24;
	v24 =	vld.idx.msk [tilespmem:v19+s4+$0x0], $0xffff;
	(erf) = vrcp.f32 v27;
	v28 =	vmul.f32 v28, v10  }
0x329: {  	v18 =	vadd.f32 v18, v8;
	vm1 =	vmmov vm5;
	v23 =	vmul.f32 $5.000000000e-01, v23  }
0x32a: {  	(erf) = vrcp.f32 v29;
	v22 =	vmul.f32 $5.000000000e-01, v22;
	v28 =	vadd.f32 v28, v31  }
0x32b: {  	(erf) = vrcp.f32 v23;
	v34 =	vsub.f32 v15, v26;
	v26 =	vsub.f32 v12, v26  }
0x32c: {  	v31 =	vsub.f32 v9, v30;
	v30 =	vsub.f32 v11, v30;
	v33 =	vpop (erf);
	v28 =	vmul.f32 $5.000000000e-01, v28  }
0x32d: {  	v35 =	vsub.f32 v16, v24;
	v34 =	vmul.f32 v34, v34;
	v33 =	vmul.f32 v33, v21  }
0x32e: {  	v24 =	vsub.f32 v13, v24;
	v30 =	vmul.f32 v30, v30;
	(erf) = vrcp.f32 v28  }
0x32f: {  	v22 =	vnsel vm3, $0x0, v22;
	vm3 =	vmmov vm2;
	v32 =	vadd.f32 v57, v33  }
0x330: {  	v26 =	vmul.f32 v26, v26;
	v58 =	vmul.f32 v31, v31;
	v30 =	vadd.f32 v34, v30  }
0x331: {  	vm2 =	vmmov vm6;
	v59 =	vmul.f32 v35, v35;
	v36 =	vpop (erf);
	v31 =	vmul.f32 $5.000000000e-01, v32  }
0x332: {  	v61 =	vmul.f32 v24, v24;
	v26 =	vadd.f32 v26, v58;
	v62 =	vmul.f32 v36, v20  }
0x333: {  	v22 =	vadd.f32 v22, v8;
	v60 =	vpop (erf);
	v24 =	vadd.f32 v59, v30;
	(erf) = vrcp.f32 v31  }
0x334: {  	s31 =	simm.s32 $0x4;
	v26 =	vadd.f32 v61, v26;
	v63 =	vmul.f32 v60, v14;
	v30 =	vpop (erf);
	v37 =	vadd.f32 v27, v62  }
0x335: {  	v27 =	vmov s31;
	v32 =	vmul.f32 v30, v25;
	v30 =	vmax.f32 v24, $1.000000000e-30  }
0x336: {  	v35 =	vadd.f32 v63, v29;
	v25 =	vmax.f32 v26, $1.000000000e-30;
	v29 =	vshra.s32 v30, $0x1  }
0x337: {  	s5 =	simm.s32 $0x5;
	v36 =	vshra.s32 v25, $0x1;
	v33 =	vadd.s32 $0x1FBD1DF5, v29;
	v29 =	vmul.f32 $5.000000000e-01, v37;
	v34 =	vpop (erf)  }
.LBB2_6:
0x338: {  	p0 =	sne.s32 s5, $0x12;
	v36 =	vadd.s32 $0x1FBD1DF5, v36;
	(erf) = vrcp.f32 v33;
	v34 =	vmul.f32 v34, v10;
	v10 =	vmovc v21;
	v21 =	vmovc v30  }
0x339: {  	v30 =	vadd.f32 v32, v23;
	v23 =	vmul.f32 $5.000000000e-01, v35;
	(erf) = vrcp.f32 v36  }
0x33a: {  	vm5 =	vlt.u32 v27, v7;
	(erf) = vrcp.f32 v29;
	v28 =	vadd.f32 v34, v28  }
0x33b: {  	v35 =	vnsel vm1, $0x0, v26;
	v30 =	vmul.f32 $5.000000000e-01, v30;
	v32 =	vld.idx.msk [tilespmem:v27+s2+$0x0], $0xffff;
	(erf) = vrcp.f32 v23  }
0x33c: {  	vm6 =	vlt.u32 v4, v3;
	v17 =	vadd.f32 v35, v17;
	v34 =	vld.idx.msk [tilespmem:v27+s3+$0x0], $0xffff;
	v26 =	vpop (erf);
	v28 =	vmul.f32 $5.000000000e-01, v28  }
0x33d: {  	v4 =	vmovc v5;
	v5 =	vmovc v19;
	vm6 =	vmand vm6, vm0;
	v30 =	vnsel vm4, $0x0, v30;
	v35 =	vld.idx.msk [tilespmem:v27+s4+$0x0], $0xffff;
	v26 =	vmul.f32 v26, v10  }
0x33e: {  	v8 =	vadd.f32 v30, v8;
	v37 =	vnsel vm6, $0x0, v28;
	v28 =	vnsel vm6, $0x0, v2;
	v2 =	vmovc v6;
	v6 =	vmovc v24  }
0x33f: {  	v19 =	vmovc v27;
	vm4 =	vmmov vm3;
	v24 =	vadd.f32 v26, v31;
	v22 =	vadd.f32 v37, v22  }
0x340: {  	vm3 =	vmmov vm2;
	vm2 =	vmmov vm1;
	v18 =	vadd.f32 v28, v18  }
0x341: {  	vm1 =	vmmov vm5;
	v26 =	vsub.f32 v9, v32;
	v27 =	vpop (erf);
	v28 =	vmul.f32 $5.000000000e-01, v24  }
0x342: {  	v24 =	vsub.f32 v11, v32;
	v30 =	vsub.f32 v15, v34;
	v27 =	vmul.f32 v27, v21;
	v32 =	vpop (erf)  }
0x343: {  	v31 =	vsub.f32 v12, v34;
	v34 =	vsub.f32 v16, v35;
	v37 =	vpop (erf);
	(erf) = vrcp.f32 v28  }
0x344: {  	v24 =	vmul.f32 v24, v24;
	v30 =	vmul.f32 v30, v30;
	v27 =	vadd.f32 v33, v27;
	v33 =	vpop (erf)  }
0x345: {  	v35 =	vsub.f32 v13, v35;
	v26 =	vmul.f32 v26, v26;
	v38 =	vmul.f32 v31, v31  }
0x346: {  	v24 =	vadd.f32 v30, v24;
	v30 =	vmul.f32 v34, v34;
	v31 =	vmul.f32 $5.000000000e-01, v27  }
0x347: {  	v32 =	vmul.f32 v32, v25;
	v26 =	vadd.f32 v38, v26;
	v27 =	vmul.f32 v35, v35  }
.Ltmp2:
0x348: {  	v34 =	vmul.f32 v37, v20;
	v24 =	vadd.f32 v30, v24;
	(erf) = vrcp.f32 v31;
	(pc) =	sbr.rel @p0 .LBB2_6-.Ltmp2, $4  }
0x349: {  	v37 =	vadd.f32 v36, v32;
	v32 =	vmul.f32 v33, v14;
	v14 =	vmovc v20;
	v26 =	vadd.f32 v27, v26  }
0x34a: {  	v20 =	vmov v25;
	v35 =	vadd.f32 v34, v29;
	v30 =	vmax.f32 v24, $1.000000000e-30  }
0x34b: {  	v27 =	vmov s5;
	v25 =	vmax.f32 v26, $1.000000000e-30;
	v29 =	vshra.s32 v30, $0x1  }
0x34c: {  	s5 =	sadd.s32 $0x1, s5;
	v36 =	vshra.s32 v25, $0x1;
	v33 =	vadd.s32 $0x1FBD1DF5, v29;
	v29 =	vmul.f32 $5.000000000e-01, v37;
	v34 =	vpop (erf)  }
0x34d: {  	_ =	sdelay $0x3  }
0x34e: {  	(erf) = vrcp.f32 v33;
	v37 =	vld.idx.msk [tilespmem:v27+s2+$0x0], $0xffff  }
0x34f: {  	v38 =	vld.idx.msk [tilespmem:v27+s3+$0x0], $0xffff;
	_ =	sdelay $0x1  }
0x350: {  	v39 =	vld.idx.msk [tilespmem:v27+s4+$0x0], $0xffff;
	_ =	sdelay $0x1  }
0x351: {  	v36 =	vadd.s32 $0x1FBD1DF5, v36  }
0x352: {  	(erf) = vrcp.f32 v36;
	v40 =	vpop (erf);
	v11 =	vsub.f32 v11, v37;
	v15 =	vsub.f32 v15, v38  }
0x353: {  	v40 =	vmul.f32 v40, v21;
	v9 =	vsub.f32 v9, v37;
	v12 =	vsub.f32 v12, v38  }
0x354: {  	v16 =	vsub.f32 v16, v39;
	v11 =	vmul.f32 v11, v11;
	v15 =	vmul.f32 v15, v15  }
0x355: {  	v13 =	vsub.f32 v13, v39;
	v9 =	vmul.f32 v9, v9;
	v12 =	vmul.f32 v12, v12;
	v59 =	vpop (erf)  }
0x356: {  	v60 =	vmul.f32 v16, v16;
	v11 =	vadd.f32 v15, v11;
	v37 =	vmul.f32 v59, v30  }
0x357: {  	v61 =	vadd.f32 v40, v31;
	v13 =	vmul.f32 v13, v13;
	v12 =	vadd.f32 v12, v9  }
0x358: {  	v31 =	vmul.f32 $5.000000000e-01, v35;
	v9 =	vadd.f32 v60, v11;
	v62 =	vadd.f32 v33, v37  }
0x359: {  	(erf) = vrcp.f32 v29;
	v15 =	vmul.f32 $5.000000000e-01, v61;
	v11 =	vadd.f32 v13, v12  }
0x35a: {  	(erf) = vrcp.f32 v31;
	v13 =	vmax.f32 v9, $1.000000000e-30;
	v63 =	vmul.f32 $5.000000000e-01, v62  }
0x35b: {  	(erf) = vrcp.f32 v15;
	v16 =	vmax.f32 v11, $1.000000000e-30;
	v44 =	vshra.s32 v13, $0x1  }
0x35c: {  	v45 =	vshra.s32 v16, $0x1;
	v33 =	vadd.s32 $0x1FBD1DF5, v44;
	(erf) = vrcp.f32 v63  }
0x35d: {  	v35 =	vadd.s32 $0x1FBD1DF5, v45;
	(erf) = vrcp.f32 v33  }
0x35e: {  	(erf) = vrcp.f32 v35;
	_ =	sdelay $0x2  }
0x35f: {  	v46 =	vpop (erf)  }
0x360: {  	v47 =	vpop (erf)  }
0x361: {  	v48 =	vpop (erf)  }
0x362: {  	v37 =	vmul.f32 v46, v25;
	v49 =	vpop (erf)  }
0x363: {  	v38 =	vmul.f32 v47, v20;
	v41 =	vpop (erf)  }
0x364: {  	v36 =	vadd.f32 v36, v37;
	v50 =	vmul.f32 v41, v30;
	v51 =	vpop (erf)  }
0x365: {  	v52 =	vadd.f32 v38, v29;
	v53 =	vmul.f32 v51, v13;
	v54 =	vpop (erf)  }
0x366: {  	v36 =	vmul.f32 $5.000000000e-01, v36;
	v12 =	vadd.f32 v50, v63;
	v55 =	vmul.f32 v54, v16  }
0x367: {  	v29 =	vmul.f32 $5.000000000e-01, v52;
	v33 =	vadd.f32 v33, v53  }
0x368: {  	(erf) = vrcp.f32 v36;
	v12 =	vmul.f32 $5.000000000e-01, v12;
	v35 =	vadd.f32 v35, v55  }
0x369: {  	(erf) = vrcp.f32 v29;
	v33 =	vmul.f32 $5.000000000e-01, v33  }
0x36a: {  	(erf) = vrcp.f32 v12;
	v35 =	vmul.f32 $5.000000000e-01, v35  }
0x36b: {  	(erf) = vrcp.f32 v33  }
0x36c: {  	(erf) = vrcp.f32 v35;
	_ =	sdelay $0x4  }
0x36d: {  	v56 =	vpop (erf)  }
0x36e: {  	v57 =	vpop (erf);
	v37 =	vmul.f32 v56, v25  }
0x36f: {  	v58 =	vpop (erf)  }
0x370: {  	v36 =	vadd.f32 v37, v36;
	v42 =	vpop (erf)  }
0x371: {  	v10 =	vmul.f32 v34, v10;
	v59 =	vmul.f32 v42, v13;
	v60 =	vpop (erf)  }
0x372: {  	v63 =	vmul.f32 $5.000000000e-01, v36;
	v34 =	vmul.f32 v60, v16  }
0x373: {  	v23 =	vadd.f32 v32, v23;
	vm5 =	vlt.u32 v4, v3;
	v61 =	vadd.f32 v59, v33  }
0x374: {  	vm15 =	vlt.u32 v27, v7;
	(erf) = vrcp.f32 v63;
	v62 =	vadd.f32 v34, v35  }
0x375: {  	vm6 =	vmmov vm3;
	v10 =	vadd.f32 v10, v28;
	v28 =	vmul.f32 $5.000000000e-01, v61  }
0x376: {  	vm7 =	vmmov vm2;
	vm8 =	vmmov vm1;
	v4 =	vmul.f32 $5.000000000e-01, v62  }
0x377: {  	vm9 =	vlt.u32 v5, v3;
	vm11 =	vlt.u32 v19, v3;
	(erf) = vrcp.f32 v28  }
0x378: {  	vm14 =	vlt.u32 v27, v3;
	vm2 =	vmmov vm15;
	(erf) = vrcp.f32 v4  }
0x379: {  	vm3 =	vmand vm9, vm0;
	vm12 =	vmmov vm8;
	v23 =	vmul.f32 $5.000000000e-01, v23  }
0x37a: {  	vm10 =	vmmov vm7;
	vm13 =	vmmov vm2;
	vm7 =	vmmov vm12  }
0x37b: {  	v23 =	vnsel vm4, $0x0, v23;
	v10 =	vmul.f32 $5.000000000e-01, v10;
	v14 =	vmul.f32 v48, v14  }
0x37c: {  	vm4 =	vmand vm5, vm0;
	vm5 =	vmand vm11, vm0;
	v40 =	vmul.f32 v58, v30  }
0x37d: {  	v10 =	vnsel vm4, $0x0, v10;
	v43 =	vpop (erf);
	v33 =	vmul.f32 v49, v21;
	v35 =	vadd.f32 v14, v31  }
0x37e: {  	v39 =	vmul.f32 v57, v20;
	v42 =	vadd.f32 v40, v12;
	v12 =	vmul.f32 v43, v25  }
0x37f: {  	v34 =	vadd.f32 v10, v22;
	v36 =	vadd.f32 v33, v15;
	v10 =	vmul.f32 $5.000000000e-01, v35  }
0x380: {  	v8 =	vadd.f32 v23, v8;
	v41 =	vadd.f32 v39, v29;
	v7 =	vmul.f32 $5.000000000e-01, v42;
	v44 =	vpop (erf)  }
0x381: {  	v12 =	vadd.f32 v12, v63;
	v37 =	vmul.f32 $5.000000000e-01, v36;
	v10 =	vnsel vm6, $0x0, v10;
	v45 =	vpop (erf)  }
0x382: {  	v8 =	vadd.f32 v10, v8;
	v10 =	vmul.f32 $5.000000000e-01, v41;
	v15 =	vmul.f32 v45, v16  }
0x383: {  	v7 =	vnsel vm5, $0x0, v7;
	v46 =	vmul.f32 $5.000000000e-01, v12;
	v13 =	vmul.f32 v44, v13  }
0x384: {  	vm6 =	vmmov vm13;
	v10 =	vnsel vm10, $0x0, v10;
	v4 =	vadd.f32 v15, v4  }
0x385: {  	v5 =	vnsel vm3, $0x0, v37;
	v8 =	vadd.f32 v10, v8;
	v47 =	vadd.f32 v13, v28  }
0x386: {  	v5 =	vadd.f32 v5, v34;
	v10 =	vnsel vm7, $0x0, v46;
	v48 =	vmul.f32 $5.000000000e-01, v4  }
0x387: {  	vm6 =	vmmov vm6;
	v8 =	vadd.f32 v10, v8;
	v49 =	vmul.f32 $5.000000000e-01, v47  }
0x388: {  	vm15 =	vmand vm14, vm0;
	v5 =	vadd.f32 v7, v5;
	v3 =	vnsel vm6, $0x0, v48  }
0x389: {  	v2 =	vnsel vm4, $0x0, v2;
	v4 =	vnsel vm15, $0x0, v49;
	v3 =	vadd.f32 v3, v8  }
0x38a: {  	v2 =	vadd.f32 v2, v18;
	v4 =	vadd.f32 v4, v5  }
0x38b: {  	v50 =	vnsel vm3, $0x0, v6;
	(xrf2) =	vadd.scan.msk.f32 $0xffff, v3  }
0x38c: {  	v51 =	vnsel vm1, $0x0, v26;
	v2 =	vadd.f32 v50, v2;
	(xrf2) =	vadd.scan.msk.f32 $0xffff, v4  }
0x38d: {  	v52 =	vnsel vm5, $0x0, v24;
	v3 =	vadd.f32 v51, v17  }
0x38e: {  	v53 =	vnsel vm2, $0x0, v11;
	v2 =	vadd.f32 v52, v2  }
0x38f: {  	v54 =	vnsel vm15, $0x0, v9;
	v3 =	vadd.f32 v53, v3  }
0x390: {  	v2 =	vadd.f32 v54, v2  }
0x391: {  	(xrf2) =	vadd.scan.msk.f32 $0xffff, v3  }
0x392: {  	(xrf2) =	vadd.scan.msk.f32 $0xffff, v2;
	_ =	sdelay $0x2  }
0x393: {  	v55, _, _ =	vpop (xrf2)  }
0x394: {  	v56, _, _ =	vpop (xrf2);
	(v2sf) =	vpush v55, $0xF  }
0x395: {  	(v2sf) =	vpush v56, $0xF;
	_ =	sdelay $0x3  }
0x396: {  	v57, _, _ =	vpop (xrf2)  }
0x397: {  	(v2sf) =	vpush v57, $0xF;
	v58, _, _ =	vpop (xrf2)  }
0x398: {  	(v2sf) =	vpush v58, $0xF;
	_ =	sdelay $0x7  }
0x399: {  	s24 =	spop (v2sf)  }
0x39a: {  	s25 =	spop (v2sf)  }
0x39b: {  	s2 =	sadd.f32 s25, s24;
	_ =	sdelay $0x1  }
0x39c: {  	v1 =	vmul.f32 s2, v1;
	_ =	sdelay $0x1  }
0x39d: {  	s26 =	spop (v2sf);
	v59 =	vmul.f32 $-1.900000000e+02, v1  }
0x39e: {  	s28 =	spop (v2sf)  }
0x39f: {  	s2 =	sadd.f32 s28, s26;
	v1 =	vmul.f32 v59, v1;
	_ =	sdelay $0x1  }
0x3a0: {  	v1 =	vadd.f32 s2, v1;
	_ =	sdelay $0x1  }
0x3a1: {  	v0 =	vmul.f32 v1, v0;
	_ =	sdelay $0x1  }
0x3a2: {  	v0 =	vmax.f32 v0, $1.000000000e-30  }
0x3a3: {  	v60 =	vshra.s32 v0, $0x1  }
0x3a4: {  	v1 =	vadd.s32 $0x1FBD1DF5, v60  }
0x3a5: {  	(erf) = vrcp.f32 v1;
	_ =	sdelay $0x8  }
0x3a6: {  	v61 =	vpop (erf)  }
0x3a7: {  	v2 =	vmul.f32 v61, v0;
	_ =	sdelay $0x1  }
0x3a8: {  	v1 =	vadd.f32 v1, v2;
	_ =	sdelay $0x1  }
0x3a9: {  	v1 =	vmul.f32 $5.000000000e-01, v1;
	_ =	sdelay $0x1  }
0x3aa: {  	(erf) = vrcp.f32 v1;
	_ =	sdelay $0x8  }
0x3ab: {  	v62 =	vpop (erf)  }
0x3ac: {  	v2 =	vmul.f32 v62, v0;
	_ =	sdelay $0x1  }
0x3ad: {  	v1 =	vadd.f32 v2, v1;
	_ =	sdelay $0x1  }
0x3ae: {  	v1 =	vmul.f32 $5.000000000e-01, v1;
	_ =	sdelay $0x1  }
0x3af: {  	(erf) = vrcp.f32 v1;
	_ =	sdelay $0x8  }
0x3b0: {  	v63 =	vpop (erf)  }
0x3b1: {  	v0 =	vmul.f32 v63, v0;
	_ =	sdelay $0x1  }
0x3b2: {  	v0 =	vadd.f32 v0, v1;
	_ =	sdelay $0x1  }
0x3b3: {  	v0 =	vmul.f32 $5.000000000e-01, v0;
	_ =	sdelay $0x1  }
0x3b4: {  	v0 =	vmul.f32 $9.999999770e-03, v0;
	_ =	sdelay $0x1  }
0x3b5: {  	s29 =	simm.s32 $0x0;
	s30 =	simm.s32 $0x3380;
	s31 =	simm.s32 $0x1;
	[tilespmem:$0x3380] =	vst v0  }
0x3b6: {  	[hbm4b:s1+s29] =	stream.linear.scatter [tilespmem:s30], [sflag:$0x1], $0x80, $0x38;
	[tilespmem:$0x3480] =	vst v63  }
0x3b7: {  	_ =	swait.ge [sflag:s31], $0x80  }
0x3b8: {  	[sflag:s31] =	ssyncset.done $0x0  }
0x3b9: {  	[sflag:s31] =	ssyncadd.s32 $0xFFFFFF80  }
0x3ba: {  	_ =	sfence.sel $0x180000  }
0x3bb: {  	[bflag:$0x0] =	sbarrier.arrive $0xFFFF  }
0x3bc: {  	_ =	strace $0x90000047  }
0x3bd: {  	s0 =	sadd.s32 $0x100000, s0;
	[bflag:$0x2] =	sbarrier.arrive $0xFFFF  }
0x3be: {  	[sflag:s0] =	ssyncadd.tile.s32 $0x1;
	_ =	shalt  }
.Lfunc_end2:
_tile_overlayer_lowered:
.L_overlay_start_2:
0x3bf: {  	(tag) =	ssettag $0x2  }
0x3c0: {  	s0 =	rddreg [dreg:$0x0];
	s2 =	stileid.u32  }
0x3c1: {  	s1 =	rddreg [dreg:$0x1];
	p0 =	sne.s32 s2, $0x0  }
0x3c2: {  	s3 =	rddreg [dreg:$0x2];
	[bflag:$0x3] =	sbarrier.arrive $0xFFFF;
	s2 =	simm.s32 @!p0 $0x1C01  }
0x3c3: {  	[timem:s3], [sflag:s2] =	dma.local @!p0 [hbm:s0], s1  }
0x3c4: {  	s0 =	simm.s32 @!p0 $0x1  }
0x3c5: {  	_ =	swait.ge @!p0 [sflag:s0], s1  }
0x3c6: {  	s1 =	ssub.s32 @!p0 $0x0, s1;
	[sflag:s0] =	ssyncset.done @!p0 $0x0  }
0x3c7: {  	[sflag:s0] =	ssyncadd.s32 @!p0 s1  }
0x3c8: {  	[bflag:$0x3] =	sbarrier.arrive $0xFFFF  }
0x3c9: {  	_ =	shalt  }

</sc_bundles>
